<compile_context>
chip_gen: v7x
topology: tpu7x:2x2x1
jax: 0.10.2.dev20260603
libtpu: 0.0.44.dev20260713+nightly
codegen_flags: <defaults>
</compile_context>

<pallas_src>
import functools

import jax
import jax.numpy as jnp
from jax import lax
from jax.experimental import pallas as pl
from jax.experimental.pallas import tpu as pltpu
from jax.experimental.pallas import tpu_sc as plsc

N = 10000
D = 128
N_CLASSES = 40
N_ACC = 10240
K = 128
NW = 32
E_ROWS = 2560
ROWS_PER_W = E_ROWS // NW
N_TILES = 16
TILE_ROWS = N_ACC // N_TILES
DEG_W = 128


def _zero_fill(ref, rows, width):
    zv = jnp.zeros((16,), jnp.float32)

    def body(i, carry):
        for j in range(width // 16):
            ref[i, pl.ds(j * 16, 16)] = zv
        return carry

    lax.fori_loop(0, rows, body, 0)


def _sc_mesh():
    return plsc.VectorSubcoreMesh(
        core_axis_name="c", subcore_axis_name="s", num_cores=2, num_subcores=16
    )


def _sc_degree(dst2d, ones2d):

    @functools.partial(
        pl.kernel,
        out_type=jax.ShapeDtypeStruct((2, N_ACC, DEG_W), jnp.float32),
        mesh=_sc_mesh(),
        scratch_types=[
            pltpu.VMEM((2, K), jnp.int32),
            pltpu.VMEM((K, DEG_W), jnp.float32),
            pltpu.VMEM((K, DEG_W), jnp.float32),
            pltpu.VMEM_SHARED((N_ACC, DEG_W), jnp.float32),
            [pltpu.SemaphoreType.DMA] * 2,
        ],
    )
    def deg_kernel(dst_hbm, ones_hbm, out_hbm, di, zbuf, obuf, acc, ssems):
        c = lax.axis_index("c")
        s = lax.axis_index("s")
        wid = s * 2 + c
        base = wid * ROWS_PER_W
        tbase = s * TILE_ROWS

        _zero_fill(zbuf, K, DEG_W)
        pltpu.sync_copy(ones_hbm, obuf)

        def zacc(t, carry):
            pltpu.sync_copy(zbuf, acc.at[pl.ds(tbase + t * K, K)])
            return carry

        lax.fori_loop(0, TILE_ROWS // K, zacc, 0)
        plsc.subcore_barrier()

        def swait(b):
            pltpu.make_async_copy(ones_hbm, obuf, ssems[b]).wait()

        def body(g, carry):
            t = g * 2
            for b in range(2):
                @pl.when(g > 0)
                def _():
                    swait(b)

                pltpu.sync_copy(dst_hbm.at[base + t + b], di.at[b])
                pltpu.async_copy(obuf, acc.at[di.at[b]], ssems[b], add=True)
            return carry

        lax.fori_loop(0, ROWS_PER_W // 2, body, 0)
        for b in range(2):
            swait(b)
        plsc.subcore_barrier()

        def wout(t, carry):
            r = tbase + t * K
            pltpu.sync_copy(acc.at[pl.ds(r, K)], out_hbm.at[c, pl.ds(r, K)])
            return carry

        lax.fori_loop(0, TILE_ROWS // K, wout, 0)

    return deg_kernel(dst2d, ones2d)


def _sc_aggregate(y, src2d, dst2d, d=D):

    @functools.partial(
        pl.kernel,
        out_type=jax.ShapeDtypeStruct((2, N_ACC, d), jnp.float32),
        mesh=_sc_mesh(),
        scratch_types=[
            pltpu.VMEM((2, K), jnp.int32),
            pltpu.VMEM((2, K), jnp.int32),
            pltpu.VMEM((K, d), jnp.float32),
            pltpu.VMEM((K, d), jnp.float32),
            pltpu.VMEM_SHARED((N_ACC, d), jnp.float32),
            [pltpu.SemaphoreType.DMA] * 2,
            [pltpu.SemaphoreType.DMA] * 2,
        ],
    )
    def agg_kernel(y_hbm, src_hbm, dst_hbm, out_hbm, si, di,
                   rows0, rows1, acc, gsems, ssems):
        c = lax.axis_index("c")
        s = lax.axis_index("s")
        wid = s * 2 + c
        base = wid * ROWS_PER_W
        tbase = s * TILE_ROWS
        rows = (rows0, rows1)

        _zero_fill(rows0, K, d)

        def zacc(t, carry):
            pltpu.sync_copy(rows0, acc.at[pl.ds(tbase + t * K, K)])
            return carry

        lax.fori_loop(0, TILE_ROWS // K, zacc, 0)
        plsc.subcore_barrier()

        def lwait(sem, b):
            pltpu.make_async_copy(y_hbm.at[pl.ds(0, K)], rows[b], sem).wait()

        def body(g, carry):
            t = g * 2
            for b in range(2):
                pltpu.sync_copy(src_hbm.at[base + t + b], si.at[b])

                @pl.when(g > 0)
                def _():
                    lwait(ssems[b], b)

                pltpu.async_copy(y_hbm.at[si.at[b]], rows[b], gsems[b])
                pltpu.sync_copy(dst_hbm.at[base + t + b], di.at[b])
            for b in range(2):
                lwait(gsems[b], b)
                pltpu.async_copy(rows[b], acc.at[di.at[b]], ssems[b],
                                 add=True)
            return carry

        lax.fori_loop(0, ROWS_PER_W // 2, body, 0)
        for b in range(2):
            lwait(ssems[b], b)
        plsc.subcore_barrier()

        def wout(t, carry):
            r = tbase + t * K
            pltpu.sync_copy(acc.at[pl.ds(r, K)], out_hbm.at[c, pl.ds(r, K)])
            return carry

        lax.fori_loop(0, TILE_ROWS // K, wout, 0)

    return agg_kernel(y, src2d, dst2d)



_R = 1024


def _tc_first_kernel(x_ref, w_ref, degp_ref, y_ref, dinv_ref):
    dp = degp_ref[...]
    dinv = lax.rsqrt(dp[0] + dp[1] + 1.0)
    dinv_ref[...] = dinv
    xw = jnp.dot(x_ref[...], w_ref[...], preferred_element_type=jnp.float32)
    y_ref[...] = dinv[:, 0:1] * xw


def _tc_first(x_pad, w0, degp):
    grid = (N_ACC // _R,)
    return pl.pallas_call(
        _tc_first_kernel,
        grid=grid,
        in_specs=[
            pl.BlockSpec((_R, D), lambda i: (i, 0)),
            pl.BlockSpec((D, D), lambda i: (0, 0)),
            pl.BlockSpec((2, _R, DEG_W), lambda i: (0, i, 0)),
        ],
        out_specs=[
            pl.BlockSpec((_R, D), lambda i: (i, 0)),
            pl.BlockSpec((_R, DEG_W), lambda i: (i, 0)),
        ],
        out_shape=[
            jax.ShapeDtypeStruct((N_ACC, D), jnp.float32),
            jax.ShapeDtypeStruct((N_ACC, DEG_W), jnp.float32),
        ],
    )(x_pad, w0, degp)


def _tc_mid_kernel(p_ref, yp_ref, dinv_ref, b_ref, w_ref, o_ref):
    pp = p_ref[...]
    dv = dinv_ref[...][:, 0:1]
    t = dv * (pp[0] + pp[1] + yp_ref[...]) + b_ref[...]
    h = t * jax.nn.sigmoid(t)
    o_ref[...] = dv * jnp.dot(h, w_ref[...], preferred_element_type=jnp.float32)


def _tc_mid(p, y_prev, dinv, b, w):
    grid = (N_ACC // _R,)
    return pl.pallas_call(
        _tc_mid_kernel,
        grid=grid,
        in_specs=[
            pl.BlockSpec((2, _R, D), lambda i: (0, i, 0)),
            pl.BlockSpec((_R, D), lambda i: (i, 0)),
            pl.BlockSpec((_R, DEG_W), lambda i: (i, 0)),
            pl.BlockSpec((1, D), lambda i: (0, 0)),
            pl.BlockSpec((D, D), lambda i: (0, 0)),
        ],
        out_specs=pl.BlockSpec((_R, D), lambda i: (i, 0)),
        out_shape=jax.ShapeDtypeStruct((N_ACC, D), jnp.float32),
    )(p, y_prev, dinv, b, w)


def _tc_final_kernel(p_ref, yp_ref, dinv_ref, b_ref, o_ref):
    pp = p_ref[...]
    dv = dinv_ref[...][:, 0:1]
    t = dv * (pp[0] + pp[1] + yp_ref[...]) + b_ref[...]
    col = lax.broadcasted_iota(jnp.int32, t.shape, 1)
    valid = col < N_CLASSES
    masked = jnp.where(valid, t, -jnp.inf)
    m = jnp.max(masked, axis=1, keepdims=True)
    ssum = jnp.sum(jnp.where(valid, jnp.exp(t - m), 0.0), axis=1, keepdims=True)
    o_ref[...] = t - (jnp.log(ssum) + m)


def _tc_final(p, y_prev, dinv, b):
    grid = (N_ACC // _R,)
    return pl.pallas_call(
        _tc_final_kernel,
        grid=grid,
        in_specs=[
            pl.BlockSpec((2, _R, D), lambda i: (0, i, 0)),
            pl.BlockSpec((_R, D), lambda i: (i, 0)),
            pl.BlockSpec((_R, DEG_W), lambda i: (i, 0)),
            pl.BlockSpec((1, D), lambda i: (0, 0)),
        ],
        out_specs=pl.BlockSpec((_R, D), lambda i: (i, 0)),
        out_shape=jax.ShapeDtypeStruct((N_ACC, D), jnp.float32),
    )(p, y_prev, dinv, b)


def kernel(x, edge_index, W0, b0, W1, b1, W2, b2):
    e = edge_index.shape[1]
    npad = E_ROWS * K - e
    pad_idx = (jnp.arange(npad, dtype=jnp.int32) % (N_ACC - N)) + N
    src2d = jnp.concatenate([edge_index[0], pad_idx]).reshape(E_ROWS, K)
    dst2d = jnp.concatenate([edge_index[1], pad_idx]).reshape(E_ROWS, K)
    x_pad = jnp.pad(x, ((0, N_ACC - N), (0, 0)))
    w2_pad = jnp.pad(W2, ((0, 0), (0, D - N_CLASSES)))
    b0_2d = b0.reshape(1, D)
    b1_2d = b1.reshape(1, D)
    b2_2d = jnp.pad(b2, (0, D - N_CLASSES)).reshape(1, D)

    ones2d = jnp.ones((K, DEG_W), jnp.float32)
    degp = _sc_degree(dst2d, ones2d)
    y0, dinv = _tc_first(x_pad, W0, degp)
    p1 = _sc_aggregate(y0, src2d, dst2d)
    y1 = _tc_mid(p1, y0, dinv, b0_2d, W1)
    p2 = _sc_aggregate(y1, src2d, dst2d)
    y2 = _tc_mid(p2, y1, dinv, b1_2d, w2_pad)
    p3 = _sc_aggregate(y2, src2d, dst2d)
    out = _tc_final(p3, y2, dinv, b2_2d)
    return out[:N, :N_CLASSES]

# --- scband reference (transcript-rebuilt; emitter-appended) ---
"""Pipeline reference for scband-gcn-81973745811568 (READ-ONLY COPY).

The authoritative reference and input builder live on the scoring server;
editing this copy changes nothing except your own understanding.
"""

import jax, jax.numpy as jnp
import numpy as np

N = 10000
E = 320000
D_FEAT = 128
WIDTH = [128, 128]
N_CLASSES = 40


def _glorot(key, fan_in, fan_out):
    limit = jnp.sqrt(6.0 / (fan_in + fan_out))
    return jax.random.uniform(key, (fan_in, fan_out), dtype=jnp.float32, minval=-limit, maxval=limit)


def setup_inputs(seed: int = 0) -> dict:
    key = jax.random.key(seed)
    ks = jax.random.split(key, 8)
    x = jax.random.normal(ks[0], (N, D_FEAT), dtype=jnp.float32)
    edge_index = jax.random.randint(ks[1], (2, E), 0, N, dtype=jnp.int32)
    W0 = _glorot(ks[2], D_FEAT, WIDTH[0])
    b0 = jnp.zeros((WIDTH[0],), dtype=jnp.float32)
    W1 = _glorot(ks[3], WIDTH[0], WIDTH[1])
    b1 = jnp.zeros((WIDTH[1],), dtype=jnp.float32)
    W2 = _glorot(ks[4], WIDTH[1], N_CLASSES)
    b2 = jnp.zeros((N_CLASSES,), dtype=jnp.float32)
    return {"x": x, "edge_index": edge_index, "W0": W0, "b0": b0, "W1": W1, "b1": b1, "W2": W2, "b2": b2}


def _gcn_norm(edge_index, n):
    # add self loops (GCNConv default) + symmetric normalization D^-1/2 (A+I) D^-1/2
    loop = jnp.arange(n, dtype=edge_index.dtype)
    src = jnp.concatenate([edge_index[0], loop])
    dst = jnp.concatenate([edge_index[1], loop])
    ones = jnp.ones(src.shape[0], dtype=jnp.float32)
    deg = jax.ops.segment_sum(ones, dst, num_segments=n)
    dinv = jnp.where(deg > 0, jax.lax.rsqrt(deg), 0.0)
    norm = dinv[src] * dinv[dst]
    return src, dst, norm


def _gcn_layer(x, src, dst, norm, W, b, n):
    xw = x @ W
    msg = xw[src] * norm[:, None]
    out = jax.ops.segment_sum(msg, dst, num_segments=n)
    return out + b


def reference(x, edge_index, W0, b0, W1, b1, W2, b2):
    n = x.shape[0]
    src, dst, norm = _gcn_norm(edge_index, n)
    h = _gcn_layer(x, src, dst, norm, W0, b0, n)
    h = h * jax.nn.sigmoid(h)  # x * sigmoid(x) == SiLU
    h = _gcn_layer(h, src, dst, norm, W1, b1, n)
    h = h * jax.nn.sigmoid(h)
    h = _gcn_layer(h, src, dst, norm, W2, b2, n)
    return jax.nn.log_softmax(h, axis=1)

if __name__ == "__main__":
    import jax
    _d = setup_inputs()
    print(jax.jit(kernel)(*tuple(_d.values())))

</pallas_src>

<mosaic_0001>
#map = affine_map<(d0, d1) -> (0, 0)>
#map1 = affine_map<(d0, d1) -> (0, 0, 0)>
module attributes {stable_mosaic.version = 14 : i64} {
  func.func @agg_kernel(%arg0: i32, %arg1: i32, %arg2: memref<10240x128xf32, #tpu.memory_space<hbm>>, %arg3: memref<2560x128xi32, #tpu.memory_space<hbm>>, %arg4: memref<2560x128xi32, #tpu.memory_space<hbm>>, %arg5: memref<2x10240x128xf32, #tpu.memory_space<hbm>>, %arg6: memref<2x128xi32, #tpu.memory_space<vmem>>, %arg7: memref<2x128xi32, #tpu.memory_space<vmem>>, %arg8: memref<128x128xf32, #tpu.memory_space<vmem>>, %arg9: memref<128x128xf32, #tpu.memory_space<vmem>>, %arg10: memref<10240x128xf32, #tpu.memory_space<vmem_shared>>, %arg11: memref<!tpu.dma_semaphore, #tpu.memory_space<semaphore_mem>>, %arg12: memref<!tpu.dma_semaphore, #tpu.memory_space<semaphore_mem>>, %arg13: memref<!tpu.dma_semaphore, #tpu.memory_space<semaphore_mem>>, %arg14: memref<!tpu.dma_semaphore, #tpu.memory_space<semaphore_mem>>) attributes {dimension_semantics = [#tpu.dimension_semantics<core_parallel>, #tpu.dimension_semantics<subcore_parallel>], iteration_bounds = array<i64: 2, 16>, scalar_prefetch = 0 : i64, scratch_operands = 9 : i64, tpu.core_type = #tpu.core_type<sc_vector_subcore>, window_params = [{transform_indices = #map}, {transform_indices = #map}, {transform_indices = #map}, {transform_indices = #map1}]} {
    %mul3A = arith.constant 2 : i32
    %mul3A_0 = arith.muli %arg1, %mul3A : i32
    %add3A = arith.addi %mul3A_0, %arg0 : i32
    %mul3A_1 = arith.constant 80 : i32
    %mul3A_2 = arith.muli %add3A, %mul3A_1 : i32
    %mul3A_3 = arith.constant 640 : i32
    %mul3A_4 = arith.muli %arg1, %mul3A_3 : i32
    %broadcast_in_dim3A = arith.constant 0.000000e+00 : f32
    %broadcast_in_dim3A_5 = vector.broadcast %broadcast_in_dim3A : f32 to vector<16xf32>
    %scan3A = arith.constant 0 : i32
    %scan3A_6 = arith.constant 0 : i32
    %scan3A_7 = arith.constant 128 : i32
    %scan3A_8 = arith.addi %scan3A_6, %scan3A_7 : i32
    %scan3A_9 = arith.constant 1 : i32
    scf.for %scan3A_41 = %scan3A_6 to %scan3A_8 step %scan3A_9  : i32 {
      %swap3A = arith.index_cast %scan3A_41 : i32 to index
      %swap3A_42 = arith.constant 0 : index
      %swap3A_43 = tpu.vector_load %arg8[%swap3A, %swap3A_42] {strides = array<i32>} : memref<128x128xf32, #tpu.memory_space<vmem>>, vector<1x16xf32>,
      %swap3A_44 = vector.shape_cast %swap3A_43 : vector<1x16xf32> to vector<16xf32>
      %swap3A_45 = vector.shape_cast %broadcast_in_dim3A_5 : vector<16xf32> to vector<1x16xf32>
      tpu.vector_store %arg8[%swap3A, %swap3A_42], %swap3A_45 {strides = array<i32>} : memref<128x128xf32, #tpu.memory_space<vmem>>, vector<1x16xf32>,
      %swap3A_46 = arith.index_cast %scan3A_41 : i32 to index
      %swap3A_47 = arith.constant 16 : index
      %swap3A_48 = tpu.vector_load %arg8[%swap3A_46, %swap3A_47] {strides = array<i32>} : memref<128x128xf32, #tpu.memory_space<vmem>>, vector<1x16xf32>,
      %swap3A_49 = vector.shape_cast %swap3A_48 : vector<1x16xf32> to vector<16xf32>
      %swap3A_50 = vector.shape_cast %broadcast_in_dim3A_5 : vector<16xf32> to vector<1x16xf32>
      tpu.vector_store %arg8[%swap3A_46, %swap3A_47], %swap3A_50 {strides = array<i32>} : memref<128x128xf32, #tpu.memory_space<vmem>>, vector<1x16xf32>,
      %swap3A_51 = arith.index_cast %scan3A_41 : i32 to index
      %swap3A_52 = arith.constant 32 : index
      %swap3A_53 = tpu.vector_load %arg8[%swap3A_51, %swap3A_52] {strides = array<i32>} : memref<128x128xf32, #tpu.memory_space<vmem>>, vector<1x16xf32>,
      %swap3A_54 = vector.shape_cast %swap3A_53 : vector<1x16xf32> to vector<16xf32>
      %swap3A_55 = vector.shape_cast %broadcast_in_dim3A_5 : vector<16xf32> to vector<1x16xf32>
      tpu.vector_store %arg8[%swap3A_51, %swap3A_52], %swap3A_55 {strides = array<i32>} : memref<128x128xf32, #tpu.memory_space<vmem>>, vector<1x16xf32>,
      %swap3A_56 = arith.index_cast %scan3A_41 : i32 to index
      %swap3A_57 = arith.constant 48 : index
      %swap3A_58 = tpu.vector_load %arg8[%swap3A_56, %swap3A_57] {strides = array<i32>} : memref<128x128xf32, #tpu.memory_space<vmem>>, vector<1x16xf32>,
      %swap3A_59 = vector.shape_cast %swap3A_58 : vector<1x16xf32> to vector<16xf32>
      %swap3A_60 = vector.shape_cast %broadcast_in_dim3A_5 : vector<16xf32> to vector<1x16xf32>
      tpu.vector_store %arg8[%swap3A_56, %swap3A_57], %swap3A_60 {strides = array<i32>} : memref<128x128xf32, #tpu.memory_space<vmem>>, vector<1x16xf32>,
      %swap3A_61 = arith.index_cast %scan3A_41 : i32 to index
      %swap3A_62 = arith.constant 64 : index
      %swap3A_63 = tpu.vector_load %arg8[%swap3A_61, %swap3A_62] {strides = array<i32>} : memref<128x128xf32, #tpu.memory_space<vmem>>, vector<1x16xf32>,
      %swap3A_64 = vector.shape_cast %swap3A_63 : vector<1x16xf32> to vector<16xf32>
      %swap3A_65 = vector.shape_cast %broadcast_in_dim3A_5 : vector<16xf32> to vector<1x16xf32>
      tpu.vector_store %arg8[%swap3A_61, %swap3A_62], %swap3A_65 {strides = array<i32>} : memref<128x128xf32, #tpu.memory_space<vmem>>, vector<1x16xf32>,
      %swap3A_66 = arith.index_cast %scan3A_41 : i32 to index
      %swap3A_67 = arith.constant 80 : index
      %swap3A_68 = tpu.vector_load %arg8[%swap3A_66, %swap3A_67] {strides = array<i32>} : memref<128x128xf32, #tpu.memory_space<vmem>>, vector<1x16xf32>,
      %swap3A_69 = vector.shape_cast %swap3A_68 : vector<1x16xf32> to vector<16xf32>
      %swap3A_70 = vector.shape_cast %broadcast_in_dim3A_5 : vector<16xf32> to vector<1x16xf32>
      tpu.vector_store %arg8[%swap3A_66, %swap3A_67], %swap3A_70 {strides = array<i32>} : memref<128x128xf32, #tpu.memory_space<vmem>>, vector<1x16xf32>,
      %swap3A_71 = arith.index_cast %scan3A_41 : i32 to index
      %swap3A_72 = arith.constant 96 : index
      %swap3A_73 = tpu.vector_load %arg8[%swap3A_71, %swap3A_72] {strides = array<i32>} : memref<128x128xf32, #tpu.memory_space<vmem>>, vector<1x16xf32>,
      %swap3A_74 = vector.shape_cast %swap3A_73 : vector<1x16xf32> to vector<16xf32>
      %swap3A_75 = vector.shape_cast %broadcast_in_dim3A_5 : vector<16xf32> to vector<1x16xf32>
      tpu.vector_store %arg8[%swap3A_71, %swap3A_72], %swap3A_75 {strides = array<i32>} : memref<128x128xf32, #tpu.memory_space<vmem>>, vector<1x16xf32>,
      %swap3A_76 = arith.index_cast %scan3A_41 : i32 to index
      %swap3A_77 = arith.constant 112 : index
      %swap3A_78 = tpu.vector_load %arg8[%swap3A_76, %swap3A_77] {strides = array<i32>} : memref<128x128xf32, #tpu.memory_space<vmem>>, vector<1x16xf32>,
      %swap3A_79 = vector.shape_cast %swap3A_78 : vector<1x16xf32> to vector<16xf32>
      %swap3A_80 = vector.shape_cast %broadcast_in_dim3A_5 : vector<16xf32> to vector<1x16xf32>
      tpu.vector_store %arg8[%swap3A_76, %swap3A_77], %swap3A_80 {strides = array<i32>} : memref<128x128xf32, #tpu.memory_space<vmem>>, vector<1x16xf32>,
    }
    %scan3A_10 = arith.constant 128 : i32
    %scan3A_11 = arith.constant 0 : i32
    %scan3A_12 = arith.constant 0 : i32
    %scan3A_13 = arith.constant 5 : i32
    %scan3A_14 = arith.addi %scan3A_12, %scan3A_13 : i32
    %scan3A_15 = arith.constant 1 : i32
    scf.for %scan3A_41 = %scan3A_12 to %scan3A_14 step %scan3A_15  : i32 {
      %mul3A_42 = arith.constant 128 : i32
      %mul3A_43 = arith.muli %scan3A_41, %mul3A_42 : i32
      %add3A_44 = arith.addi %mul3A_4, %mul3A_43 : i32
      "tpu.region"() ({
        %run_scoped3A = tpu.sem_alloc : memref<!tpu.dma_semaphore, #tpu.memory_space<semaphore_mem>>
        %dma_start3A = arith.constant 0 : i32
        %dma_start3A_45 = tpu.memref_slice %arg10[%add3A_44, %dma_start3A] : memref<10240x128xf32, #tpu.memory_space<vmem_shared>> -> memref<128x128xf32, #tpu.memory_space<vmem_shared>>
        %dma_start3A_46 = arith.constant 0 : i32
        %dma_start3A_47 = tpu.memref_slice %arg10[%add3A_44, %dma_start3A_46] : memref<10240x128xf32, #tpu.memory_space<vmem_shared>> -> memref<128x128xf32, #tpu.memory_space<vmem_shared>>
        tpu.enqueue_dma source(%arg8 : memref<128x128xf32, #tpu.memory_space<vmem>>) target(%dma_start3A_47 : memref<128x128xf32, #tpu.memory_space<vmem_shared>>) target_semaphore(%run_scoped3A : memref<!tpu.dma_semaphore, #tpu.memory_space<semaphore_mem>>)
        %dma_wait3A_48 = arith.constant 0 : i32
        %dma_wait3A_49 = tpu.memref_slice %arg10[%add3A_44, %dma_wait3A_48] : memref<10240x128xf32, #tpu.memory_space<vmem_shared>> -> memref<128x128xf32, #tpu.memory_space<vmem_shared>>
        %dma_wait3A_50 = arith.constant 0 : i32
        %dma_wait3A_51 = tpu.memref_slice %arg10[%add3A_44, %dma_wait3A_50] : memref<10240x128xf32, #tpu.memory_space<vmem_shared>> -> memref<128x128xf32, #tpu.memory_space<vmem_shared>>
        tpu.wait_dma2 semaphore(%run_scoped3A : memref<!tpu.dma_semaphore, #tpu.memory_space<semaphore_mem>>) src(%arg8 : memref<128x128xf32, #tpu.memory_space<vmem>>) dst(%dma_wait3A_51 : memref<128x128xf32, #tpu.memory_space<vmem_shared>>)
        tpu.yield
      }) : () -> ()
    }
    %scan3A_16 = arith.constant 5 : i32
    %barrier3A = arith.constant 0 : index
    tpu.barrier barrier_id(%barrier3A)
    %scan3A_17 = arith.constant 0 : i32
    %scan3A_18 = arith.constant 0 : i32
    %scan3A_19 = arith.constant 40 : i32
    %scan3A_20 = arith.addi %scan3A_18, %scan3A_19 : i32
    %scan3A_21 = arith.constant 1 : i32
    scf.for %scan3A_41 = %scan3A_18 to %scan3A_20 step %scan3A_21  : i32 {
      %mul3A_42 = arith.constant 2 : i32
      %mul3A_43 = arith.muli %scan3A_41, %mul3A_42 : i32
      %add3A_44 = arith.addi %mul3A_2, %mul3A_43 : i32
      %add3A_45 = arith.constant 0 : i32
      %add3A_46 = arith.addi %add3A_44, %add3A_45 : i32
      %run_scoped3A = arith.constant 0 : i32
      "tpu.region"() ({
        %run_scoped3A_105 = tpu.sem_alloc : memref<!tpu.dma_semaphore, #tpu.memory_space<semaphore_mem>>
        %dma_start3A_106 = arith.constant 0 : i32
        %dma_start3A_107 = tpu.memref_slice %arg6[%run_scoped3A, %dma_start3A_106] : memref<2x128xi32, #tpu.memory_space<vmem>> -> memref<1x128xi32, #tpu.memory_space<vmem>>
        %dma_start3A_108 = tpu.memref_squeeze %dma_start3A_107 : memref<1x128xi32, #tpu.memory_space<vmem>> -> memref<128xi32, #tpu.memory_space<vmem>>
        %dma_start3A_109 = arith.constant 0 : i32
        %dma_start3A_110 = tpu.memref_slice %arg3[%add3A_46, %dma_start3A_109] : memref<2560x128xi32, #tpu.memory_space<hbm>> -> memref<1x128xi32, #tpu.memory_space<hbm>>
        %dma_start3A_111 = tpu.memref_squeeze %dma_start3A_110 : memref<1x128xi32, #tpu.memory_space<hbm>> -> memref<128xi32, #tpu.memory_space<hbm>>
        %dma_start3A_112 = arith.constant 0 : i32
        %dma_start3A_113 = tpu.memref_slice %arg6[%run_scoped3A, %dma_start3A_112] : memref<2x128xi32, #tpu.memory_space<vmem>> -> memref<1x128xi32, #tpu.memory_space<vmem>>
        %dma_start3A_114 = tpu.memref_squeeze %dma_start3A_113 : memref<1x128xi32, #tpu.memory_space<vmem>> -> memref<128xi32, #tpu.memory_space<vmem>>
        %dma_start3A_115 = arith.constant 0 : i32
        %dma_start3A_116 = tpu.memref_slice %arg3[%add3A_46, %dma_start3A_115] : memref<2560x128xi32, #tpu.memory_space<hbm>> -> memref<1x128xi32, #tpu.memory_space<hbm>>
        %dma_start3A_117 = tpu.memref_squeeze %dma_start3A_116 : memref<1x128xi32, #tpu.memory_space<hbm>> -> memref<128xi32, #tpu.memory_space<hbm>>
        tpu.enqueue_dma source(%dma_start3A_117 : memref<128xi32, #tpu.memory_space<hbm>>) target(%dma_start3A_114 : memref<128xi32, #tpu.memory_space<vmem>>) target_semaphore(%run_scoped3A_105 : memref<!tpu.dma_semaphore, #tpu.memory_space<semaphore_mem>>)
        %dma_wait3A_118 = arith.constant 0 : i32
        %dma_wait3A_119 = tpu.memref_slice %arg6[%run_scoped3A, %dma_wait3A_118] : memref<2x128xi32, #tpu.memory_space<vmem>> -> memref<1x128xi32, #tpu.memory_space<vmem>>
        %dma_wait3A_120 = tpu.memref_squeeze %dma_wait3A_119 : memref<1x128xi32, #tpu.memory_space<vmem>> -> memref<128xi32, #tpu.memory_space<vmem>>
        %dma_wait3A_121 = arith.constant 0 : i32
        %dma_wait3A_122 = tpu.memref_slice %arg3[%add3A_46, %dma_wait3A_121] : memref<2560x128xi32, #tpu.memory_space<hbm>> -> memref<1x128xi32, #tpu.memory_space<hbm>>
        %dma_wait3A_123 = tpu.memref_squeeze %dma_wait3A_122 : memref<1x128xi32, #tpu.memory_space<hbm>> -> memref<128xi32, #tpu.memory_space<hbm>>
        %dma_wait3A_124 = arith.constant 0 : i32
        %dma_wait3A_125 = tpu.memref_slice %arg6[%run_scoped3A, %dma_wait3A_124] : memref<2x128xi32, #tpu.memory_space<vmem>> -> memref<1x128xi32, #tpu.memory_space<vmem>>
        %dma_wait3A_126 = tpu.memref_squeeze %dma_wait3A_125 : memref<1x128xi32, #tpu.memory_space<vmem>> -> memref<128xi32, #tpu.memory_space<vmem>>
        %dma_wait3A_127 = arith.constant 0 : i32
        %dma_wait3A_128 = tpu.memref_slice %arg3[%add3A_46, %dma_wait3A_127] : memref<2560x128xi32, #tpu.memory_space<hbm>> -> memref<1x128xi32, #tpu.memory_space<hbm>>
        %dma_wait3A_129 = tpu.memref_squeeze %dma_wait3A_128 : memref<1x128xi32, #tpu.memory_space<hbm>> -> memref<128xi32, #tpu.memory_space<hbm>>
        tpu.wait_dma2 semaphore(%run_scoped3A_105 : memref<!tpu.dma_semaphore, #tpu.memory_space<semaphore_mem>>) src(%dma_wait3A_129 : memref<128xi32, #tpu.memory_space<hbm>>) dst(%dma_wait3A_126 : memref<128xi32, #tpu.memory_space<vmem>>)
        tpu.yield
      }) : () -> ()
      %gt3A = arith.constant 0 : i32
      %gt3A_47 = arith.cmpi sgt, %scan3A_41, %gt3A : i32
      %convert_element_type3A = arith.extui %gt3A_47 : i1 to i32
      %cond3A = arith.constant 0 : i32
      %cond3A_48 = arith.cmpi ne, %convert_element_type3A, %cond3A : i32
      scf.if %cond3A_48 {
        %dma_wait3A_105 = arith.constant 0 : i32
        %dma_wait3A_106 = arith.constant 0 : i32
        %dma_wait3A_107 = tpu.memref_slice %arg2[%dma_wait3A_105, %dma_wait3A_106] : memref<10240x128xf32, #tpu.memory_space<hbm>> -> memref<128x128xf32, #tpu.memory_space<hbm>>
        %dma_wait3A_108 = arith.constant 0 : i32
        %dma_wait3A_109 = arith.constant 0 : i32
        %dma_wait3A_110 = tpu.memref_slice %arg2[%dma_wait3A_108, %dma_wait3A_109] : memref<10240x128xf32, #tpu.memory_space<hbm>> -> memref<128x128xf32, #tpu.memory_space<hbm>>
        tpu.wait_dma2 semaphore(%arg13 : memref<!tpu.dma_semaphore, #tpu.memory_space<semaphore_mem>>) src(%dma_wait3A_110 : memref<128x128xf32, #tpu.memory_space<hbm>>) dst(%arg8 : memref<128x128xf32, #tpu.memory_space<vmem>>)
      } else {
      }
      %dma_start3A = arith.constant 0 : i32
      %dma_start3A_49 = arith.constant 0 : i32
      %dma_start3A_50 = tpu.memref_slice %arg6[%dma_start3A, %dma_start3A_49] : memref<2x128xi32, #tpu.memory_space<vmem>> -> memref<1x128xi32, #tpu.memory_space<vmem>>
      %dma_start3A_51 = tpu.memref_squeeze %dma_start3A_50 : memref<1x128xi32, #tpu.memory_space<vmem>> -> memref<128xi32, #tpu.memory_space<vmem>>
      %dma_start3A_52 = arith.constant 0 : i32
      %dma_start3A_53 = arith.constant 0 : i32
      %dma_start3A_54 = tpu.memref_slice %arg2[%dma_start3A_52, %dma_start3A_53] : memref<10240x128xf32, #tpu.memory_space<hbm>> -> memref<10240x128xf32, #tpu.memory_space<hbm>>
      tpu.enqueue_indirect_dma source(%dma_start3A_54 : memref<10240x128xf32, #tpu.memory_space<hbm>>) target(%arg8 : memref<128x128xf32, #tpu.memory_space<vmem>>) offsets(%dma_start3A_51 : memref<128xi32, #tpu.memory_space<vmem>>) semaphore(%arg11 : memref<!tpu.dma_semaphore, #tpu.memory_space<semaphore_mem>>)
      %add3A_55 = arith.addi %mul3A_2, %mul3A_43 : i32
      %add3A_56 = arith.constant 0 : i32
      %add3A_57 = arith.addi %add3A_55, %add3A_56 : i32
      %run_scoped3A_58 = arith.constant 0 : i32
      "tpu.region"() ({
        %run_scoped3A_105 = tpu.sem_alloc : memref<!tpu.dma_semaphore, #tpu.memory_space<semaphore_mem>>
        %dma_start3A_106 = arith.constant 0 : i32
        %dma_start3A_107 = tpu.memref_slice %arg7[%run_scoped3A_58, %dma_start3A_106] : memref<2x128xi32, #tpu.memory_space<vmem>> -> memref<1x128xi32, #tpu.memory_space<vmem>>
        %dma_start3A_108 = tpu.memref_squeeze %dma_start3A_107 : memref<1x128xi32, #tpu.memory_space<vmem>> -> memref<128xi32, #tpu.memory_space<vmem>>
        %dma_start3A_109 = arith.constant 0 : i32
        %dma_start3A_110 = tpu.memref_slice %arg4[%add3A_57, %dma_start3A_109] : memref<2560x128xi32, #tpu.memory_space<hbm>> -> memref<1x128xi32, #tpu.memory_space<hbm>>
        %dma_start3A_111 = tpu.memref_squeeze %dma_start3A_110 : memref<1x128xi32, #tpu.memory_space<hbm>> -> memref<128xi32, #tpu.memory_space<hbm>>
        %dma_start3A_112 = arith.constant 0 : i32
        %dma_start3A_113 = tpu.memref_slice %arg7[%run_scoped3A_58, %dma_start3A_112] : memref<2x128xi32, #tpu.memory_space<vmem>> -> memref<1x128xi32, #tpu.memory_space<vmem>>
        %dma_start3A_114 = tpu.memref_squeeze %dma_start3A_113 : memref<1x128xi32, #tpu.memory_space<vmem>> -> memref<128xi32, #tpu.memory_space<vmem>>
        %dma_start3A_115 = arith.constant 0 : i32
        %dma_start3A_116 = tpu.memref_slice %arg4[%add3A_57, %dma_start3A_115] : memref<2560x128xi32, #tpu.memory_space<hbm>> -> memref<1x128xi32, #tpu.memory_space<hbm>>
        %dma_start3A_117 = tpu.memref_squeeze %dma_start3A_116 : memref<1x128xi32, #tpu.memory_space<hbm>> -> memref<128xi32, #tpu.memory_space<hbm>>
        tpu.enqueue_dma source(%dma_start3A_117 : memref<128xi32, #tpu.memory_space<hbm>>) target(%dma_start3A_114 : memref<128xi32, #tpu.memory_space<vmem>>) target_semaphore(%run_scoped3A_105 : memref<!tpu.dma_semaphore, #tpu.memory_space<semaphore_mem>>)
        %dma_wait3A_118 = arith.constant 0 : i32
        %dma_wait3A_119 = tpu.memref_slice %arg7[%run_scoped3A_58, %dma_wait3A_118] : memref<2x128xi32, #tpu.memory_space<vmem>> -> memref<1x128xi32, #tpu.memory_space<vmem>>
        %dma_wait3A_120 = tpu.memref_squeeze %dma_wait3A_119 : memref<1x128xi32, #tpu.memory_space<vmem>> -> memref<128xi32, #tpu.memory_space<vmem>>
        %dma_wait3A_121 = arith.constant 0 : i32
        %dma_wait3A_122 = tpu.memref_slice %arg4[%add3A_57, %dma_wait3A_121] : memref<2560x128xi32, #tpu.memory_space<hbm>> -> memref<1x128xi32, #tpu.memory_space<hbm>>
        %dma_wait3A_123 = tpu.memref_squeeze %dma_wait3A_122 : memref<1x128xi32, #tpu.memory_space<hbm>> -> memref<128xi32, #tpu.memory_space<hbm>>
        %dma_wait3A_124 = arith.constant 0 : i32
        %dma_wait3A_125 = tpu.memref_slice %arg7[%run_scoped3A_58, %dma_wait3A_124] : memref<2x128xi32, #tpu.memory_space<vmem>> -> memref<1x128xi32, #tpu.memory_space<vmem>>
        %dma_wait3A_126 = tpu.memref_squeeze %dma_wait3A_125 : memref<1x128xi32, #tpu.memory_space<vmem>> -> memref<128xi32, #tpu.memory_space<vmem>>
        %dma_wait3A_127 = arith.constant 0 : i32
        %dma_wait3A_128 = tpu.memref_slice %arg4[%add3A_57, %dma_wait3A_127] : memref<2560x128xi32, #tpu.memory_space<hbm>> -> memref<1x128xi32, #tpu.memory_space<hbm>>
        %dma_wait3A_129 = tpu.memref_squeeze %dma_wait3A_128 : memref<1x128xi32, #tpu.memory_space<hbm>> -> memref<128xi32, #tpu.memory_space<hbm>>
        tpu.wait_dma2 semaphore(%run_scoped3A_105 : memref<!tpu.dma_semaphore, #tpu.memory_space<semaphore_mem>>) src(%dma_wait3A_129 : memref<128xi32, #tpu.memory_space<hbm>>) dst(%dma_wait3A_126 : memref<128xi32, #tpu.memory_space<vmem>>)
        tpu.yield
      }) : () -> ()
      %add3A_59 = arith.addi %mul3A_2, %mul3A_43 : i32
      %add3A_60 = arith.constant 1 : i32
      %add3A_61 = arith.addi %add3A_59, %add3A_60 : i32
      %run_scoped3A_62 = arith.constant 1 : i32
      "tpu.region"() ({
        %run_scoped3A_105 = tpu.sem_alloc : memref<!tpu.dma_semaphore, #tpu.memory_space<semaphore_mem>>
        %dma_start3A_106 = arith.constant 0 : i32
        %dma_start3A_107 = tpu.memref_slice %arg6[%run_scoped3A_62, %dma_start3A_106] : memref<2x128xi32, #tpu.memory_space<vmem>> -> memref<1x128xi32, #tpu.memory_space<vmem>>
        %dma_start3A_108 = tpu.memref_squeeze %dma_start3A_107 : memref<1x128xi32, #tpu.memory_space<vmem>> -> memref<128xi32, #tpu.memory_space<vmem>>
        %dma_start3A_109 = arith.constant 0 : i32
        %dma_start3A_110 = tpu.memref_slice %arg3[%add3A_61, %dma_start3A_109] : memref<2560x128xi32, #tpu.memory_space<hbm>> -> memref<1x128xi32, #tpu.memory_space<hbm>>
        %dma_start3A_111 = tpu.memref_squeeze %dma_start3A_110 : memref<1x128xi32, #tpu.memory_space<hbm>> -> memref<128xi32, #tpu.memory_space<hbm>>
        %dma_start3A_112 = arith.constant 0 : i32
        %dma_start3A_113 = tpu.memref_slice %arg6[%run_scoped3A_62, %dma_start3A_112] : memref<2x128xi32, #tpu.memory_space<vmem>> -> memref<1x128xi32, #tpu.memory_space<vmem>>
        %dma_start3A_114 = tpu.memref_squeeze %dma_start3A_113 : memref<1x128xi32, #tpu.memory_space<vmem>> -> memref<128xi32, #tpu.memory_space<vmem>>
        %dma_start3A_115 = arith.constant 0 : i32
        %dma_start3A_116 = tpu.memref_slice %arg3[%add3A_61, %dma_start3A_115] : memref<2560x128xi32, #tpu.memory_space<hbm>> -> memref<1x128xi32, #tpu.memory_space<hbm>>
        %dma_start3A_117 = tpu.memref_squeeze %dma_start3A_116 : memref<1x128xi32, #tpu.memory_space<hbm>> -> memref<128xi32, #tpu.memory_space<hbm>>
        tpu.enqueue_dma source(%dma_start3A_117 : memref<128xi32, #tpu.memory_space<hbm>>) target(%dma_start3A_114 : memref<128xi32, #tpu.memory_space<vmem>>) target_semaphore(%run_scoped3A_105 : memref<!tpu.dma_semaphore, #tpu.memory_space<semaphore_mem>>)
        %dma_wait3A_118 = arith.constant 0 : i32
        %dma_wait3A_119 = tpu.memref_slice %arg6[%run_scoped3A_62, %dma_wait3A_118] : memref<2x128xi32, #tpu.memory_space<vmem>> -> memref<1x128xi32, #tpu.memory_space<vmem>>
        %dma_wait3A_120 = tpu.memref_squeeze %dma_wait3A_119 : memref<1x128xi32, #tpu.memory_space<vmem>> -> memref<128xi32, #tpu.memory_space<vmem>>
        %dma_wait3A_121 = arith.constant 0 : i32
        %dma_wait3A_122 = tpu.memref_slice %arg3[%add3A_61, %dma_wait3A_121] : memref<2560x128xi32, #tpu.memory_space<hbm>> -> memref<1x128xi32, #tpu.memory_space<hbm>>
        %dma_wait3A_123 = tpu.memref_squeeze %dma_wait3A_122 : memref<1x128xi32, #tpu.memory_space<hbm>> -> memref<128xi32, #tpu.memory_space<hbm>>
        %dma_wait3A_124 = arith.constant 0 : i32
        %dma_wait3A_125 = tpu.memref_slice %arg6[%run_scoped3A_62, %dma_wait3A_124] : memref<2x128xi32, #tpu.memory_space<vmem>> -> memref<1x128xi32, #tpu.memory_space<vmem>>
        %dma_wait3A_126 = tpu.memref_squeeze %dma_wait3A_125 : memref<1x128xi32, #tpu.memory_space<vmem>> -> memref<128xi32, #tpu.memory_space<vmem>>
        %dma_wait3A_127 = arith.constant 0 : i32
        %dma_wait3A_128 = tpu.memref_slice %arg3[%add3A_61, %dma_wait3A_127] : memref<2560x128xi32, #tpu.memory_space<hbm>> -> memref<1x128xi32, #tpu.memory_space<hbm>>
        %dma_wait3A_129 = tpu.memref_squeeze %dma_wait3A_128 : memref<1x128xi32, #tpu.memory_space<hbm>> -> memref<128xi32, #tpu.memory_space<hbm>>
        tpu.wait_dma2 semaphore(%run_scoped3A_105 : memref<!tpu.dma_semaphore, #tpu.memory_space<semaphore_mem>>) src(%dma_wait3A_129 : memref<128xi32, #tpu.memory_space<hbm>>) dst(%dma_wait3A_126 : memref<128xi32, #tpu.memory_space<vmem>>)
        tpu.yield
      }) : () -> ()
      %gt3A_63 = arith.constant 0 : i32
      %gt3A_64 = arith.cmpi sgt, %scan3A_41, %gt3A_63 : i32
      %convert_element_type3A_65 = arith.extui %gt3A_64 : i1 to i32
      %cond3A_66 = arith.constant 0 : i32
      %cond3A_67 = arith.cmpi ne, %convert_element_type3A_65, %cond3A_66 : i32
      scf.if %cond3A_67 {
        %dma_wait3A_105 = arith.constant 0 : i32
        %dma_wait3A_106 = arith.constant 0 : i32
        %dma_wait3A_107 = tpu.memref_slice %arg2[%dma_wait3A_105, %dma_wait3A_106] : memref<10240x128xf32, #tpu.memory_space<hbm>> -> memref<128x128xf32, #tpu.memory_space<hbm>>
        %dma_wait3A_108 = arith.constant 0 : i32
        %dma_wait3A_109 = arith.constant 0 : i32
        %dma_wait3A_110 = tpu.memref_slice %arg2[%dma_wait3A_108, %dma_wait3A_109] : memref<10240x128xf32, #tpu.memory_space<hbm>> -> memref<128x128xf32, #tpu.memory_space<hbm>>
        tpu.wait_dma2 semaphore(%arg14 : memref<!tpu.dma_semaphore, #tpu.memory_space<semaphore_mem>>) src(%dma_wait3A_110 : memref<128x128xf32, #tpu.memory_space<hbm>>) dst(%arg9 : memref<128x128xf32, #tpu.memory_space<vmem>>)
      } else {
      }
      %dma_start3A_68 = arith.constant 1 : i32
      %dma_start3A_69 = arith.constant 0 : i32
      %dma_start3A_70 = tpu.memref_slice %arg6[%dma_start3A_68, %dma_start3A_69] : memref<2x128xi32, #tpu.memory_space<vmem>> -> memref<1x128xi32, #tpu.memory_space<vmem>>
      %dma_start3A_71 = tpu.memref_squeeze %dma_start3A_70 : memref<1x128xi32, #tpu.memory_space<vmem>> -> memref<128xi32, #tpu.memory_space<vmem>>
      %dma_start3A_72 = arith.constant 0 : i32
      %dma_start3A_73 = arith.constant 0 : i32
      %dma_start3A_74 = tpu.memref_slice %arg2[%dma_start3A_72, %dma_start3A_73] : memref<10240x128xf32, #tpu.memory_space<hbm>> -> memref<10240x128xf32, #tpu.memory_space<hbm>>
      tpu.enqueue_indirect_dma source(%dma_start3A_74 : memref<10240x128xf32, #tpu.memory_space<hbm>>) target(%arg9 : memref<128x128xf32, #tpu.memory_space<vmem>>) offsets(%dma_start3A_71 : memref<128xi32, #tpu.memory_space<vmem>>) semaphore(%arg12 : memref<!tpu.dma_semaphore, #tpu.memory_space<semaphore_mem>>)
      %add3A_75 = arith.addi %mul3A_2, %mul3A_43 : i32
      %add3A_76 = arith.constant 1 : i32
      %add3A_77 = arith.addi %add3A_75, %add3A_76 : i32
      %run_scoped3A_78 = arith.constant 1 : i32
      "tpu.region"() ({
        %run_scoped3A_105 = tpu.sem_alloc : memref<!tpu.dma_semaphore, #tpu.memory_space<semaphore_mem>>
        %dma_start3A_106 = arith.constant 0 : i32
        %dma_start3A_107 = tpu.memref_slice %arg7[%run_scoped3A_78, %dma_start3A_106] : memref<2x128xi32, #tpu.memory_space<vmem>> -> memref<1x128xi32, #tpu.memory_space<vmem>>
        %dma_start3A_108 = tpu.memref_squeeze %dma_start3A_107 : memref<1x128xi32, #tpu.memory_space<vmem>> -> memref<128xi32, #tpu.memory_space<vmem>>
        %dma_start3A_109 = arith.constant 0 : i32
        %dma_start3A_110 = tpu.memref_slice %arg4[%add3A_77, %dma_start3A_109] : memref<2560x128xi32, #tpu.memory_space<hbm>> -> memref<1x128xi32, #tpu.memory_space<hbm>>
        %dma_start3A_111 = tpu.memref_squeeze %dma_start3A_110 : memref<1x128xi32, #tpu.memory_space<hbm>> -> memref<128xi32, #tpu.memory_space<hbm>>
        %dma_start3A_112 = arith.constant 0 : i32
        %dma_start3A_113 = tpu.memref_slice %arg7[%run_scoped3A_78, %dma_start3A_112] : memref<2x128xi32, #tpu.memory_space<vmem>> -> memref<1x128xi32, #tpu.memory_space<vmem>>
        %dma_start3A_114 = tpu.memref_squeeze %dma_start3A_113 : memref<1x128xi32, #tpu.memory_space<vmem>> -> memref<128xi32, #tpu.memory_space<vmem>>
        %dma_start3A_115 = arith.constant 0 : i32
        %dma_start3A_116 = tpu.memref_slice %arg4[%add3A_77, %dma_start3A_115] : memref<2560x128xi32, #tpu.memory_space<hbm>> -> memref<1x128xi32, #tpu.memory_space<hbm>>
        %dma_start3A_117 = tpu.memref_squeeze %dma_start3A_116 : memref<1x128xi32, #tpu.memory_space<hbm>> -> memref<128xi32, #tpu.memory_space<hbm>>
        tpu.enqueue_dma source(%dma_start3A_117 : memref<128xi32, #tpu.memory_space<hbm>>) target(%dma_start3A_114 : memref<128xi32, #tpu.memory_space<vmem>>) target_semaphore(%run_scoped3A_105 : memref<!tpu.dma_semaphore, #tpu.memory_space<semaphore_mem>>)
        %dma_wait3A_118 = arith.constant 0 : i32
        %dma_wait3A_119 = tpu.memref_slice %arg7[%run_scoped3A_78, %dma_wait3A_118] : memref<2x128xi32, #tpu.memory_space<vmem>> -> memref<1x128xi32, #tpu.memory_space<vmem>>
        %dma_wait3A_120 = tpu.memref_squeeze %dma_wait3A_119 : memref<1x128xi32, #tpu.memory_space<vmem>> -> memref<128xi32, #tpu.memory_space<vmem>>
        %dma_wait3A_121 = arith.constant 0 : i32
        %dma_wait3A_122 = tpu.memref_slice %arg4[%add3A_77, %dma_wait3A_121] : memref<2560x128xi32, #tpu.memory_space<hbm>> -> memref<1x128xi32, #tpu.memory_space<hbm>>
        %dma_wait3A_123 = tpu.memref_squeeze %dma_wait3A_122 : memref<1x128xi32, #tpu.memory_space<hbm>> -> memref<128xi32, #tpu.memory_space<hbm>>
        %dma_wait3A_124 = arith.constant 0 : i32
        %dma_wait3A_125 = tpu.memref_slice %arg7[%run_scoped3A_78, %dma_wait3A_124] : memref<2x128xi32, #tpu.memory_space<vmem>> -> memref<1x128xi32, #tpu.memory_space<vmem>>
        %dma_wait3A_126 = tpu.memref_squeeze %dma_wait3A_125 : memref<1x128xi32, #tpu.memory_space<vmem>> -> memref<128xi32, #tpu.memory_space<vmem>>
        %dma_wait3A_127 = arith.constant 0 : i32
        %dma_wait3A_128 = tpu.memref_slice %arg4[%add3A_77, %dma_wait3A_127] : memref<2560x128xi32, #tpu.memory_space<hbm>> -> memref<1x128xi32, #tpu.memory_space<hbm>>
        %dma_wait3A_129 = tpu.memref_squeeze %dma_wait3A_128 : memref<1x128xi32, #tpu.memory_space<hbm>> -> memref<128xi32, #tpu.memory_space<hbm>>
        tpu.wait_dma2 semaphore(%run_scoped3A_105 : memref<!tpu.dma_semaphore, #tpu.memory_space<semaphore_mem>>) src(%dma_wait3A_129 : memref<128xi32, #tpu.memory_space<hbm>>) dst(%dma_wait3A_126 : memref<128xi32, #tpu.memory_space<vmem>>)
        tpu.yield
      }) : () -> ()
      %dma_wait3A_79 = arith.constant 0 : i32
      %dma_wait3A_80 = arith.constant 0 : i32
      %dma_wait3A_81 = tpu.memref_slice %arg2[%dma_wait3A_79, %dma_wait3A_80] : memref<10240x128xf32, #tpu.memory_space<hbm>> -> memref<128x128xf32, #tpu.memory_space<hbm>>
      %dma_wait3A_82 = arith.constant 0 : i32
      %dma_wait3A_83 = arith.constant 0 : i32
      %dma_wait3A_84 = tpu.memref_slice %arg2[%dma_wait3A_82, %dma_wait3A_83] : memref<10240x128xf32, #tpu.memory_space<hbm>> -> memref<128x128xf32, #tpu.memory_space<hbm>>
      tpu.wait_dma2 semaphore(%arg11 : memref<!tpu.dma_semaphore, #tpu.memory_space<semaphore_mem>>) src(%dma_wait3A_84 : memref<128x128xf32, #tpu.memory_space<hbm>>) dst(%arg8 : memref<128x128xf32, #tpu.memory_space<vmem>>)
      %dma_start3A_85 = arith.constant 0 : i32
      %dma_start3A_86 = arith.constant 0 : i32
      %dma_start3A_87 = tpu.memref_slice %arg7[%dma_start3A_85, %dma_start3A_86] : memref<2x128xi32, #tpu.memory_space<vmem>> -> memref<1x128xi32, #tpu.memory_space<vmem>>
      %dma_start3A_88 = tpu.memref_squeeze %dma_start3A_87 : memref<1x128xi32, #tpu.memory_space<vmem>> -> memref<128xi32, #tpu.memory_space<vmem>>
      %dma_start3A_89 = arith.constant 0 : i32
      %dma_start3A_90 = arith.constant 0 : i32
      %dma_start3A_91 = tpu.memref_slice %arg10[%dma_start3A_89, %dma_start3A_90] : memref<10240x128xf32, #tpu.memory_space<vmem_shared>> -> memref<10240x128xf32, #tpu.memory_space<vmem_shared>>
      tpu.enqueue_indirect_dma source(%arg8 : memref<128x128xf32, #tpu.memory_space<vmem>>) target(%dma_start3A_91 : memref<10240x128xf32, #tpu.memory_space<vmem_shared>>) offsets(%dma_start3A_88 : memref<128xi32, #tpu.memory_space<vmem>>) semaphore(%arg13 : memref<!tpu.dma_semaphore, #tpu.memory_space<semaphore_mem>>) {add = true}
      %dma_wait3A_92 = arith.constant 0 : i32
      %dma_wait3A_93 = arith.constant 0 : i32
      %dma_wait3A_94 = tpu.memref_slice %arg2[%dma_wait3A_92, %dma_wait3A_93] : memref<10240x128xf32, #tpu.memory_space<hbm>> -> memref<128x128xf32, #tpu.memory_space<hbm>>
      %dma_wait3A_95 = arith.constant 0 : i32
      %dma_wait3A_96 = arith.constant 0 : i32
      %dma_wait3A_97 = tpu.memref_slice %arg2[%dma_wait3A_95, %dma_wait3A_96] : memref<10240x128xf32, #tpu.memory_space<hbm>> -> memref<128x128xf32, #tpu.memory_space<hbm>>
      tpu.wait_dma2 semaphore(%arg12 : memref<!tpu.dma_semaphore, #tpu.memory_space<semaphore_mem>>) src(%dma_wait3A_97 : memref<128x128xf32, #tpu.memory_space<hbm>>) dst(%arg9 : memref<128x128xf32, #tpu.memory_space<vmem>>)
      %dma_start3A_98 = arith.constant 1 : i32
      %dma_start3A_99 = arith.constant 0 : i32
      %dma_start3A_100 = tpu.memref_slice %arg7[%dma_start3A_98, %dma_start3A_99] : memref<2x128xi32, #tpu.memory_space<vmem>> -> memref<1x128xi32, #tpu.memory_space<vmem>>
      %dma_start3A_101 = tpu.memref_squeeze %dma_start3A_100 : memref<1x128xi32, #tpu.memory_space<vmem>> -> memref<128xi32, #tpu.memory_space<vmem>>
      %dma_start3A_102 = arith.constant 0 : i32
      %dma_start3A_103 = arith.constant 0 : i32
      %dma_start3A_104 = tpu.memref_slice %arg10[%dma_start3A_102, %dma_start3A_103] : memref<10240x128xf32, #tpu.memory_space<vmem_shared>> -> memref<10240x128xf32, #tpu.memory_space<vmem_shared>>
      tpu.enqueue_indirect_dma source(%arg9 : memref<128x128xf32, #tpu.memory_space<vmem>>) target(%dma_start3A_104 : memref<10240x128xf32, #tpu.memory_space<vmem_shared>>) offsets(%dma_start3A_101 : memref<128xi32, #tpu.memory_space<vmem>>) semaphore(%arg14 : memref<!tpu.dma_semaphore, #tpu.memory_space<semaphore_mem>>) {add = true}
    }
    %scan3A_22 = arith.constant 40 : i32
    %dma_wait3A = arith.constant 0 : i32
    %dma_wait3A_23 = arith.constant 0 : i32
    %dma_wait3A_24 = tpu.memref_slice %arg2[%dma_wait3A, %dma_wait3A_23] : memref<10240x128xf32, #tpu.memory_space<hbm>> -> memref<128x128xf32, #tpu.memory_space<hbm>>
    %dma_wait3A_25 = arith.constant 0 : i32
    %dma_wait3A_26 = arith.constant 0 : i32
    %dma_wait3A_27 = tpu.memref_slice %arg2[%dma_wait3A_25, %dma_wait3A_26] : memref<10240x128xf32, #tpu.memory_space<hbm>> -> memref<128x128xf32, #tpu.memory_space<hbm>>
    tpu.wait_dma2 semaphore(%arg13 : memref<!tpu.dma_semaphore, #tpu.memory_space<semaphore_mem>>) src(%dma_wait3A_27 : memref<128x128xf32, #tpu.memory_space<hbm>>) dst(%arg8 : memref<128x128xf32, #tpu.memory_space<vmem>>)
    %dma_wait3A_28 = arith.constant 0 : i32
    %dma_wait3A_29 = arith.constant 0 : i32
    %dma_wait3A_30 = tpu.memref_slice %arg2[%dma_wait3A_28, %dma_wait3A_29] : memref<10240x128xf32, #tpu.memory_space<hbm>> -> memref<128x128xf32, #tpu.memory_space<hbm>>
    %dma_wait3A_31 = arith.constant 0 : i32
    %dma_wait3A_32 = arith.constant 0 : i32
    %dma_wait3A_33 = tpu.memref_slice %arg2[%dma_wait3A_31, %dma_wait3A_32] : memref<10240x128xf32, #tpu.memory_space<hbm>> -> memref<128x128xf32, #tpu.memory_space<hbm>>
    tpu.wait_dma2 semaphore(%arg14 : memref<!tpu.dma_semaphore, #tpu.memory_space<semaphore_mem>>) src(%dma_wait3A_33 : memref<128x128xf32, #tpu.memory_space<hbm>>) dst(%arg9 : memref<128x128xf32, #tpu.memory_space<vmem>>)
    %barrier3A_34 = arith.constant 0 : index
    tpu.barrier barrier_id(%barrier3A_34)
    %scan3A_35 = arith.constant 0 : i32
    %scan3A_36 = arith.constant 0 : i32
    %scan3A_37 = arith.constant 5 : i32
    %scan3A_38 = arith.addi %scan3A_36, %scan3A_37 : i32
    %scan3A_39 = arith.constant 1 : i32
    scf.for %scan3A_41 = %scan3A_36 to %scan3A_38 step %scan3A_39  : i32 {
      %mul3A_42 = arith.constant 128 : i32
      %mul3A_43 = arith.muli %scan3A_41, %mul3A_42 : i32
      %add3A_44 = arith.addi %mul3A_4, %mul3A_43 : i32
      "tpu.region"() ({
        %run_scoped3A = tpu.sem_alloc : memref<!tpu.dma_semaphore, #tpu.memory_space<semaphore_mem>>
        %dma_start3A = arith.constant 0 : i32
        %dma_start3A_45 = tpu.memref_slice %arg5[%arg0, %add3A_44, %dma_start3A] : memref<2x10240x128xf32, #tpu.memory_space<hbm>> -> memref<1x128x128xf32, #tpu.memory_space<hbm>>
        %dma_start3A_46 = tpu.memref_squeeze %dma_start3A_45 : memref<1x128x128xf32, #tpu.memory_space<hbm>> -> memref<128x128xf32, #tpu.memory_space<hbm>>
        %dma_start3A_47 = arith.constant 0 : i32
        %dma_start3A_48 = tpu.memref_slice %arg10[%add3A_44, %dma_start3A_47] : memref<10240x128xf32, #tpu.memory_space<vmem_shared>> -> memref<128x128xf32, #tpu.memory_space<vmem_shared>>
        tpu.enqueue_dma source(%dma_start3A_48 : memref<128x128xf32, #tpu.memory_space<vmem_shared>>) target(%dma_start3A_46 : memref<128x128xf32, #tpu.memory_space<hbm>>) target_semaphore(%run_scoped3A : memref<!tpu.dma_semaphore, #tpu.memory_space<semaphore_mem>>)
        %dma_wait3A_49 = arith.constant 0 : i32
        %dma_wait3A_50 = tpu.memref_slice %arg5[%arg0, %add3A_44, %dma_wait3A_49] : memref<2x10240x128xf32, #tpu.memory_space<hbm>> -> memref<1x128x128xf32, #tpu.memory_space<hbm>>
        %dma_wait3A_51 = tpu.memref_squeeze %dma_wait3A_50 : memref<1x128x128xf32, #tpu.memory_space<hbm>> -> memref<128x128xf32, #tpu.memory_space<hbm>>
        %dma_wait3A_52 = arith.constant 0 : i32
        %dma_wait3A_53 = tpu.memref_slice %arg10[%add3A_44, %dma_wait3A_52] : memref<10240x128xf32, #tpu.memory_space<vmem_shared>> -> memref<128x128xf32, #tpu.memory_space<vmem_shared>>
        tpu.wait_dma2 semaphore(%run_scoped3A : memref<!tpu.dma_semaphore, #tpu.memory_space<semaphore_mem>>) src(%dma_wait3A_53 : memref<128x128xf32, #tpu.memory_space<vmem_shared>>) dst(%dma_wait3A_51 : memref<128x128xf32, #tpu.memory_space<hbm>>)
        tpu.yield
      }) : () -> ()
    }
    %scan3A_40 = arith.constant 5 : i32
    return
  }
}

#map = affine_map<(d0, d1) -> (0, 0)>
#map1 = affine_map<(d0, d1) -> (0, 0, 0)>
module attributes {stable_mosaic.version = 14 : i64} {
  func.func @agg_kernel(%arg0: i32, %arg1: i32, %arg2: memref<10240x128xf32, #tpu.memory_space<hbm>>, %arg3: memref<2560x128xi32, #tpu.memory_space<hbm>>, %arg4: memref<2560x128xi32, #tpu.memory_space<hbm>>, %arg5: memref<2x10240x128xf32, #tpu.memory_space<hbm>>, %arg6: memref<2x128xi32, #tpu.memory_space<vmem>>, %arg7: memref<2x128xi32, #tpu.memory_space<vmem>>, %arg8: memref<128x128xf32, #tpu.memory_space<vmem>>, %arg9: memref<128x128xf32, #tpu.memory_space<vmem>>, %arg10: memref<10240x128xf32, #tpu.memory_space<vmem_shared>>, %arg11: memref<!tpu.dma_semaphore, #tpu.memory_space<semaphore_mem>>, %arg12: memref<!tpu.dma_semaphore, #tpu.memory_space<semaphore_mem>>, %arg13: memref<!tpu.dma_semaphore, #tpu.memory_space<semaphore_mem>>, %arg14: memref<!tpu.dma_semaphore, #tpu.memory_space<semaphore_mem>>) attributes {dimension_semantics = [#tpu.dimension_semantics<core_parallel>, #tpu.dimension_semantics<subcore_parallel>], iteration_bounds = array<i64: 2, 16>, scalar_prefetch = 0 : i64, scratch_operands = 9 : i64, tpu.core_type = #tpu.core_type<sc_vector_subcore>, window_params = [{transform_indices = #map}, {transform_indices = #map}, {transform_indices = #map}, {transform_indices = #map1}]} {
    %mul3A = arith.constant 2 : i32
    %mul3A_0 = arith.muli %arg1, %mul3A : i32
    %add3A = arith.addi %mul3A_0, %arg0 : i32
    %mul3A_1 = arith.constant 80 : i32
    %mul3A_2 = arith.muli %add3A, %mul3A_1 : i32
    %mul3A_3 = arith.constant 640 : i32
    %mul3A_4 = arith.muli %arg1, %mul3A_3 : i32
    %broadcast_in_dim3A = arith.constant 0.000000e+00 : f32
    %broadcast_in_dim3A_5 = vector.broadcast %broadcast_in_dim3A : f32 to vector<16xf32>
    %scan3A = arith.constant 0 : i32
    %scan3A_6 = arith.constant 0 : i32
    %scan3A_7 = arith.constant 128 : i32
    %scan3A_8 = arith.addi %scan3A_6, %scan3A_7 : i32
    %scan3A_9 = arith.constant 1 : i32
    scf.for %scan3A_41 = %scan3A_6 to %scan3A_8 step %scan3A_9  : i32 {
      %swap3A = arith.index_cast %scan3A_41 : i32 to index
      %swap3A_42 = arith.constant 0 : index
      %swap3A_43 = tpu.vector_load %arg8[%swap3A, %swap3A_42] {strides = array<i32>} : memref<128x128xf32, #tpu.memory_space<vmem>>, vector<1x16xf32>,
      %swap3A_44 = vector.shape_cast %swap3A_43 : vector<1x16xf32> to vector<16xf32>
      %swap3A_45 = vector.shape_cast %broadcast_in_dim3A_5 : vector<16xf32> to vector<1x16xf32>
      tpu.vector_store %arg8[%swap3A, %swap3A_42], %swap3A_45 {strides = array<i32>} : memref<128x128xf32, #tpu.memory_space<vmem>>, vector<1x16xf32>,
      %swap3A_46 = arith.index_cast %scan3A_41 : i32 to index
      %swap3A_47 = arith.constant 16 : index
      %swap3A_48 = tpu.vector_load %arg8[%swap3A_46, %swap3A_47] {strides = array<i32>} : memref<128x128xf32, #tpu.memory_space<vmem>>, vector<1x16xf32>,
      %swap3A_49 = vector.shape_cast %swap3A_48 : vector<1x16xf32> to vector<16xf32>
      %swap3A_50 = vector.shape_cast %broadcast_in_dim3A_5 : vector<16xf32> to vector<1x16xf32>
      tpu.vector_store %arg8[%swap3A_46, %swap3A_47], %swap3A_50 {strides = array<i32>} : memref<128x128xf32, #tpu.memory_space<vmem>>, vector<1x16xf32>,
      %swap3A_51 = arith.index_cast %scan3A_41 : i32 to index
      %swap3A_52 = arith.constant 32 : index
      %swap3A_53 = tpu.vector_load %arg8[%swap3A_51, %swap3A_52] {strides = array<i32>} : memref<128x128xf32, #tpu.memory_space<vmem>>, vector<1x16xf32>,
      %swap3A_54 = vector.shape_cast %swap3A_53 : vector<1x16xf32> to vector<16xf32>
      %swap3A_55 = vector.shape_cast %broadcast_in_dim3A_5 : vector<16xf32> to vector<1x16xf32>
      tpu.vector_store %arg8[%swap3A_51, %swap3A_52], %swap3A_55 {strides = array<i32>} : memref<128x128xf32, #tpu.memory_space<vmem>>, vector<1x16xf32>,
      %swap3A_56 = arith.index_cast %scan3A_41 : i32 to index
      %swap3A_57 = arith.constant 48 : index
      %swap3A_58 = tpu.vector_load %arg8[%swap3A_56, %swap3A_57] {strides = array<i32>} : memref<128x128xf32, #tpu.memory_space<vmem>>, vector<1x16xf32>,
      %swap3A_59 = vector.shape_cast %swap3A_58 : vector<1x16xf32> to vector<16xf32>
      %swap3A_60 = vector.shape_cast %broadcast_in_dim3A_5 : vector<16xf32> to vector<1x16xf32>
      tpu.vector_store %arg8[%swap3A_56, %swap3A_57], %swap3A_60 {strides = array<i32>} : memref<128x128xf32, #tpu.memory_space<vmem>>, vector<1x16xf32>,
      %swap3A_61 = arith.index_cast %scan3A_41 : i32 to index
      %swap3A_62 = arith.constant 64 : index
      %swap3A_63 = tpu.vector_load %arg8[%swap3A_61, %swap3A_62] {strides = array<i32>} : memref<128x128xf32, #tpu.memory_space<vmem>>, vector<1x16xf32>,
      %swap3A_64 = vector.shape_cast %swap3A_63 : vector<1x16xf32> to vector<16xf32>
      %swap3A_65 = vector.shape_cast %broadcast_in_dim3A_5 : vector<16xf32> to vector<1x16xf32>
      tpu.vector_store %arg8[%swap3A_61, %swap3A_62], %swap3A_65 {strides = array<i32>} : memref<128x128xf32, #tpu.memory_space<vmem>>, vector<1x16xf32>,
      %swap3A_66 = arith.index_cast %scan3A_41 : i32 to index
      %swap3A_67 = arith.constant 80 : index
      %swap3A_68 = tpu.vector_load %arg8[%swap3A_66, %swap3A_67] {strides = array<i32>} : memref<128x128xf32, #tpu.memory_space<vmem>>, vector<1x16xf32>,
      %swap3A_69 = vector.shape_cast %swap3A_68 : vector<1x16xf32> to vector<16xf32>
      %swap3A_70 = vector.shape_cast %broadcast_in_dim3A_5 : vector<16xf32> to vector<1x16xf32>
      tpu.vector_store %arg8[%swap3A_66, %swap3A_67], %swap3A_70 {strides = array<i32>} : memref<128x128xf32, #tpu.memory_space<vmem>>, vector<1x16xf32>,
      %swap3A_71 = arith.index_cast %scan3A_41 : i32 to index
      %swap3A_72 = arith.constant 96 : index
      %swap3A_73 = tpu.vector_load %arg8[%swap3A_71, %swap3A_72] {strides = array<i32>} : memref<128x128xf32, #tpu.memory_space<vmem>>, vector<1x16xf32>,
      %swap3A_74 = vector.shape_cast %swap3A_73 : vector<1x16xf32> to vector<16xf32>
      %swap3A_75 = vector.shape_cast %broadcast_in_dim3A_5 : vector<16xf32> to vector<1x16xf32>
      tpu.vector_store %arg8[%swap3A_71, %swap3A_72], %swap3A_75 {strides = array<i32>} : memref<128x128xf32, #tpu.memory_space<vmem>>, vector<1x16xf32>,
      %swap3A_76 = arith.index_cast %scan3A_41 : i32 to index
      %swap3A_77 = arith.constant 112 : index
      %swap3A_78 = tpu.vector_load %arg8[%swap3A_76, %swap3A_77] {strides = array<i32>} : memref<128x128xf32, #tpu.memory_space<vmem>>, vector<1x16xf32>,
      %swap3A_79 = vector.shape_cast %swap3A_78 : vector<1x16xf32> to vector<16xf32>
      %swap3A_80 = vector.shape_cast %broadcast_in_dim3A_5 : vector<16xf32> to vector<1x16xf32>
      tpu.vector_store %arg8[%swap3A_76, %swap3A_77], %swap3A_80 {strides = array<i32>} : memref<128x128xf32, #tpu.memory_space<vmem>>, vector<1x16xf32>,
    }
    %scan3A_10 = arith.constant 128 : i32
    %scan3A_11 = arith.constant 0 : i32
    %scan3A_12 = arith.constant 0 : i32
    %scan3A_13 = arith.constant 5 : i32
    %scan3A_14 = arith.addi %scan3A_12, %scan3A_13 : i32
    %scan3A_15 = arith.constant 1 : i32
    scf.for %scan3A_41 = %scan3A_12 to %scan3A_14 step %scan3A_15  : i32 {
      %mul3A_42 = arith.constant 128 : i32
      %mul3A_43 = arith.muli %scan3A_41, %mul3A_42 : i32
      %add3A_44 = arith.addi %mul3A_4, %mul3A_43 : i32
      "tpu.region"() ({
        %run_scoped3A = tpu.sem_alloc : memref<!tpu.dma_semaphore, #tpu.memory_space<semaphore_mem>>
        %dma_start3A = arith.constant 0 : i32
        %dma_start3A_45 = tpu.memref_slice %arg10[%add3A_44, %dma_start3A] : memref<10240x128xf32, #tpu.memory_space<vmem_shared>> -> memref<128x128xf32, #tpu.memory_space<vmem_shared>>
        %dma_start3A_46 = arith.constant 0 : i32
        %dma_start3A_47 = tpu.memref_slice %arg10[%add3A_44, %dma_start3A_46] : memref<10240x128xf32, #tpu.memory_space<vmem_shared>> -> memref<128x128xf32, #tpu.memory_space<vmem_shared>>
        tpu.enqueue_dma source(%arg8 : memref<128x128xf32, #tpu.memory_space<vmem>>) target(%dma_start3A_47 : memref<128x128xf32, #tpu.memory_space<vmem_shared>>) target_semaphore(%run_scoped3A : memref<!tpu.dma_semaphore, #tpu.memory_space<semaphore_mem>>)
        %dma_wait3A_48 = arith.constant 0 : i32
        %dma_wait3A_49 = tpu.memref_slice %arg10[%add3A_44, %dma_wait3A_48] : memref<10240x128xf32, #tpu.memory_space<vmem_shared>> -> memref<128x128xf32, #tpu.memory_space<vmem_shared>>
        %dma_wait3A_50 = arith.constant 0 : i32
        %dma_wait3A_51 = tpu.memref_slice %arg10[%add3A_44, %dma_wait3A_50] : memref<10240x128xf32, #tpu.memory_space<vmem_shared>> -> memref<128x128xf32, #tpu.memory_space<vmem_shared>>
        tpu.wait_dma2 semaphore(%run_scoped3A : memref<!tpu.dma_semaphore, #tpu.memory_space<semaphore_mem>>) src(%arg8 : memref<128x128xf32, #tpu.memory_space<vmem>>) dst(%dma_wait3A_51 : memref<128x128xf32, #tpu.memory_space<vmem_shared>>)
        tpu.yield
      }) : () -> ()
    }
    %scan3A_16 = arith.constant 5 : i32
    %barrier3A = arith.constant 0 : index
    tpu.barrier barrier_id(%barrier3A)
    %scan3A_17 = arith.constant 0 : i32
    %scan3A_18 = arith.constant 0 : i32
    %scan3A_19 = arith.constant 40 : i32
    %scan3A_20 = arith.addi %scan3A_18, %scan3A_19 : i32
    %scan3A_21 = arith.constant 1 : i32
    scf.for %scan3A_41 = %scan3A_18 to %scan3A_20 step %scan3A_21  : i32 {
      %mul3A_42 = arith.constant 2 : i32
      %mul3A_43 = arith.muli %scan3A_41, %mul3A_42 : i32
      %add3A_44 = arith.addi %mul3A_2, %mul3A_43 : i32
      %add3A_45 = arith.constant 0 : i32
      %add3A_46 = arith.addi %add3A_44, %add3A_45 : i32
      %run_scoped3A = arith.constant 0 : i32
      "tpu.region"() ({
        %run_scoped3A_105 = tpu.sem_alloc : memref<!tpu.dma_semaphore, #tpu.memory_space<semaphore_mem>>
        %dma_start3A_106 = arith.constant 0 : i32
        %dma_start3A_107 = tpu.memref_slice %arg6[%run_scoped3A, %dma_start3A_106] : memref<2x128xi32, #tpu.memory_space<vmem>> -> memref<1x128xi32, #tpu.memory_space<vmem>>
        %dma_start3A_108 = tpu.memref_squeeze %dma_start3A_107 : memref<1x128xi32, #tpu.memory_space<vmem>> -> memref<128xi32, #tpu.memory_space<vmem>>
        %dma_start3A_109 = arith.constant 0 : i32
        %dma_start3A_110 = tpu.memref_slice %arg3[%add3A_46, %dma_start3A_109] : memref<2560x128xi32, #tpu.memory_space<hbm>> -> memref<1x128xi32, #tpu.memory_space<hbm>>
        %dma_start3A_111 = tpu.memref_squeeze %dma_start3A_110 : memref<1x128xi32, #tpu.memory_space<hbm>> -> memref<128xi32, #tpu.memory_space<hbm>>
        %dma_start3A_112 = arith.constant 0 : i32
        %dma_start3A_113 = tpu.memref_slice %arg6[%run_scoped3A, %dma_start3A_112] : memref<2x128xi32, #tpu.memory_space<vmem>> -> memref<1x128xi32, #tpu.memory_space<vmem>>
        %dma_start3A_114 = tpu.memref_squeeze %dma_start3A_113 : memref<1x128xi32, #tpu.memory_space<vmem>> -> memref<128xi32, #tpu.memory_space<vmem>>
        %dma_start3A_115 = arith.constant 0 : i32
        %dma_start3A_116 = tpu.memref_slice %arg3[%add3A_46, %dma_start3A_115] : memref<2560x128xi32, #tpu.memory_space<hbm>> -> memref<1x128xi32, #tpu.memory_space<hbm>>
        %dma_start3A_117 = tpu.memref_squeeze %dma_start3A_116 : memref<1x128xi32, #tpu.memory_space<hbm>> -> memref<128xi32, #tpu.memory_space<hbm>>
        tpu.enqueue_dma source(%dma_start3A_117 : memref<128xi32, #tpu.memory_space<hbm>>) target(%dma_start3A_114 : memref<128xi32, #tpu.memory_space<vmem>>) target_semaphore(%run_scoped3A_105 : memref<!tpu.dma_semaphore, #tpu.memory_space<semaphore_mem>>)
        %dma_wait3A_118 = arith.constant 0 : i32
        %dma_wait3A_119 = tpu.memref_slice %arg6[%run_scoped3A, %dma_wait3A_118] : memref<2x128xi32, #tpu.memory_space<vmem>> -> memref<1x128xi32, #tpu.memory_space<vmem>>
        %dma_wait3A_120 = tpu.memref_squeeze %dma_wait3A_119 : memref<1x128xi32, #tpu.memory_space<vmem>> -> memref<128xi32, #tpu.memory_space<vmem>>
        %dma_wait3A_121 = arith.constant 0 : i32
        %dma_wait3A_122 = tpu.memref_slice %arg3[%add3A_46, %dma_wait3A_121] : memref<2560x128xi32, #tpu.memory_space<hbm>> -> memref<1x128xi32, #tpu.memory_space<hbm>>
        %dma_wait3A_123 = tpu.memref_squeeze %dma_wait3A_122 : memref<1x128xi32, #tpu.memory_space<hbm>> -> memref<128xi32, #tpu.memory_space<hbm>>
        %dma_wait3A_124 = arith.constant 0 : i32
        %dma_wait3A_125 = tpu.memref_slice %arg6[%run_scoped3A, %dma_wait3A_124] : memref<2x128xi32, #tpu.memory_space<vmem>> -> memref<1x128xi32, #tpu.memory_space<vmem>>
        %dma_wait3A_126 = tpu.memref_squeeze %dma_wait3A_125 : memref<1x128xi32, #tpu.memory_space<vmem>> -> memref<128xi32, #tpu.memory_space<vmem>>
        %dma_wait3A_127 = arith.constant 0 : i32
        %dma_wait3A_128 = tpu.memref_slice %arg3[%add3A_46, %dma_wait3A_127] : memref<2560x128xi32, #tpu.memory_space<hbm>> -> memref<1x128xi32, #tpu.memory_space<hbm>>
        %dma_wait3A_129 = tpu.memref_squeeze %dma_wait3A_128 : memref<1x128xi32, #tpu.memory_space<hbm>> -> memref<128xi32, #tpu.memory_space<hbm>>
        tpu.wait_dma2 semaphore(%run_scoped3A_105 : memref<!tpu.dma_semaphore, #tpu.memory_space<semaphore_mem>>) src(%dma_wait3A_129 : memref<128xi32, #tpu.memory_space<hbm>>) dst(%dma_wait3A_126 : memref<128xi32, #tpu.memory_space<vmem>>)
        tpu.yield
      }) : () -> ()
      %gt3A = arith.constant 0 : i32
      %gt3A_47 = arith.cmpi sgt, %scan3A_41, %gt3A : i32
      %convert_element_type3A = arith.extui %gt3A_47 : i1 to i32
      %cond3A = arith.constant 0 : i32
      %cond3A_48 = arith.cmpi ne, %convert_element_type3A, %cond3A : i32
      scf.if %cond3A_48 {
        %dma_wait3A_105 = arith.constant 0 : i32
        %dma_wait3A_106 = arith.constant 0 : i32
        %dma_wait3A_107 = tpu.memref_slice %arg2[%dma_wait3A_105, %dma_wait3A_106] : memref<10240x128xf32, #tpu.memory_space<hbm>> -> memref<128x128xf32, #tpu.memory_space<hbm>>
        %dma_wait3A_108 = arith.constant 0 : i32
        %dma_wait3A_109 = arith.constant 0 : i32
        %dma_wait3A_110 = tpu.memref_slice %arg2[%dma_wait3A_108, %dma_wait3A_109] : memref<10240x128xf32, #tpu.memory_space<hbm>> -> memref<128x128xf32, #tpu.memory_space<hbm>>
        tpu.wait_dma2 semaphore(%arg13 : memref<!tpu.dma_semaphore, #tpu.memory_space<semaphore_mem>>) src(%dma_wait3A_110 : memref<128x128xf32, #tpu.memory_space<hbm>>) dst(%arg8 : memref<128x128xf32, #tpu.memory_space<vmem>>)
      } else {
      }
      %dma_start3A = arith.constant 0 : i32
      %dma_start3A_49 = arith.constant 0 : i32
      %dma_start3A_50 = tpu.memref_slice %arg6[%dma_start3A, %dma_start3A_49] : memref<2x128xi32, #tpu.memory_space<vmem>> -> memref<1x128xi32, #tpu.memory_space<vmem>>
      %dma_start3A_51 = tpu.memref_squeeze %dma_start3A_50 : memref<1x128xi32, #tpu.memory_space<vmem>> -> memref<128xi32, #tpu.memory_space<vmem>>
      %dma_start3A_52 = arith.constant 0 : i32
      %dma_start3A_53 = arith.constant 0 : i32
      %dma_start3A_54 = tpu.memref_slice %arg2[%dma_start3A_52, %dma_start3A_53] : memref<10240x128xf32, #tpu.memory_space<hbm>> -> memref<10240x128xf32, #tpu.memory_space<hbm>>
      tpu.enqueue_indirect_dma source(%dma_start3A_54 : memref<10240x128xf32, #tpu.memory_space<hbm>>) target(%arg8 : memref<128x128xf32, #tpu.memory_space<vmem>>) offsets(%dma_start3A_51 : memref<128xi32, #tpu.memory_space<vmem>>) semaphore(%arg11 : memref<!tpu.dma_semaphore, #tpu.memory_space<semaphore_mem>>)
      %add3A_55 = arith.addi %mul3A_2, %mul3A_43 : i32
      %add3A_56 = arith.constant 0 : i32
      %add3A_57 = arith.addi %add3A_55, %add3A_56 : i32
      %run_scoped3A_58 = arith.constant 0 : i32
      "tpu.region"() ({
        %run_scoped3A_105 = tpu.sem_alloc : memref<!tpu.dma_semaphore, #tpu.memory_space<semaphore_mem>>
        %dma_start3A_106 = arith.constant 0 : i32
        %dma_start3A_107 = tpu.memref_slice %arg7[%run_scoped3A_58, %dma_start3A_106] : memref<2x128xi32, #tpu.memory_space<vmem>> -> memref<1x128xi32, #tpu.memory_space<vmem>>
        %dma_start3A_108 = tpu.memref_squeeze %dma_start3A_107 : memref<1x128xi32, #tpu.memory_space<vmem>> -> memref<128xi32, #tpu.memory_space<vmem>>
        %dma_start3A_109 = arith.constant 0 : i32
        %dma_start3A_110 = tpu.memref_slice %arg4[%add3A_57, %dma_start3A_109] : memref<2560x128xi32, #tpu.memory_space<hbm>> -> memref<1x128xi32, #tpu.memory_space<hbm>>
        %dma_start3A_111 = tpu.memref_squeeze %dma_start3A_110 : memref<1x128xi32, #tpu.memory_space<hbm>> -> memref<128xi32, #tpu.memory_space<hbm>>
        %dma_start3A_112 = arith.constant 0 : i32
        %dma_start3A_113 = tpu.memref_slice %arg7[%run_scoped3A_58, %dma_start3A_112] : memref<2x128xi32, #tpu.memory_space<vmem>> -> memref<1x128xi32, #tpu.memory_space<vmem>>
        %dma_start3A_114 = tpu.memref_squeeze %dma_start3A_113 : memref<1x128xi32, #tpu.memory_space<vmem>> -> memref<128xi32, #tpu.memory_space<vmem>>
        %dma_start3A_115 = arith.constant 0 : i32
        %dma_start3A_116 = tpu.memref_slice %arg4[%add3A_57, %dma_start3A_115] : memref<2560x128xi32, #tpu.memory_space<hbm>> -> memref<1x128xi32, #tpu.memory_space<hbm>>
        %dma_start3A_117 = tpu.memref_squeeze %dma_start3A_116 : memref<1x128xi32, #tpu.memory_space<hbm>> -> memref<128xi32, #tpu.memory_space<hbm>>
        tpu.enqueue_dma source(%dma_start3A_117 : memref<128xi32, #tpu.memory_space<hbm>>) target(%dma_start3A_114 : memref<128xi32, #tpu.memory_space<vmem>>) target_semaphore(%run_scoped3A_105 : memref<!tpu.dma_semaphore, #tpu.memory_space<semaphore_mem>>)
        %dma_wait3A_118 = arith.constant 0 : i32
        %dma_wait3A_119 = tpu.memref_slice %arg7[%run_scoped3A_58, %dma_wait3A_118] : memref<2x128xi32, #tpu.memory_space<vmem>> -> memref<1x128xi32, #tpu.memory_space<vmem>>
        %dma_wait3A_120 = tpu.memref_squeeze %dma_wait3A_119 : memref<1x128xi32, #tpu.memory_space<vmem>> -> memref<128xi32, #tpu.memory_space<vmem>>
        %dma_wait3A_121 = arith.constant 0 : i32
        %dma_wait3A_122 = tpu.memref_slice %arg4[%add3A_57, %dma_wait3A_121] : memref<2560x128xi32, #tpu.memory_space<hbm>> -> memref<1x128xi32, #tpu.memory_space<hbm>>
        %dma_wait3A_123 = tpu.memref_squeeze %dma_wait3A_122 : memref<1x128xi32, #tpu.memory_space<hbm>> -> memref<128xi32, #tpu.memory_space<hbm>>
        %dma_wait3A_124 = arith.constant 0 : i32
        %dma_wait3A_125 = tpu.memref_slice %arg7[%run_scoped3A_58, %dma_wait3A_124] : memref<2x128xi32, #tpu.memory_space<vmem>> -> memref<1x128xi32, #tpu.memory_space<vmem>>
        %dma_wait3A_126 = tpu.memref_squeeze %dma_wait3A_125 : memref<1x128xi32, #tpu.memory_space<vmem>> -> memref<128xi32, #tpu.memory_space<vmem>>
        %dma_wait3A_127 = arith.constant 0 : i32
        %dma_wait3A_128 = tpu.memref_slice %arg4[%add3A_57, %dma_wait3A_127] : memref<2560x128xi32, #tpu.memory_space<hbm>> -> memref<1x128xi32, #tpu.memory_space<hbm>>
        %dma_wait3A_129 = tpu.memref_squeeze %dma_wait3A_128 : memref<1x128xi32, #tpu.memory_space<hbm>> -> memref<128xi32, #tpu.memory_space<hbm>>
        tpu.wait_dma2 semaphore(%run_scoped3A_105 : memref<!tpu.dma_semaphore, #tpu.memory_space<semaphore_mem>>) src(%dma_wait3A_129 : memref<128xi32, #tpu.memory_space<hbm>>) dst(%dma_wait3A_126 : memref<128xi32, #tpu.memory_space<vmem>>)
        tpu.yield
      }) : () -> ()
      %add3A_59 = arith.addi %mul3A_2, %mul3A_43 : i32
      %add3A_60 = arith.constant 1 : i32
      %add3A_61 = arith.addi %add3A_59, %add3A_60 : i32
      %run_scoped3A_62 = arith.constant 1 : i32
      "tpu.region"() ({
        %run_scoped3A_105 = tpu.sem_alloc : memref<!tpu.dma_semaphore, #tpu.memory_space<semaphore_mem>>
        %dma_start3A_106 = arith.constant 0 : i32
        %dma_start3A_107 = tpu.memref_slice %arg6[%run_scoped3A_62, %dma_start3A_106] : memref<2x128xi32, #tpu.memory_space<vmem>> -> memref<1x128xi32, #tpu.memory_space<vmem>>
        %dma_start3A_108 = tpu.memref_squeeze %dma_start3A_107 : memref<1x128xi32, #tpu.memory_space<vmem>> -> memref<128xi32, #tpu.memory_space<vmem>>
        %dma_start3A_109 = arith.constant 0 : i32
        %dma_start3A_110 = tpu.memref_slice %arg3[%add3A_61, %dma_start3A_109] : memref<2560x128xi32, #tpu.memory_space<hbm>> -> memref<1x128xi32, #tpu.memory_space<hbm>>
        %dma_start3A_111 = tpu.memref_squeeze %dma_start3A_110 : memref<1x128xi32, #tpu.memory_space<hbm>> -> memref<128xi32, #tpu.memory_space<hbm>>
        %dma_start3A_112 = arith.constant 0 : i32
        %dma_start3A_113 = tpu.memref_slice %arg6[%run_scoped3A_62, %dma_start3A_112] : memref<2x128xi32, #tpu.memory_space<vmem>> -> memref<1x128xi32, #tpu.memory_space<vmem>>
        %dma_start3A_114 = tpu.memref_squeeze %dma_start3A_113 : memref<1x128xi32, #tpu.memory_space<vmem>> -> memref<128xi32, #tpu.memory_space<vmem>>
        %dma_start3A_115 = arith.constant 0 : i32
        %dma_start3A_116 = tpu.memref_slice %arg3[%add3A_61, %dma_start3A_115] : memref<2560x128xi32, #tpu.memory_space<hbm>> -> memref<1x128xi32, #tpu.memory_space<hbm>>
        %dma_start3A_117 = tpu.memref_squeeze %dma_start3A_116 : memref<1x128xi32, #tpu.memory_space<hbm>> -> memref<128xi32, #tpu.memory_space<hbm>>
        tpu.enqueue_dma source(%dma_start3A_117 : memref<128xi32, #tpu.memory_space<hbm>>) target(%dma_start3A_114 : memref<128xi32, #tpu.memory_space<vmem>>) target_semaphore(%run_scoped3A_105 : memref<!tpu.dma_semaphore, #tpu.memory_space<semaphore_mem>>)
        %dma_wait3A_118 = arith.constant 0 : i32
        %dma_wait3A_119 = tpu.memref_slice %arg6[%run_scoped3A_62, %dma_wait3A_118] : memref<2x128xi32, #tpu.memory_space<vmem>> -> memref<1x128xi32, #tpu.memory_space<vmem>>
        %dma_wait3A_120 = tpu.memref_squeeze %dma_wait3A_119 : memref<1x128xi32, #tpu.memory_space<vmem>> -> memref<128xi32, #tpu.memory_space<vmem>>
        %dma_wait3A_121 = arith.constant 0 : i32
        %dma_wait3A_122 = tpu.memref_slice %arg3[%add3A_61, %dma_wait3A_121] : memref<2560x128xi32, #tpu.memory_space<hbm>> -> memref<1x128xi32, #tpu.memory_space<hbm>>
        %dma_wait3A_123 = tpu.memref_squeeze %dma_wait3A_122 : memref<1x128xi32, #tpu.memory_space<hbm>> -> memref<128xi32, #tpu.memory_space<hbm>>
        %dma_wait3A_124 = arith.constant 0 : i32
        %dma_wait3A_125 = tpu.memref_slice %arg6[%run_scoped3A_62, %dma_wait3A_124] : memref<2x128xi32, #tpu.memory_space<vmem>> -> memref<1x128xi32, #tpu.memory_space<vmem>>
        %dma_wait3A_126 = tpu.memref_squeeze %dma_wait3A_125 : memref<1x128xi32, #tpu.memory_space<vmem>> -> memref<128xi32, #tpu.memory_space<vmem>>
        %dma_wait3A_127 = arith.constant 0 : i32
        %dma_wait3A_128 = tpu.memref_slice %arg3[%add3A_61, %dma_wait3A_127] : memref<2560x128xi32, #tpu.memory_space<hbm>> -> memref<1x128xi32, #tpu.memory_space<hbm>>
        %dma_wait3A_129 = tpu.memref_squeeze %dma_wait3A_128 : memref<1x128xi32, #tpu.memory_space<hbm>> -> memref<128xi32, #tpu.memory_space<hbm>>
        tpu.wait_dma2 semaphore(%run_scoped3A_105 : memref<!tpu.dma_semaphore, #tpu.memory_space<semaphore_mem>>) src(%dma_wait3A_129 : memref<128xi32, #tpu.memory_space<hbm>>) dst(%dma_wait3A_126 : memref<128xi32, #tpu.memory_space<vmem>>)
        tpu.yield
      }) : () -> ()
      %gt3A_63 = arith.constant 0 : i32
      %gt3A_64 = arith.cmpi sgt, %scan3A_41, %gt3A_63 : i32
      %convert_element_type3A_65 = arith.extui %gt3A_64 : i1 to i32
      %cond3A_66 = arith.constant 0 : i32
      %cond3A_67 = arith.cmpi ne, %convert_element_type3A_65, %cond3A_66 : i32
      scf.if %cond3A_67 {
        %dma_wait3A_105 = arith.constant 0 : i32
        %dma_wait3A_106 = arith.constant 0 : i32
        %dma_wait3A_107 = tpu.memref_slice %arg2[%dma_wait3A_105, %dma_wait3A_106] : memref<10240x128xf32, #tpu.memory_space<hbm>> -> memref<128x128xf32, #tpu.memory_space<hbm>>
        %dma_wait3A_108 = arith.constant 0 : i32
        %dma_wait3A_109 = arith.constant 0 : i32
        %dma_wait3A_110 = tpu.memref_slice %arg2[%dma_wait3A_108, %dma_wait3A_109] : memref<10240x128xf32, #tpu.memory_space<hbm>> -> memref<128x128xf32, #tpu.memory_space<hbm>>
        tpu.wait_dma2 semaphore(%arg14 : memref<!tpu.dma_semaphore, #tpu.memory_space<semaphore_mem>>) src(%dma_wait3A_110 : memref<128x128xf32, #tpu.memory_space<hbm>>) dst(%arg9 : memref<128x128xf32, #tpu.memory_space<vmem>>)
      } else {
      }
      %dma_start3A_68 = arith.constant 1 : i32
      %dma_start3A_69 = arith.constant 0 : i32
      %dma_start3A_70 = tpu.memref_slice %arg6[%dma_start3A_68, %dma_start3A_69] : memref<2x128xi32, #tpu.memory_space<vmem>> -> memref<1x128xi32, #tpu.memory_space<vmem>>
      %dma_start3A_71 = tpu.memref_squeeze %dma_start3A_70 : memref<1x128xi32, #tpu.memory_space<vmem>> -> memref<128xi32, #tpu.memory_space<vmem>>
      %dma_start3A_72 = arith.constant 0 : i32
      %dma_start3A_73 = arith.constant 0 : i32
      %dma_start3A_74 = tpu.memref_slice %arg2[%dma_start3A_72, %dma_start3A_73] : memref<10240x128xf32, #tpu.memory_space<hbm>> -> memref<10240x128xf32, #tpu.memory_space<hbm>>
      tpu.enqueue_indirect_dma source(%dma_start3A_74 : memref<10240x128xf32, #tpu.memory_space<hbm>>) target(%arg9 : memref<128x128xf32, #tpu.memory_space<vmem>>) offsets(%dma_start3A_71 : memref<128xi32, #tpu.memory_space<vmem>>) semaphore(%arg12 : memref<!tpu.dma_semaphore, #tpu.memory_space<semaphore_mem>>)
      %add3A_75 = arith.addi %mul3A_2, %mul3A_43 : i32
      %add3A_76 = arith.constant 1 : i32
      %add3A_77 = arith.addi %add3A_75, %add3A_76 : i32
      %run_scoped3A_78 = arith.constant 1 : i32
      "tpu.region"() ({
        %run_scoped3A_105 = tpu.sem_alloc : memref<!tpu.dma_semaphore, #tpu.memory_space<semaphore_mem>>
        %dma_start3A_106 = arith.constant 0 : i32
        %dma_start3A_107 = tpu.memref_slice %arg7[%run_scoped3A_78, %dma_start3A_106] : memref<2x128xi32, #tpu.memory_space<vmem>> -> memref<1x128xi32, #tpu.memory_space<vmem>>
        %dma_start3A_108 = tpu.memref_squeeze %dma_start3A_107 : memref<1x128xi32, #tpu.memory_space<vmem>> -> memref<128xi32, #tpu.memory_space<vmem>>
        %dma_start3A_109 = arith.constant 0 : i32
        %dma_start3A_110 = tpu.memref_slice %arg4[%add3A_77, %dma_start3A_109] : memref<2560x128xi32, #tpu.memory_space<hbm>> -> memref<1x128xi32, #tpu.memory_space<hbm>>
        %dma_start3A_111 = tpu.memref_squeeze %dma_start3A_110 : memref<1x128xi32, #tpu.memory_space<hbm>> -> memref<128xi32, #tpu.memory_space<hbm>>
        %dma_start3A_112 = arith.constant 0 : i32
        %dma_start3A_113 = tpu.memref_slice %arg7[%run_scoped3A_78, %dma_start3A_112] : memref<2x128xi32, #tpu.memory_space<vmem>> -> memref<1x128xi32, #tpu.memory_space<vmem>>
        %dma_start3A_114 = tpu.memref_squeeze %dma_start3A_113 : memref<1x128xi32, #tpu.memory_space<vmem>> -> memref<128xi32, #tpu.memory_space<vmem>>
        %dma_start3A_115 = arith.constant 0 : i32
        %dma_start3A_116 = tpu.memref_slice %arg4[%add3A_77, %dma_start3A_115] : memref<2560x128xi32, #tpu.memory_space<hbm>> -> memref<1x128xi32, #tpu.memory_space<hbm>>
        %dma_start3A_117 = tpu.memref_squeeze %dma_start3A_116 : memref<1x128xi32, #tpu.memory_space<hbm>> -> memref<128xi32, #tpu.memory_space<hbm>>
        tpu.enqueue_dma source(%dma_start3A_117 : memref<128xi32, #tpu.memory_space<hbm>>) target(%dma_start3A_114 : memref<128xi32, #tpu.memory_space<vmem>>) target_semaphore(%run_scoped3A_105 : memref<!tpu.dma_semaphore, #tpu.memory_space<semaphore_mem>>)
        %dma_wait3A_118 = arith.constant 0 : i32
        %dma_wait3A_119 = tpu.memref_slice %arg7[%run_scoped3A_78, %dma_wait3A_118] : memref<2x128xi32, #tpu.memory_space<vmem>> -> memref<1x128xi32, #tpu.memory_space<vmem>>
        %dma_wait3A_120 = tpu.memref_squeeze %dma_wait3A_119 : memref<1x128xi32, #tpu.memory_space<vmem>> -> memref<128xi32, #tpu.memory_space<vmem>>
        %dma_wait3A_121 = arith.constant 0 : i32
        %dma_wait3A_122 = tpu.memref_slice %arg4[%add3A_77, %dma_wait3A_121] : memref<2560x128xi32, #tpu.memory_space<hbm>> -> memref<1x128xi32, #tpu.memory_space<hbm>>
        %dma_wait3A_123 = tpu.memref_squeeze %dma_wait3A_122 : memref<1x128xi32, #tpu.memory_space<hbm>> -> memref<128xi32, #tpu.memory_space<hbm>>
        %dma_wait3A_124 = arith.constant 0 : i32
        %dma_wait3A_125 = tpu.memref_slice %arg7[%run_scoped3A_78, %dma_wait3A_124] : memref<2x128xi32, #tpu.memory_space<vmem>> -> memref<1x128xi32, #tpu.memory_space<vmem>>
        %dma_wait3A_126 = tpu.memref_squeeze %dma_wait3A_125 : memref<1x128xi32, #tpu.memory_space<vmem>> -> memref<128xi32, #tpu.memory_space<vmem>>
        %dma_wait3A_127 = arith.constant 0 : i32
        %dma_wait3A_128 = tpu.memref_slice %arg4[%add3A_77, %dma_wait3A_127] : memref<2560x128xi32, #tpu.memory_space<hbm>> -> memref<1x128xi32, #tpu.memory_space<hbm>>
        %dma_wait3A_129 = tpu.memref_squeeze %dma_wait3A_128 : memref<1x128xi32, #tpu.memory_space<hbm>> -> memref<128xi32, #tpu.memory_space<hbm>>
        tpu.wait_dma2 semaphore(%run_scoped3A_105 : memref<!tpu.dma_semaphore, #tpu.memory_space<semaphore_mem>>) src(%dma_wait3A_129 : memref<128xi32, #tpu.memory_space<hbm>>) dst(%dma_wait3A_126 : memref<128xi32, #tpu.memory_space<vmem>>)
        tpu.yield
      }) : () -> ()
      %dma_wait3A_79 = arith.constant 0 : i32
      %dma_wait3A_80 = arith.constant 0 : i32
      %dma_wait3A_81 = tpu.memref_slice %arg2[%dma_wait3A_79, %dma_wait3A_80] : memref<10240x128xf32, #tpu.memory_space<hbm>> -> memref<128x128xf32, #tpu.memory_space<hbm>>
      %dma_wait3A_82 = arith.constant 0 : i32
      %dma_wait3A_83 = arith.constant 0 : i32
      %dma_wait3A_84 = tpu.memref_slice %arg2[%dma_wait3A_82, %dma_wait3A_83] : memref<10240x128xf32, #tpu.memory_space<hbm>> -> memref<128x128xf32, #tpu.memory_space<hbm>>
      tpu.wait_dma2 semaphore(%arg11 : memref<!tpu.dma_semaphore, #tpu.memory_space<semaphore_mem>>) src(%dma_wait3A_84 : memref<128x128xf32, #tpu.memory_space<hbm>>) dst(%arg8 : memref<128x128xf32, #tpu.memory_space<vmem>>)
      %dma_start3A_85 = arith.constant 0 : i32
      %dma_start3A_86 = arith.constant 0 : i32
      %dma_start3A_87 = tpu.memref_slice %arg7[%dma_start3A_85, %dma_start3A_86] : memref<2x128xi32, #tpu.memory_space<vmem>> -> memref<1x128xi32, #tpu.memory_space<vmem>>
      %dma_start3A_88 = tpu.memref_squeeze %dma_start3A_87 : memref<1x128xi32, #tpu.memory_space<vmem>> -> memref<128xi32, #tpu.memory_space<vmem>>
      %dma_start3A_89 = arith.constant 0 : i32
      %dma_start3A_90 = arith.constant 0 : i32
      %dma_start3A_91 = tpu.memref_slice %arg10[%dma_start3A_89, %dma_start3A_90] : memref<10240x128xf32, #tpu.memory_space<vmem_shared>> -> memref<10240x128xf32, #tpu.memory_space<vmem_shared>>
      tpu.enqueue_indirect_dma source(%arg8 : memref<128x128xf32, #tpu.memory_space<vmem>>) target(%dma_start3A_91 : memref<10240x128xf32, #tpu.memory_space<vmem_shared>>) offsets(%dma_start3A_88 : memref<128xi32, #tpu.memory_space<vmem>>) semaphore(%arg13 : memref<!tpu.dma_semaphore, #tpu.memory_space<semaphore_mem>>) {add = true}
      %dma_wait3A_92 = arith.constant 0 : i32
      %dma_wait3A_93 = arith.constant 0 : i32
      %dma_wait3A_94 = tpu.memref_slice %arg2[%dma_wait3A_92, %dma_wait3A_93] : memref<10240x128xf32, #tpu.memory_space<hbm>> -> memref<128x128xf32, #tpu.memory_space<hbm>>
      %dma_wait3A_95 = arith.constant 0 : i32
      %dma_wait3A_96 = arith.constant 0 : i32
      %dma_wait3A_97 = tpu.memref_slice %arg2[%dma_wait3A_95, %dma_wait3A_96] : memref<10240x128xf32, #tpu.memory_space<hbm>> -> memref<128x128xf32, #tpu.memory_space<hbm>>
      tpu.wait_dma2 semaphore(%arg12 : memref<!tpu.dma_semaphore, #tpu.memory_space<semaphore_mem>>) src(%dma_wait3A_97 : memref<128x128xf32, #tpu.memory_space<hbm>>) dst(%arg9 : memref<128x128xf32, #tpu.memory_space<vmem>>)
      %dma_start3A_98 = arith.constant 1 : i32
      %dma_start3A_99 = arith.constant 0 : i32
      %dma_start3A_100 = tpu.memref_slice %arg7[%dma_start3A_98, %dma_start3A_99] : memref<2x128xi32, #tpu.memory_space<vmem>> -> memref<1x128xi32, #tpu.memory_space<vmem>>
      %dma_start3A_101 = tpu.memref_squeeze %dma_start3A_100 : memref<1x128xi32, #tpu.memory_space<vmem>> -> memref<128xi32, #tpu.memory_space<vmem>>
      %dma_start3A_102 = arith.constant 0 : i32
      %dma_start3A_103 = arith.constant 0 : i32
      %dma_start3A_104 = tpu.memref_slice %arg10[%dma_start3A_102, %dma_start3A_103] : memref<10240x128xf32, #tpu.memory_space<vmem_shared>> -> memref<10240x128xf32, #tpu.memory_space<vmem_shared>>
      tpu.enqueue_indirect_dma source(%arg9 : memref<128x128xf32, #tpu.memory_space<vmem>>) target(%dma_start3A_104 : memref<10240x128xf32, #tpu.memory_space<vmem_shared>>) offsets(%dma_start3A_101 : memref<128xi32, #tpu.memory_space<vmem>>) semaphore(%arg14 : memref<!tpu.dma_semaphore, #tpu.memory_space<semaphore_mem>>) {add = true}
    }
    %scan3A_22 = arith.constant 40 : i32
    %dma_wait3A = arith.constant 0 : i32
    %dma_wait3A_23 = arith.constant 0 : i32
    %dma_wait3A_24 = tpu.memref_slice %arg2[%dma_wait3A, %dma_wait3A_23] : memref<10240x128xf32, #tpu.memory_space<hbm>> -> memref<128x128xf32, #tpu.memory_space<hbm>>
    %dma_wait3A_25 = arith.constant 0 : i32
    %dma_wait3A_26 = arith.constant 0 : i32
    %dma_wait3A_27 = tpu.memref_slice %arg2[%dma_wait3A_25, %dma_wait3A_26] : memref<10240x128xf32, #tpu.memory_space<hbm>> -> memref<128x128xf32, #tpu.memory_space<hbm>>
    tpu.wait_dma2 semaphore(%arg13 : memref<!tpu.dma_semaphore, #tpu.memory_space<semaphore_mem>>) src(%dma_wait3A_27 : memref<128x128xf32, #tpu.memory_space<hbm>>) dst(%arg8 : memref<128x128xf32, #tpu.memory_space<vmem>>)
    %dma_wait3A_28 = arith.constant 0 : i32
    %dma_wait3A_29 = arith.constant 0 : i32
    %dma_wait3A_30 = tpu.memref_slice %arg2[%dma_wait3A_28, %dma_wait3A_29] : memref<10240x128xf32, #tpu.memory_space<hbm>> -> memref<128x128xf32, #tpu.memory_space<hbm>>
    %dma_wait3A_31 = arith.constant 0 : i32
    %dma_wait3A_32 = arith.constant 0 : i32
    %dma_wait3A_33 = tpu.memref_slice %arg2[%dma_wait3A_31, %dma_wait3A_32] : memref<10240x128xf32, #tpu.memory_space<hbm>> -> memref<128x128xf32, #tpu.memory_space<hbm>>
    tpu.wait_dma2 semaphore(%arg14 : memref<!tpu.dma_semaphore, #tpu.memory_space<semaphore_mem>>) src(%dma_wait3A_33 : memref<128x128xf32, #tpu.memory_space<hbm>>) dst(%arg9 : memref<128x128xf32, #tpu.memory_space<vmem>>)
    %barrier3A_34 = arith.constant 0 : index
    tpu.barrier barrier_id(%barrier3A_34)
    %scan3A_35 = arith.constant 0 : i32
    %scan3A_36 = arith.constant 0 : i32
    %scan3A_37 = arith.constant 5 : i32
    %scan3A_38 = arith.addi %scan3A_36, %scan3A_37 : i32
    %scan3A_39 = arith.constant 1 : i32
    scf.for %scan3A_41 = %scan3A_36 to %scan3A_38 step %scan3A_39  : i32 {
      %mul3A_42 = arith.constant 128 : i32
      %mul3A_43 = arith.muli %scan3A_41, %mul3A_42 : i32
      %add3A_44 = arith.addi %mul3A_4, %mul3A_43 : i32
      "tpu.region"() ({
        %run_scoped3A = tpu.sem_alloc : memref<!tpu.dma_semaphore, #tpu.memory_space<semaphore_mem>>
        %dma_start3A = arith.constant 0 : i32
        %dma_start3A_45 = tpu.memref_slice %arg5[%arg0, %add3A_44, %dma_start3A] : memref<2x10240x128xf32, #tpu.memory_space<hbm>> -> memref<1x128x128xf32, #tpu.memory_space<hbm>>
        %dma_start3A_46 = tpu.memref_squeeze %dma_start3A_45 : memref<1x128x128xf32, #tpu.memory_space<hbm>> -> memref<128x128xf32, #tpu.memory_space<hbm>>
        %dma_start3A_47 = arith.constant 0 : i32
        %dma_start3A_48 = tpu.memref_slice %arg10[%add3A_44, %dma_start3A_47] : memref<10240x128xf32, #tpu.memory_space<vmem_shared>> -> memref<128x128xf32, #tpu.memory_space<vmem_shared>>
        tpu.enqueue_dma source(%dma_start3A_48 : memref<128x128xf32, #tpu.memory_space<vmem_shared>>) target(%dma_start3A_46 : memref<128x128xf32, #tpu.memory_space<hbm>>) target_semaphore(%run_scoped3A : memref<!tpu.dma_semaphore, #tpu.memory_space<semaphore_mem>>)
        %dma_wait3A_49 = arith.constant 0 : i32
        %dma_wait3A_50 = tpu.memref_slice %arg5[%arg0, %add3A_44, %dma_wait3A_49] : memref<2x10240x128xf32, #tpu.memory_space<hbm>> -> memref<1x128x128xf32, #tpu.memory_space<hbm>>
        %dma_wait3A_51 = tpu.memref_squeeze %dma_wait3A_50 : memref<1x128x128xf32, #tpu.memory_space<hbm>> -> memref<128x128xf32, #tpu.memory_space<hbm>>
        %dma_wait3A_52 = arith.constant 0 : i32
        %dma_wait3A_53 = tpu.memref_slice %arg10[%add3A_44, %dma_wait3A_52] : memref<10240x128xf32, #tpu.memory_space<vmem_shared>> -> memref<128x128xf32, #tpu.memory_space<vmem_shared>>
        tpu.wait_dma2 semaphore(%run_scoped3A : memref<!tpu.dma_semaphore, #tpu.memory_space<semaphore_mem>>) src(%dma_wait3A_53 : memref<128x128xf32, #tpu.memory_space<vmem_shared>>) dst(%dma_wait3A_51 : memref<128x128xf32, #tpu.memory_space<hbm>>)
        tpu.yield
      }) : () -> ()
    }
    %scan3A_40 = arith.constant 5 : i32
    return
  }
}

#map = affine_map<(d0, d1) -> (0, 0)>
#map1 = affine_map<(d0, d1) -> (0, 0, 0)>
module attributes {stable_mosaic.version = 14 : i64} {
  func.func @deg_kernel(%arg0: i32, %arg1: i32, %arg2: memref<2560x128xi32, #tpu.memory_space<hbm>>, %arg3: memref<128x128xf32, #tpu.memory_space<hbm>>, %arg4: memref<2x10240x128xf32, #tpu.memory_space<hbm>>, %arg5: memref<2x128xi32, #tpu.memory_space<vmem>>, %arg6: memref<128x128xf32, #tpu.memory_space<vmem>>, %arg7: memref<128x128xf32, #tpu.memory_space<vmem>>, %arg8: memref<10240x128xf32, #tpu.memory_space<vmem_shared>>, %arg9: memref<!tpu.dma_semaphore, #tpu.memory_space<semaphore_mem>>, %arg10: memref<!tpu.dma_semaphore, #tpu.memory_space<semaphore_mem>>) attributes {dimension_semantics = [#tpu.dimension_semantics<core_parallel>, #tpu.dimension_semantics<subcore_parallel>], iteration_bounds = array<i64: 2, 16>, scalar_prefetch = 0 : i64, scratch_operands = 6 : i64, tpu.core_type = #tpu.core_type<sc_vector_subcore>, window_params = [{transform_indices = #map}, {transform_indices = #map}, {transform_indices = #map1}]} {
    %mul3A = arith.constant 2 : i32
    %mul3A_0 = arith.muli %arg1, %mul3A : i32
    %add3A = arith.addi %mul3A_0, %arg0 : i32
    %mul3A_1 = arith.constant 80 : i32
    %mul3A_2 = arith.muli %add3A, %mul3A_1 : i32
    %mul3A_3 = arith.constant 640 : i32
    %mul3A_4 = arith.muli %arg1, %mul3A_3 : i32
    %broadcast_in_dim3A = arith.constant 0.000000e+00 : f32
    %broadcast_in_dim3A_5 = vector.broadcast %broadcast_in_dim3A : f32 to vector<16xf32>
    %scan3A = arith.constant 0 : i32
    %scan3A_6 = arith.constant 0 : i32
    %scan3A_7 = arith.constant 128 : i32
    %scan3A_8 = arith.addi %scan3A_6, %scan3A_7 : i32
    %scan3A_9 = arith.constant 1 : i32
    scf.for %scan3A_30 = %scan3A_6 to %scan3A_8 step %scan3A_9  : i32 {
      %swap3A = arith.index_cast %scan3A_30 : i32 to index
      %swap3A_31 = arith.constant 0 : index
      %swap3A_32 = tpu.vector_load %arg6[%swap3A, %swap3A_31] {strides = array<i32>} : memref<128x128xf32, #tpu.memory_space<vmem>>, vector<1x16xf32>,
      %swap3A_33 = vector.shape_cast %swap3A_32 : vector<1x16xf32> to vector<16xf32>
      %swap3A_34 = vector.shape_cast %broadcast_in_dim3A_5 : vector<16xf32> to vector<1x16xf32>
      tpu.vector_store %arg6[%swap3A, %swap3A_31], %swap3A_34 {strides = array<i32>} : memref<128x128xf32, #tpu.memory_space<vmem>>, vector<1x16xf32>,
      %swap3A_35 = arith.index_cast %scan3A_30 : i32 to index
      %swap3A_36 = arith.constant 16 : index
      %swap3A_37 = tpu.vector_load %arg6[%swap3A_35, %swap3A_36] {strides = array<i32>} : memref<128x128xf32, #tpu.memory_space<vmem>>, vector<1x16xf32>,
      %swap3A_38 = vector.shape_cast %swap3A_37 : vector<1x16xf32> to vector<16xf32>
      %swap3A_39 = vector.shape_cast %broadcast_in_dim3A_5 : vector<16xf32> to vector<1x16xf32>
      tpu.vector_store %arg6[%swap3A_35, %swap3A_36], %swap3A_39 {strides = array<i32>} : memref<128x128xf32, #tpu.memory_space<vmem>>, vector<1x16xf32>,
      %swap3A_40 = arith.index_cast %scan3A_30 : i32 to index
      %swap3A_41 = arith.constant 32 : index
      %swap3A_42 = tpu.vector_load %arg6[%swap3A_40, %swap3A_41] {strides = array<i32>} : memref<128x128xf32, #tpu.memory_space<vmem>>, vector<1x16xf32>,
      %swap3A_43 = vector.shape_cast %swap3A_42 : vector<1x16xf32> to vector<16xf32>
      %swap3A_44 = vector.shape_cast %broadcast_in_dim3A_5 : vector<16xf32> to vector<1x16xf32>
      tpu.vector_store %arg6[%swap3A_40, %swap3A_41], %swap3A_44 {strides = array<i32>} : memref<128x128xf32, #tpu.memory_space<vmem>>, vector<1x16xf32>,
      %swap3A_45 = arith.index_cast %scan3A_30 : i32 to index
      %swap3A_46 = arith.constant 48 : index
      %swap3A_47 = tpu.vector_load %arg6[%swap3A_45, %swap3A_46] {strides = array<i32>} : memref<128x128xf32, #tpu.memory_space<vmem>>, vector<1x16xf32>,
      %swap3A_48 = vector.shape_cast %swap3A_47 : vector<1x16xf32> to vector<16xf32>
      %swap3A_49 = vector.shape_cast %broadcast_in_dim3A_5 : vector<16xf32> to vector<1x16xf32>
      tpu.vector_store %arg6[%swap3A_45, %swap3A_46], %swap3A_49 {strides = array<i32>} : memref<128x128xf32, #tpu.memory_space<vmem>>, vector<1x16xf32>,
      %swap3A_50 = arith.index_cast %scan3A_30 : i32 to index
      %swap3A_51 = arith.constant 64 : index
      %swap3A_52 = tpu.vector_load %arg6[%swap3A_50, %swap3A_51] {strides = array<i32>} : memref<128x128xf32, #tpu.memory_space<vmem>>, vector<1x16xf32>,
      %swap3A_53 = vector.shape_cast %swap3A_52 : vector<1x16xf32> to vector<16xf32>
      %swap3A_54 = vector.shape_cast %broadcast_in_dim3A_5 : vector<16xf32> to vector<1x16xf32>
      tpu.vector_store %arg6[%swap3A_50, %swap3A_51], %swap3A_54 {strides = array<i32>} : memref<128x128xf32, #tpu.memory_space<vmem>>, vector<1x16xf32>,
      %swap3A_55 = arith.index_cast %scan3A_30 : i32 to index
      %swap3A_56 = arith.constant 80 : index
      %swap3A_57 = tpu.vector_load %arg6[%swap3A_55, %swap3A_56] {strides = array<i32>} : memref<128x128xf32, #tpu.memory_space<vmem>>, vector<1x16xf32>,
      %swap3A_58 = vector.shape_cast %swap3A_57 : vector<1x16xf32> to vector<16xf32>
      %swap3A_59 = vector.shape_cast %broadcast_in_dim3A_5 : vector<16xf32> to vector<1x16xf32>
      tpu.vector_store %arg6[%swap3A_55, %swap3A_56], %swap3A_59 {strides = array<i32>} : memref<128x128xf32, #tpu.memory_space<vmem>>, vector<1x16xf32>,
      %swap3A_60 = arith.index_cast %scan3A_30 : i32 to index
      %swap3A_61 = arith.constant 96 : index
      %swap3A_62 = tpu.vector_load %arg6[%swap3A_60, %swap3A_61] {strides = array<i32>} : memref<128x128xf32, #tpu.memory_space<vmem>>, vector<1x16xf32>,
      %swap3A_63 = vector.shape_cast %swap3A_62 : vector<1x16xf32> to vector<16xf32>
      %swap3A_64 = vector.shape_cast %broadcast_in_dim3A_5 : vector<16xf32> to vector<1x16xf32>
      tpu.vector_store %arg6[%swap3A_60, %swap3A_61], %swap3A_64 {strides = array<i32>} : memref<128x128xf32, #tpu.memory_space<vmem>>, vector<1x16xf32>,
      %swap3A_65 = arith.index_cast %scan3A_30 : i32 to index
      %swap3A_66 = arith.constant 112 : index
      %swap3A_67 = tpu.vector_load %arg6[%swap3A_65, %swap3A_66] {strides = array<i32>} : memref<128x128xf32, #tpu.memory_space<vmem>>, vector<1x16xf32>,
      %swap3A_68 = vector.shape_cast %swap3A_67 : vector<1x16xf32> to vector<16xf32>
      %swap3A_69 = vector.shape_cast %broadcast_in_dim3A_5 : vector<16xf32> to vector<1x16xf32>
      tpu.vector_store %arg6[%swap3A_65, %swap3A_66], %swap3A_69 {strides = array<i32>} : memref<128x128xf32, #tpu.memory_space<vmem>>, vector<1x16xf32>,
    }
    %scan3A_10 = arith.constant 128 : i32
    "tpu.region"() ({
      %run_scoped3A = tpu.sem_alloc : memref<!tpu.dma_semaphore, #tpu.memory_space<semaphore_mem>>
      tpu.enqueue_dma source(%arg3 : memref<128x128xf32, #tpu.memory_space<hbm>>) target(%arg7 : memref<128x128xf32, #tpu.memory_space<vmem>>) target_semaphore(%run_scoped3A : memref<!tpu.dma_semaphore, #tpu.memory_space<semaphore_mem>>)
      tpu.wait_dma2 semaphore(%run_scoped3A : memref<!tpu.dma_semaphore, #tpu.memory_space<semaphore_mem>>) src(%arg3 : memref<128x128xf32, #tpu.memory_space<hbm>>) dst(%arg7 : memref<128x128xf32, #tpu.memory_space<vmem>>)
      tpu.yield
    }) : () -> ()
    %scan3A_11 = arith.constant 0 : i32
    %scan3A_12 = arith.constant 0 : i32
    %scan3A_13 = arith.constant 5 : i32
    %scan3A_14 = arith.addi %scan3A_12, %scan3A_13 : i32
    %scan3A_15 = arith.constant 1 : i32
    scf.for %scan3A_30 = %scan3A_12 to %scan3A_14 step %scan3A_15  : i32 {
      %mul3A_31 = arith.constant 128 : i32
      %mul3A_32 = arith.muli %scan3A_30, %mul3A_31 : i32
      %add3A_33 = arith.addi %mul3A_4, %mul3A_32 : i32
      "tpu.region"() ({
        %run_scoped3A = tpu.sem_alloc : memref<!tpu.dma_semaphore, #tpu.memory_space<semaphore_mem>>
        %dma_start3A = arith.constant 0 : i32
        %dma_start3A_34 = tpu.memref_slice %arg8[%add3A_33, %dma_start3A] : memref<10240x128xf32, #tpu.memory_space<vmem_shared>> -> memref<128x128xf32, #tpu.memory_space<vmem_shared>>
        %dma_start3A_35 = arith.constant 0 : i32
        %dma_start3A_36 = tpu.memref_slice %arg8[%add3A_33, %dma_start3A_35] : memref<10240x128xf32, #tpu.memory_space<vmem_shared>> -> memref<128x128xf32, #tpu.memory_space<vmem_shared>>
        tpu.enqueue_dma source(%arg6 : memref<128x128xf32, #tpu.memory_space<vmem>>) target(%dma_start3A_36 : memref<128x128xf32, #tpu.memory_space<vmem_shared>>) target_semaphore(%run_scoped3A : memref<!tpu.dma_semaphore, #tpu.memory_space<semaphore_mem>>)
        %dma_wait3A = arith.constant 0 : i32
        %dma_wait3A_37 = tpu.memref_slice %arg8[%add3A_33, %dma_wait3A] : memref<10240x128xf32, #tpu.memory_space<vmem_shared>> -> memref<128x128xf32, #tpu.memory_space<vmem_shared>>
        %dma_wait3A_38 = arith.constant 0 : i32
        %dma_wait3A_39 = tpu.memref_slice %arg8[%add3A_33, %dma_wait3A_38] : memref<10240x128xf32, #tpu.memory_space<vmem_shared>> -> memref<128x128xf32, #tpu.memory_space<vmem_shared>>
        tpu.wait_dma2 semaphore(%run_scoped3A : memref<!tpu.dma_semaphore, #tpu.memory_space<semaphore_mem>>) src(%arg6 : memref<128x128xf32, #tpu.memory_space<vmem>>) dst(%dma_wait3A_39 : memref<128x128xf32, #tpu.memory_space<vmem_shared>>)
        tpu.yield
      }) : () -> ()
    }
    %scan3A_16 = arith.constant 5 : i32
    %barrier3A = arith.constant 0 : index
    tpu.barrier barrier_id(%barrier3A)
    %scan3A_17 = arith.constant 0 : i32
    %scan3A_18 = arith.constant 0 : i32
    %scan3A_19 = arith.constant 40 : i32
    %scan3A_20 = arith.addi %scan3A_18, %scan3A_19 : i32
    %scan3A_21 = arith.constant 1 : i32
    scf.for %scan3A_30 = %scan3A_18 to %scan3A_20 step %scan3A_21  : i32 {
      %mul3A_31 = arith.constant 2 : i32
      %mul3A_32 = arith.muli %scan3A_30, %mul3A_31 : i32
      %gt3A = arith.constant 0 : i32
      %gt3A_33 = arith.cmpi sgt, %scan3A_30, %gt3A : i32
      %convert_element_type3A = arith.extui %gt3A_33 : i1 to i32
      %cond3A = arith.constant 0 : i32
      %cond3A_34 = arith.cmpi ne, %convert_element_type3A, %cond3A : i32
      scf.if %cond3A_34 {
        tpu.wait_dma2 semaphore(%arg9 : memref<!tpu.dma_semaphore, #tpu.memory_space<semaphore_mem>>) src(%arg3 : memref<128x128xf32, #tpu.memory_space<hbm>>) dst(%arg7 : memref<128x128xf32, #tpu.memory_space<vmem>>)
      } else {
      }
      %add3A_35 = arith.addi %mul3A_2, %mul3A_32 : i32
      %add3A_36 = arith.constant 0 : i32
      %add3A_37 = arith.addi %add3A_35, %add3A_36 : i32
      %run_scoped3A = arith.constant 0 : i32
      "tpu.region"() ({
        %run_scoped3A_60 = tpu.sem_alloc : memref<!tpu.dma_semaphore, #tpu.memory_space<semaphore_mem>>
        %dma_start3A_61 = arith.constant 0 : i32
        %dma_start3A_62 = tpu.memref_slice %arg5[%run_scoped3A, %dma_start3A_61] : memref<2x128xi32, #tpu.memory_space<vmem>> -> memref<1x128xi32, #tpu.memory_space<vmem>>
        %dma_start3A_63 = tpu.memref_squeeze %dma_start3A_62 : memref<1x128xi32, #tpu.memory_space<vmem>> -> memref<128xi32, #tpu.memory_space<vmem>>
        %dma_start3A_64 = arith.constant 0 : i32
        %dma_start3A_65 = tpu.memref_slice %arg2[%add3A_37, %dma_start3A_64] : memref<2560x128xi32, #tpu.memory_space<hbm>> -> memref<1x128xi32, #tpu.memory_space<hbm>>
        %dma_start3A_66 = tpu.memref_squeeze %dma_start3A_65 : memref<1x128xi32, #tpu.memory_space<hbm>> -> memref<128xi32, #tpu.memory_space<hbm>>
        %dma_start3A_67 = arith.constant 0 : i32
        %dma_start3A_68 = tpu.memref_slice %arg5[%run_scoped3A, %dma_start3A_67] : memref<2x128xi32, #tpu.memory_space<vmem>> -> memref<1x128xi32, #tpu.memory_space<vmem>>
        %dma_start3A_69 = tpu.memref_squeeze %dma_start3A_68 : memref<1x128xi32, #tpu.memory_space<vmem>> -> memref<128xi32, #tpu.memory_space<vmem>>
        %dma_start3A_70 = arith.constant 0 : i32
        %dma_start3A_71 = tpu.memref_slice %arg2[%add3A_37, %dma_start3A_70] : memref<2560x128xi32, #tpu.memory_space<hbm>> -> memref<1x128xi32, #tpu.memory_space<hbm>>
        %dma_start3A_72 = tpu.memref_squeeze %dma_start3A_71 : memref<1x128xi32, #tpu.memory_space<hbm>> -> memref<128xi32, #tpu.memory_space<hbm>>
        tpu.enqueue_dma source(%dma_start3A_72 : memref<128xi32, #tpu.memory_space<hbm>>) target(%dma_start3A_69 : memref<128xi32, #tpu.memory_space<vmem>>) target_semaphore(%run_scoped3A_60 : memref<!tpu.dma_semaphore, #tpu.memory_space<semaphore_mem>>)
        %dma_wait3A = arith.constant 0 : i32
        %dma_wait3A_73 = tpu.memref_slice %arg5[%run_scoped3A, %dma_wait3A] : memref<2x128xi32, #tpu.memory_space<vmem>> -> memref<1x128xi32, #tpu.memory_space<vmem>>
        %dma_wait3A_74 = tpu.memref_squeeze %dma_wait3A_73 : memref<1x128xi32, #tpu.memory_space<vmem>> -> memref<128xi32, #tpu.memory_space<vmem>>
        %dma_wait3A_75 = arith.constant 0 : i32
        %dma_wait3A_76 = tpu.memref_slice %arg2[%add3A_37, %dma_wait3A_75] : memref<2560x128xi32, #tpu.memory_space<hbm>> -> memref<1x128xi32, #tpu.memory_space<hbm>>
        %dma_wait3A_77 = tpu.memref_squeeze %dma_wait3A_76 : memref<1x128xi32, #tpu.memory_space<hbm>> -> memref<128xi32, #tpu.memory_space<hbm>>
        %dma_wait3A_78 = arith.constant 0 : i32
        %dma_wait3A_79 = tpu.memref_slice %arg5[%run_scoped3A, %dma_wait3A_78] : memref<2x128xi32, #tpu.memory_space<vmem>> -> memref<1x128xi32, #tpu.memory_space<vmem>>
        %dma_wait3A_80 = tpu.memref_squeeze %dma_wait3A_79 : memref<1x128xi32, #tpu.memory_space<vmem>> -> memref<128xi32, #tpu.memory_space<vmem>>
        %dma_wait3A_81 = arith.constant 0 : i32
        %dma_wait3A_82 = tpu.memref_slice %arg2[%add3A_37, %dma_wait3A_81] : memref<2560x128xi32, #tpu.memory_space<hbm>> -> memref<1x128xi32, #tpu.memory_space<hbm>>
        %dma_wait3A_83 = tpu.memref_squeeze %dma_wait3A_82 : memref<1x128xi32, #tpu.memory_space<hbm>> -> memref<128xi32, #tpu.memory_space<hbm>>
        tpu.wait_dma2 semaphore(%run_scoped3A_60 : memref<!tpu.dma_semaphore, #tpu.memory_space<semaphore_mem>>) src(%dma_wait3A_83 : memref<128xi32, #tpu.memory_space<hbm>>) dst(%dma_wait3A_80 : memref<128xi32, #tpu.memory_space<vmem>>)
        tpu.yield
      }) : () -> ()
      %dma_start3A = arith.constant 0 : i32
      %dma_start3A_38 = arith.constant 0 : i32
      %dma_start3A_39 = tpu.memref_slice %arg5[%dma_start3A, %dma_start3A_38] : memref<2x128xi32, #tpu.memory_space<vmem>> -> memref<1x128xi32, #tpu.memory_space<vmem>>
      %dma_start3A_40 = tpu.memref_squeeze %dma_start3A_39 : memref<1x128xi32, #tpu.memory_space<vmem>> -> memref<128xi32, #tpu.memory_space<vmem>>
      %dma_start3A_41 = arith.constant 0 : i32
      %dma_start3A_42 = arith.constant 0 : i32
      %dma_start3A_43 = tpu.memref_slice %arg8[%dma_start3A_41, %dma_start3A_42] : memref<10240x128xf32, #tpu.memory_space<vmem_shared>> -> memref<10240x128xf32, #tpu.memory_space<vmem_shared>>
      tpu.enqueue_indirect_dma source(%arg7 : memref<128x128xf32, #tpu.memory_space<vmem>>) target(%dma_start3A_43 : memref<10240x128xf32, #tpu.memory_space<vmem_shared>>) offsets(%dma_start3A_40 : memref<128xi32, #tpu.memory_space<vmem>>) semaphore(%arg9 : memref<!tpu.dma_semaphore, #tpu.memory_space<semaphore_mem>>) {add = true}
      %gt3A_44 = arith.constant 0 : i32
      %gt3A_45 = arith.cmpi sgt, %scan3A_30, %gt3A_44 : i32
      %convert_element_type3A_46 = arith.extui %gt3A_45 : i1 to i32
      %cond3A_47 = arith.constant 0 : i32
      %cond3A_48 = arith.cmpi ne, %convert_element_type3A_46, %cond3A_47 : i32
      scf.if %cond3A_48 {
        tpu.wait_dma2 semaphore(%arg10 : memref<!tpu.dma_semaphore, #tpu.memory_space<semaphore_mem>>) src(%arg3 : memref<128x128xf32, #tpu.memory_space<hbm>>) dst(%arg7 : memref<128x128xf32, #tpu.memory_space<vmem>>)
      } else {
      }
      %add3A_49 = arith.addi %mul3A_2, %mul3A_32 : i32
      %add3A_50 = arith.constant 1 : i32
      %add3A_51 = arith.addi %add3A_49, %add3A_50 : i32
      %run_scoped3A_52 = arith.constant 1 : i32
      "tpu.region"() ({
        %run_scoped3A_60 = tpu.sem_alloc : memref<!tpu.dma_semaphore, #tpu.memory_space<semaphore_mem>>
        %dma_start3A_61 = arith.constant 0 : i32
        %dma_start3A_62 = tpu.memref_slice %arg5[%run_scoped3A_52, %dma_start3A_61] : memref<2x128xi32, #tpu.memory_space<vmem>> -> memref<1x128xi32, #tpu.memory_space<vmem>>
        %dma_start3A_63 = tpu.memref_squeeze %dma_start3A_62 : memref<1x128xi32, #tpu.memory_space<vmem>> -> memref<128xi32, #tpu.memory_space<vmem>>
        %dma_start3A_64 = arith.constant 0 : i32
        %dma_start3A_65 = tpu.memref_slice %arg2[%add3A_51, %dma_start3A_64] : memref<2560x128xi32, #tpu.memory_space<hbm>> -> memref<1x128xi32, #tpu.memory_space<hbm>>
        %dma_start3A_66 = tpu.memref_squeeze %dma_start3A_65 : memref<1x128xi32, #tpu.memory_space<hbm>> -> memref<128xi32, #tpu.memory_space<hbm>>
        %dma_start3A_67 = arith.constant 0 : i32
        %dma_start3A_68 = tpu.memref_slice %arg5[%run_scoped3A_52, %dma_start3A_67] : memref<2x128xi32, #tpu.memory_space<vmem>> -> memref<1x128xi32, #tpu.memory_space<vmem>>
        %dma_start3A_69 = tpu.memref_squeeze %dma_start3A_68 : memref<1x128xi32, #tpu.memory_space<vmem>> -> memref<128xi32, #tpu.memory_space<vmem>>
        %dma_start3A_70 = arith.constant 0 : i32
        %dma_start3A_71 = tpu.memref_slice %arg2[%add3A_51, %dma_start3A_70] : memref<2560x128xi32, #tpu.memory_space<hbm>> -> memref<1x128xi32, #tpu.memory_space<hbm>>
        %dma_start3A_72 = tpu.memref_squeeze %dma_start3A_71 : memref<1x128xi32, #tpu.memory_space<hbm>> -> memref<128xi32, #tpu.memory_space<hbm>>
        tpu.enqueue_dma source(%dma_start3A_72 : memref<128xi32, #tpu.memory_space<hbm>>) target(%dma_start3A_69 : memref<128xi32, #tpu.memory_space<vmem>>) target_semaphore(%run_scoped3A_60 : memref<!tpu.dma_semaphore, #tpu.memory_space<semaphore_mem>>)
        %dma_wait3A = arith.constant 0 : i32
        %dma_wait3A_73 = tpu.memref_slice %arg5[%run_scoped3A_52, %dma_wait3A] : memref<2x128xi32, #tpu.memory_space<vmem>> -> memref<1x128xi32, #tpu.memory_space<vmem>>
        %dma_wait3A_74 = tpu.memref_squeeze %dma_wait3A_73 : memref<1x128xi32, #tpu.memory_space<vmem>> -> memref<128xi32, #tpu.memory_space<vmem>>
        %dma_wait3A_75 = arith.constant 0 : i32
        %dma_wait3A_76 = tpu.memref_slice %arg2[%add3A_51, %dma_wait3A_75] : memref<2560x128xi32, #tpu.memory_space<hbm>> -> memref<1x128xi32, #tpu.memory_space<hbm>>
        %dma_wait3A_77 = tpu.memref_squeeze %dma_wait3A_76 : memref<1x128xi32, #tpu.memory_space<hbm>> -> memref<128xi32, #tpu.memory_space<hbm>>
        %dma_wait3A_78 = arith.constant 0 : i32
        %dma_wait3A_79 = tpu.memref_slice %arg5[%run_scoped3A_52, %dma_wait3A_78] : memref<2x128xi32, #tpu.memory_space<vmem>> -> memref<1x128xi32, #tpu.memory_space<vmem>>
        %dma_wait3A_80 = tpu.memref_squeeze %dma_wait3A_79 : memref<1x128xi32, #tpu.memory_space<vmem>> -> memref<128xi32, #tpu.memory_space<vmem>>
        %dma_wait3A_81 = arith.constant 0 : i32
        %dma_wait3A_82 = tpu.memref_slice %arg2[%add3A_51, %dma_wait3A_81] : memref<2560x128xi32, #tpu.memory_space<hbm>> -> memref<1x128xi32, #tpu.memory_space<hbm>>
        %dma_wait3A_83 = tpu.memref_squeeze %dma_wait3A_82 : memref<1x128xi32, #tpu.memory_space<hbm>> -> memref<128xi32, #tpu.memory_space<hbm>>
        tpu.wait_dma2 semaphore(%run_scoped3A_60 : memref<!tpu.dma_semaphore, #tpu.memory_space<semaphore_mem>>) src(%dma_wait3A_83 : memref<128xi32, #tpu.memory_space<hbm>>) dst(%dma_wait3A_80 : memref<128xi32, #tpu.memory_space<vmem>>)
        tpu.yield
      }) : () -> ()
      %dma_start3A_53 = arith.constant 1 : i32
      %dma_start3A_54 = arith.constant 0 : i32
      %dma_start3A_55 = tpu.memref_slice %arg5[%dma_start3A_53, %dma_start3A_54] : memref<2x128xi32, #tpu.memory_space<vmem>> -> memref<1x128xi32, #tpu.memory_space<vmem>>
      %dma_start3A_56 = tpu.memref_squeeze %dma_start3A_55 : memref<1x128xi32, #tpu.memory_space<vmem>> -> memref<128xi32, #tpu.memory_space<vmem>>
      %dma_start3A_57 = arith.constant 0 : i32
      %dma_start3A_58 = arith.constant 0 : i32
      %dma_start3A_59 = tpu.memref_slice %arg8[%dma_start3A_57, %dma_start3A_58] : memref<10240x128xf32, #tpu.memory_space<vmem_shared>> -> memref<10240x128xf32, #tpu.memory_space<vmem_shared>>
      tpu.enqueue_indirect_dma source(%arg7 : memref<128x128xf32, #tpu.memory_space<vmem>>) target(%dma_start3A_59 : memref<10240x128xf32, #tpu.memory_space<vmem_shared>>) offsets(%dma_start3A_56 : memref<128xi32, #tpu.memory_space<vmem>>) semaphore(%arg10 : memref<!tpu.dma_semaphore, #tpu.memory_space<semaphore_mem>>) {add = true}
    }
    %scan3A_22 = arith.constant 40 : i32
    tpu.wait_dma2 semaphore(%arg9 : memref<!tpu.dma_semaphore, #tpu.memory_space<semaphore_mem>>) src(%arg3 : memref<128x128xf32, #tpu.memory_space<hbm>>) dst(%arg7 : memref<128x128xf32, #tpu.memory_space<vmem>>)
    tpu.wait_dma2 semaphore(%arg10 : memref<!tpu.dma_semaphore, #tpu.memory_space<semaphore_mem>>) src(%arg3 : memref<128x128xf32, #tpu.memory_space<hbm>>) dst(%arg7 : memref<128x128xf32, #tpu.memory_space<vmem>>)
    %barrier3A_23 = arith.constant 0 : index
    tpu.barrier barrier_id(%barrier3A_23)
    %scan3A_24 = arith.constant 0 : i32
    %scan3A_25 = arith.constant 0 : i32
    %scan3A_26 = arith.constant 5 : i32
    %scan3A_27 = arith.addi %scan3A_25, %scan3A_26 : i32
    %scan3A_28 = arith.constant 1 : i32
    scf.for %scan3A_30 = %scan3A_25 to %scan3A_27 step %scan3A_28  : i32 {
      %mul3A_31 = arith.constant 128 : i32
      %mul3A_32 = arith.muli %scan3A_30, %mul3A_31 : i32
      %add3A_33 = arith.addi %mul3A_4, %mul3A_32 : i32
      "tpu.region"() ({
        %run_scoped3A = tpu.sem_alloc : memref<!tpu.dma_semaphore, #tpu.memory_space<semaphore_mem>>
        %dma_start3A = arith.constant 0 : i32
        %dma_start3A_34 = tpu.memref_slice %arg4[%arg0, %add3A_33, %dma_start3A] : memref<2x10240x128xf32, #tpu.memory_space<hbm>> -> memref<1x128x128xf32, #tpu.memory_space<hbm>>
        %dma_start3A_35 = tpu.memref_squeeze %dma_start3A_34 : memref<1x128x128xf32, #tpu.memory_space<hbm>> -> memref<128x128xf32, #tpu.memory_space<hbm>>
        %dma_start3A_36 = arith.constant 0 : i32
        %dma_start3A_37 = tpu.memref_slice %arg8[%add3A_33, %dma_start3A_36] : memref<10240x128xf32, #tpu.memory_space<vmem_shared>> -> memref<128x128xf32, #tpu.memory_space<vmem_shared>>
        tpu.enqueue_dma source(%dma_start3A_37 : memref<128x128xf32, #tpu.memory_space<vmem_shared>>) target(%dma_start3A_35 : memref<128x128xf32, #tpu.memory_space<hbm>>) target_semaphore(%run_scoped3A : memref<!tpu.dma_semaphore, #tpu.memory_space<semaphore_mem>>)
        %dma_wait3A = arith.constant 0 : i32
        %dma_wait3A_38 = tpu.memref_slice %arg4[%arg0, %add3A_33, %dma_wait3A] : memref<2x10240x128xf32, #tpu.memory_space<hbm>> -> memref<1x128x128xf32, #tpu.memory_space<hbm>>
        %dma_wait3A_39 = tpu.memref_squeeze %dma_wait3A_38 : memref<1x128x128xf32, #tpu.memory_space<hbm>> -> memref<128x128xf32, #tpu.memory_space<hbm>>
        %dma_wait3A_40 = arith.constant 0 : i32
        %dma_wait3A_41 = tpu.memref_slice %arg8[%add3A_33, %dma_wait3A_40] : memref<10240x128xf32, #tpu.memory_space<vmem_shared>> -> memref<128x128xf32, #tpu.memory_space<vmem_shared>>
        tpu.wait_dma2 semaphore(%run_scoped3A : memref<!tpu.dma_semaphore, #tpu.memory_space<semaphore_mem>>) src(%dma_wait3A_41 : memref<128x128xf32, #tpu.memory_space<vmem_shared>>) dst(%dma_wait3A_39 : memref<128x128xf32, #tpu.memory_space<hbm>>)
        tpu.yield
      }) : () -> ()
    }
    %scan3A_29 = arith.constant 5 : i32
    return
  }
}

#map = affine_map<(d0, d1) -> (0, 0)>
#map1 = affine_map<(d0, d1) -> (0, 0, 0)>
module attributes {stable_mosaic.version = 14 : i64} {
  func.func @agg_kernel(%arg0: i32, %arg1: i32, %arg2: memref<10240x128xf32, #tpu.memory_space<hbm>>, %arg3: memref<2560x128xi32, #tpu.memory_space<hbm>>, %arg4: memref<2560x128xi32, #tpu.memory_space<hbm>>, %arg5: memref<2x10240x128xf32, #tpu.memory_space<hbm>>, %arg6: memref<2x128xi32, #tpu.memory_space<vmem>>, %arg7: memref<2x128xi32, #tpu.memory_space<vmem>>, %arg8: memref<128x128xf32, #tpu.memory_space<vmem>>, %arg9: memref<128x128xf32, #tpu.memory_space<vmem>>, %arg10: memref<10240x128xf32, #tpu.memory_space<vmem_shared>>, %arg11: memref<!tpu.dma_semaphore, #tpu.memory_space<semaphore_mem>>, %arg12: memref<!tpu.dma_semaphore, #tpu.memory_space<semaphore_mem>>, %arg13: memref<!tpu.dma_semaphore, #tpu.memory_space<semaphore_mem>>, %arg14: memref<!tpu.dma_semaphore, #tpu.memory_space<semaphore_mem>>) attributes {dimension_semantics = [#tpu.dimension_semantics<core_parallel>, #tpu.dimension_semantics<subcore_parallel>], iteration_bounds = array<i64: 2, 16>, scalar_prefetch = 0 : i64, scratch_operands = 9 : i64, tpu.core_type = #tpu.core_type<sc_vector_subcore>, window_params = [{transform_indices = #map}, {transform_indices = #map}, {transform_indices = #map}, {transform_indices = #map1}]} {
    %mul3A = arith.constant 2 : i32
    %mul3A_0 = arith.muli %arg1, %mul3A : i32
    %add3A = arith.addi %mul3A_0, %arg0 : i32
    %mul3A_1 = arith.constant 80 : i32
    %mul3A_2 = arith.muli %add3A, %mul3A_1 : i32
    %mul3A_3 = arith.constant 640 : i32
    %mul3A_4 = arith.muli %arg1, %mul3A_3 : i32
    %broadcast_in_dim3A = arith.constant 0.000000e+00 : f32
    %broadcast_in_dim3A_5 = vector.broadcast %broadcast_in_dim3A : f32 to vector<16xf32>
    %scan3A = arith.constant 0 : i32
    %scan3A_6 = arith.constant 0 : i32
    %scan3A_7 = arith.constant 128 : i32
    %scan3A_8 = arith.addi %scan3A_6, %scan3A_7 : i32
    %scan3A_9 = arith.constant 1 : i32
    scf.for %scan3A_41 = %scan3A_6 to %scan3A_8 step %scan3A_9  : i32 {
      %swap3A = arith.index_cast %scan3A_41 : i32 to index
      %swap3A_42 = arith.constant 0 : index
      %swap3A_43 = tpu.vector_load %arg8[%swap3A, %swap3A_42] {strides = array<i32>} : memref<128x128xf32, #tpu.memory_space<vmem>>, vector<1x16xf32>,
      %swap3A_44 = vector.shape_cast %swap3A_43 : vector<1x16xf32> to vector<16xf32>
      %swap3A_45 = vector.shape_cast %broadcast_in_dim3A_5 : vector<16xf32> to vector<1x16xf32>
      tpu.vector_store %arg8[%swap3A, %swap3A_42], %swap3A_45 {strides = array<i32>} : memref<128x128xf32, #tpu.memory_space<vmem>>, vector<1x16xf32>,
      %swap3A_46 = arith.index_cast %scan3A_41 : i32 to index
      %swap3A_47 = arith.constant 16 : index
      %swap3A_48 = tpu.vector_load %arg8[%swap3A_46, %swap3A_47] {strides = array<i32>} : memref<128x128xf32, #tpu.memory_space<vmem>>, vector<1x16xf32>,
      %swap3A_49 = vector.shape_cast %swap3A_48 : vector<1x16xf32> to vector<16xf32>
      %swap3A_50 = vector.shape_cast %broadcast_in_dim3A_5 : vector<16xf32> to vector<1x16xf32>
      tpu.vector_store %arg8[%swap3A_46, %swap3A_47], %swap3A_50 {strides = array<i32>} : memref<128x128xf32, #tpu.memory_space<vmem>>, vector<1x16xf32>,
      %swap3A_51 = arith.index_cast %scan3A_41 : i32 to index
      %swap3A_52 = arith.constant 32 : index
      %swap3A_53 = tpu.vector_load %arg8[%swap3A_51, %swap3A_52] {strides = array<i32>} : memref<128x128xf32, #tpu.memory_space<vmem>>, vector<1x16xf32>,
      %swap3A_54 = vector.shape_cast %swap3A_53 : vector<1x16xf32> to vector<16xf32>
      %swap3A_55 = vector.shape_cast %broadcast_in_dim3A_5 : vector<16xf32> to vector<1x16xf32>
      tpu.vector_store %arg8[%swap3A_51, %swap3A_52], %swap3A_55 {strides = array<i32>} : memref<128x128xf32, #tpu.memory_space<vmem>>, vector<1x16xf32>,
      %swap3A_56 = arith.index_cast %scan3A_41 : i32 to index
      %swap3A_57 = arith.constant 48 : index
      %swap3A_58 = tpu.vector_load %arg8[%swap3A_56, %swap3A_57] {strides = array<i32>} : memref<128x128xf32, #tpu.memory_space<vmem>>, vector<1x16xf32>,
      %swap3A_59 = vector.shape_cast %swap3A_58 : vector<1x16xf32> to vector<16xf32>
      %swap3A_60 = vector.shape_cast %broadcast_in_dim3A_5 : vector<16xf32> to vector<1x16xf32>
      tpu.vector_store %arg8[%swap3A_56, %swap3A_57], %swap3A_60 {strides = array<i32>} : memref<128x128xf32, #tpu.memory_space<vmem>>, vector<1x16xf32>,
      %swap3A_61 = arith.index_cast %scan3A_41 : i32 to index
      %swap3A_62 = arith.constant 64 : index
      %swap3A_63 = tpu.vector_load %arg8[%swap3A_61, %swap3A_62] {strides = array<i32>} : memref<128x128xf32, #tpu.memory_space<vmem>>, vector<1x16xf32>,
      %swap3A_64 = vector.shape_cast %swap3A_63 : vector<1x16xf32> to vector<16xf32>
      %swap3A_65 = vector.shape_cast %broadcast_in_dim3A_5 : vector<16xf32> to vector<1x16xf32>
      tpu.vector_store %arg8[%swap3A_61, %swap3A_62], %swap3A_65 {strides = array<i32>} : memref<128x128xf32, #tpu.memory_space<vmem>>, vector<1x16xf32>,
      %swap3A_66 = arith.index_cast %scan3A_41 : i32 to index
      %swap3A_67 = arith.constant 80 : index
      %swap3A_68 = tpu.vector_load %arg8[%swap3A_66, %swap3A_67] {strides = array<i32>} : memref<128x128xf32, #tpu.memory_space<vmem>>, vector<1x16xf32>,
      %swap3A_69 = vector.shape_cast %swap3A_68 : vector<1x16xf32> to vector<16xf32>
      %swap3A_70 = vector.shape_cast %broadcast_in_dim3A_5 : vector<16xf32> to vector<1x16xf32>
      tpu.vector_store %arg8[%swap3A_66, %swap3A_67], %swap3A_70 {strides = array<i32>} : memref<128x128xf32, #tpu.memory_space<vmem>>, vector<1x16xf32>,
      %swap3A_71 = arith.index_cast %scan3A_41 : i32 to index
      %swap3A_72 = arith.constant 96 : index
      %swap3A_73 = tpu.vector_load %arg8[%swap3A_71, %swap3A_72] {strides = array<i32>} : memref<128x128xf32, #tpu.memory_space<vmem>>, vector<1x16xf32>,
      %swap3A_74 = vector.shape_cast %swap3A_73 : vector<1x16xf32> to vector<16xf32>
      %swap3A_75 = vector.shape_cast %broadcast_in_dim3A_5 : vector<16xf32> to vector<1x16xf32>
      tpu.vector_store %arg8[%swap3A_71, %swap3A_72], %swap3A_75 {strides = array<i32>} : memref<128x128xf32, #tpu.memory_space<vmem>>, vector<1x16xf32>,
      %swap3A_76 = arith.index_cast %scan3A_41 : i32 to index
      %swap3A_77 = arith.constant 112 : index
      %swap3A_78 = tpu.vector_load %arg8[%swap3A_76, %swap3A_77] {strides = array<i32>} : memref<128x128xf32, #tpu.memory_space<vmem>>, vector<1x16xf32>,
      %swap3A_79 = vector.shape_cast %swap3A_78 : vector<1x16xf32> to vector<16xf32>
      %swap3A_80 = vector.shape_cast %broadcast_in_dim3A_5 : vector<16xf32> to vector<1x16xf32>
      tpu.vector_store %arg8[%swap3A_76, %swap3A_77], %swap3A_80 {strides = array<i32>} : memref<128x128xf32, #tpu.memory_space<vmem>>, vector<1x16xf32>,
    }
    %scan3A_10 = arith.constant 128 : i32
    %scan3A_11 = arith.constant 0 : i32
    %scan3A_12 = arith.constant 0 : i32
    %scan3A_13 = arith.constant 5 : i32
    %scan3A_14 = arith.addi %scan3A_12, %scan3A_13 : i32
    %scan3A_15 = arith.constant 1 : i32
    scf.for %scan3A_41 = %scan3A_12 to %scan3A_14 step %scan3A_15  : i32 {
      %mul3A_42 = arith.constant 128 : i32
      %mul3A_43 = arith.muli %scan3A_41, %mul3A_42 : i32
      %add3A_44 = arith.addi %mul3A_4, %mul3A_43 : i32
      "tpu.region"() ({
        %run_scoped3A = tpu.sem_alloc : memref<!tpu.dma_semaphore, #tpu.memory_space<semaphore_mem>>
        %dma_start3A = arith.constant 0 : i32
        %dma_start3A_45 = tpu.memref_slice %arg10[%add3A_44, %dma_start3A] : memref<10240x128xf32, #tpu.memory_space<vmem_shared>> -> memref<128x128xf32, #tpu.memory_space<vmem_shared>>
        %dma_start3A_46 = arith.constant 0 : i32
        %dma_start3A_47 = tpu.memref_slice %arg10[%add3A_44, %dma_start3A_46] : memref<10240x128xf32, #tpu.memory_space<vmem_shared>> -> memref<128x128xf32, #tpu.memory_space<vmem_shared>>
        tpu.enqueue_dma source(%arg8 : memref<128x128xf32, #tpu.memory_space<vmem>>) target(%dma_start3A_47 : memref<128x128xf32, #tpu.memory_space<vmem_shared>>) target_semaphore(%run_scoped3A : memref<!tpu.dma_semaphore, #tpu.memory_space<semaphore_mem>>)
        %dma_wait3A_48 = arith.constant 0 : i32
        %dma_wait3A_49 = tpu.memref_slice %arg10[%add3A_44, %dma_wait3A_48] : memref<10240x128xf32, #tpu.memory_space<vmem_shared>> -> memref<128x128xf32, #tpu.memory_space<vmem_shared>>
        %dma_wait3A_50 = arith.constant 0 : i32
        %dma_wait3A_51 = tpu.memref_slice %arg10[%add3A_44, %dma_wait3A_50] : memref<10240x128xf32, #tpu.memory_space<vmem_shared>> -> memref<128x128xf32, #tpu.memory_space<vmem_shared>>
        tpu.wait_dma2 semaphore(%run_scoped3A : memref<!tpu.dma_semaphore, #tpu.memory_space<semaphore_mem>>) src(%arg8 : memref<128x128xf32, #tpu.memory_space<vmem>>) dst(%dma_wait3A_51 : memref<128x128xf32, #tpu.memory_space<vmem_shared>>)
        tpu.yield
      }) : () -> ()
    }
    %scan3A_16 = arith.constant 5 : i32
    %barrier3A = arith.constant 0 : index
    tpu.barrier barrier_id(%barrier3A)
    %scan3A_17 = arith.constant 0 : i32
    %scan3A_18 = arith.constant 0 : i32
    %scan3A_19 = arith.constant 40 : i32
    %scan3A_20 = arith.addi %scan3A_18, %scan3A_19 : i32
    %scan3A_21 = arith.constant 1 : i32
    scf.for %scan3A_41 = %scan3A_18 to %scan3A_20 step %scan3A_21  : i32 {
      %mul3A_42 = arith.constant 2 : i32
      %mul3A_43 = arith.muli %scan3A_41, %mul3A_42 : i32
      %add3A_44 = arith.addi %mul3A_2, %mul3A_43 : i32
      %add3A_45 = arith.constant 0 : i32
      %add3A_46 = arith.addi %add3A_44, %add3A_45 : i32
      %run_scoped3A = arith.constant 0 : i32
      "tpu.region"() ({
        %run_scoped3A_105 = tpu.sem_alloc : memref<!tpu.dma_semaphore, #tpu.memory_space<semaphore_mem>>
        %dma_start3A_106 = arith.constant 0 : i32
        %dma_start3A_107 = tpu.memref_slice %arg6[%run_scoped3A, %dma_start3A_106] : memref<2x128xi32, #tpu.memory_space<vmem>> -> memref<1x128xi32, #tpu.memory_space<vmem>>
        %dma_start3A_108 = tpu.memref_squeeze %dma_start3A_107 : memref<1x128xi32, #tpu.memory_space<vmem>> -> memref<128xi32, #tpu.memory_space<vmem>>
        %dma_start3A_109 = arith.constant 0 : i32
        %dma_start3A_110 = tpu.memref_slice %arg3[%add3A_46, %dma_start3A_109] : memref<2560x128xi32, #tpu.memory_space<hbm>> -> memref<1x128xi32, #tpu.memory_space<hbm>>
        %dma_start3A_111 = tpu.memref_squeeze %dma_start3A_110 : memref<1x128xi32, #tpu.memory_space<hbm>> -> memref<128xi32, #tpu.memory_space<hbm>>
        %dma_start3A_112 = arith.constant 0 : i32
        %dma_start3A_113 = tpu.memref_slice %arg6[%run_scoped3A, %dma_start3A_112] : memref<2x128xi32, #tpu.memory_space<vmem>> -> memref<1x128xi32, #tpu.memory_space<vmem>>
        %dma_start3A_114 = tpu.memref_squeeze %dma_start3A_113 : memref<1x128xi32, #tpu.memory_space<vmem>> -> memref<128xi32, #tpu.memory_space<vmem>>
        %dma_start3A_115 = arith.constant 0 : i32
        %dma_start3A_116 = tpu.memref_slice %arg3[%add3A_46, %dma_start3A_115] : memref<2560x128xi32, #tpu.memory_space<hbm>> -> memref<1x128xi32, #tpu.memory_space<hbm>>
        %dma_start3A_117 = tpu.memref_squeeze %dma_start3A_116 : memref<1x128xi32, #tpu.memory_space<hbm>> -> memref<128xi32, #tpu.memory_space<hbm>>
        tpu.enqueue_dma source(%dma_start3A_117 : memref<128xi32, #tpu.memory_space<hbm>>) target(%dma_start3A_114 : memref<128xi32, #tpu.memory_space<vmem>>) target_semaphore(%run_scoped3A_105 : memref<!tpu.dma_semaphore, #tpu.memory_space<semaphore_mem>>)
        %dma_wait3A_118 = arith.constant 0 : i32
        %dma_wait3A_119 = tpu.memref_slice %arg6[%run_scoped3A, %dma_wait3A_118] : memref<2x128xi32, #tpu.memory_space<vmem>> -> memref<1x128xi32, #tpu.memory_space<vmem>>
        %dma_wait3A_120 = tpu.memref_squeeze %dma_wait3A_119 : memref<1x128xi32, #tpu.memory_space<vmem>> -> memref<128xi32, #tpu.memory_space<vmem>>
        %dma_wait3A_121 = arith.constant 0 : i32
        %dma_wait3A_122 = tpu.memref_slice %arg3[%add3A_46, %dma_wait3A_121] : memref<2560x128xi32, #tpu.memory_space<hbm>> -> memref<1x128xi32, #tpu.memory_space<hbm>>
        %dma_wait3A_123 = tpu.memref_squeeze %dma_wait3A_122 : memref<1x128xi32, #tpu.memory_space<hbm>> -> memref<128xi32, #tpu.memory_space<hbm>>
        %dma_wait3A_124 = arith.constant 0 : i32
        %dma_wait3A_125 = tpu.memref_slice %arg6[%run_scoped3A, %dma_wait3A_124] : memref<2x128xi32, #tpu.memory_space<vmem>> -> memref<1x128xi32, #tpu.memory_space<vmem>>
        %dma_wait3A_126 = tpu.memref_squeeze %dma_wait3A_125 : memref<1x128xi32, #tpu.memory_space<vmem>> -> memref<128xi32, #tpu.memory_space<vmem>>
        %dma_wait3A_127 = arith.constant 0 : i32
        %dma_wait3A_128 = tpu.memref_slice %arg3[%add3A_46, %dma_wait3A_127] : memref<2560x128xi32, #tpu.memory_space<hbm>> -> memref<1x128xi32, #tpu.memory_space<hbm>>
        %dma_wait3A_129 = tpu.memref_squeeze %dma_wait3A_128 : memref<1x128xi32, #tpu.memory_space<hbm>> -> memref<128xi32, #tpu.memory_space<hbm>>
        tpu.wait_dma2 semaphore(%run_scoped3A_105 : memref<!tpu.dma_semaphore, #tpu.memory_space<semaphore_mem>>) src(%dma_wait3A_129 : memref<128xi32, #tpu.memory_space<hbm>>) dst(%dma_wait3A_126 : memref<128xi32, #tpu.memory_space<vmem>>)
        tpu.yield
      }) : () -> ()
      %gt3A = arith.constant 0 : i32
      %gt3A_47 = arith.cmpi sgt, %scan3A_41, %gt3A : i32
      %convert_element_type3A = arith.extui %gt3A_47 : i1 to i32
      %cond3A = arith.constant 0 : i32
      %cond3A_48 = arith.cmpi ne, %convert_element_type3A, %cond3A : i32
      scf.if %cond3A_48 {
        %dma_wait3A_105 = arith.constant 0 : i32
        %dma_wait3A_106 = arith.constant 0 : i32
        %dma_wait3A_107 = tpu.memref_slice %arg2[%dma_wait3A_105, %dma_wait3A_106] : memref<10240x128xf32, #tpu.memory_space<hbm>> -> memref<128x128xf32, #tpu.memory_space<hbm>>
        %dma_wait3A_108 = arith.constant 0 : i32
        %dma_wait3A_109 = arith.constant 0 : i32
        %dma_wait3A_110 = tpu.memref_slice %arg2[%dma_wait3A_108, %dma_wait3A_109] : memref<10240x128xf32, #tpu.memory_space<hbm>> -> memref<128x128xf32, #tpu.memory_space<hbm>>
        tpu.wait_dma2 semaphore(%arg13 : memref<!tpu.dma_semaphore, #tpu.memory_space<semaphore_mem>>) src(%dma_wait3A_110 : memref<128x128xf32, #tpu.memory_space<hbm>>) dst(%arg8 : memref<128x128xf32, #tpu.memory_space<vmem>>)
      } else {
      }
      %dma_start3A = arith.constant 0 : i32
      %dma_start3A_49 = arith.constant 0 : i32
      %dma_start3A_50 = tpu.memref_slice %arg6[%dma_start3A, %dma_start3A_49] : memref<2x128xi32, #tpu.memory_space<vmem>> -> memref<1x128xi32, #tpu.memory_space<vmem>>
      %dma_start3A_51 = tpu.memref_squeeze %dma_start3A_50 : memref<1x128xi32, #tpu.memory_space<vmem>> -> memref<128xi32, #tpu.memory_space<vmem>>
      %dma_start3A_52 = arith.constant 0 : i32
      %dma_start3A_53 = arith.constant 0 : i32
      %dma_start3A_54 = tpu.memref_slice %arg2[%dma_start3A_52, %dma_start3A_53] : memref<10240x128xf32, #tpu.memory_space<hbm>> -> memref<10240x128xf32, #tpu.memory_space<hbm>>
      tpu.enqueue_indirect_dma source(%dma_start3A_54 : memref<10240x128xf32, #tpu.memory_space<hbm>>) target(%arg8 : memref<128x128xf32, #tpu.memory_space<vmem>>) offsets(%dma_start3A_51 : memref<128xi32, #tpu.memory_space<vmem>>) semaphore(%arg11 : memref<!tpu.dma_semaphore, #tpu.memory_space<semaphore_mem>>)
      %add3A_55 = arith.addi %mul3A_2, %mul3A_43 : i32
      %add3A_56 = arith.constant 0 : i32
      %add3A_57 = arith.addi %add3A_55, %add3A_56 : i32
      %run_scoped3A_58 = arith.constant 0 : i32
      "tpu.region"() ({
        %run_scoped3A_105 = tpu.sem_alloc : memref<!tpu.dma_semaphore, #tpu.memory_space<semaphore_mem>>
        %dma_start3A_106 = arith.constant 0 : i32
        %dma_start3A_107 = tpu.memref_slice %arg7[%run_scoped3A_58, %dma_start3A_106] : memref<2x128xi32, #tpu.memory_space<vmem>> -> memref<1x128xi32, #tpu.memory_space<vmem>>
        %dma_start3A_108 = tpu.memref_squeeze %dma_start3A_107 : memref<1x128xi32, #tpu.memory_space<vmem>> -> memref<128xi32, #tpu.memory_space<vmem>>
        %dma_start3A_109 = arith.constant 0 : i32
        %dma_start3A_110 = tpu.memref_slice %arg4[%add3A_57, %dma_start3A_109] : memref<2560x128xi32, #tpu.memory_space<hbm>> -> memref<1x128xi32, #tpu.memory_space<hbm>>
        %dma_start3A_111 = tpu.memref_squeeze %dma_start3A_110 : memref<1x128xi32, #tpu.memory_space<hbm>> -> memref<128xi32, #tpu.memory_space<hbm>>
        %dma_start3A_112 = arith.constant 0 : i32
        %dma_start3A_113 = tpu.memref_slice %arg7[%run_scoped3A_58, %dma_start3A_112] : memref<2x128xi32, #tpu.memory_space<vmem>> -> memref<1x128xi32, #tpu.memory_space<vmem>>
        %dma_start3A_114 = tpu.memref_squeeze %dma_start3A_113 : memref<1x128xi32, #tpu.memory_space<vmem>> -> memref<128xi32, #tpu.memory_space<vmem>>
        %dma_start3A_115 = arith.constant 0 : i32
        %dma_start3A_116 = tpu.memref_slice %arg4[%add3A_57, %dma_start3A_115] : memref<2560x128xi32, #tpu.memory_space<hbm>> -> memref<1x128xi32, #tpu.memory_space<hbm>>
        %dma_start3A_117 = tpu.memref_squeeze %dma_start3A_116 : memref<1x128xi32, #tpu.memory_space<hbm>> -> memref<128xi32, #tpu.memory_space<hbm>>
        tpu.enqueue_dma source(%dma_start3A_117 : memref<128xi32, #tpu.memory_space<hbm>>) target(%dma_start3A_114 : memref<128xi32, #tpu.memory_space<vmem>>) target_semaphore(%run_scoped3A_105 : memref<!tpu.dma_semaphore, #tpu.memory_space<semaphore_mem>>)
        %dma_wait3A_118 = arith.constant 0 : i32
        %dma_wait3A_119 = tpu.memref_slice %arg7[%run_scoped3A_58, %dma_wait3A_118] : memref<2x128xi32, #tpu.memory_space<vmem>> -> memref<1x128xi32, #tpu.memory_space<vmem>>
        %dma_wait3A_120 = tpu.memref_squeeze %dma_wait3A_119 : memref<1x128xi32, #tpu.memory_space<vmem>> -> memref<128xi32, #tpu.memory_space<vmem>>
        %dma_wait3A_121 = arith.constant 0 : i32
        %dma_wait3A_122 = tpu.memref_slice %arg4[%add3A_57, %dma_wait3A_121] : memref<2560x128xi32, #tpu.memory_space<hbm>> -> memref<1x128xi32, #tpu.memory_space<hbm>>
        %dma_wait3A_123 = tpu.memref_squeeze %dma_wait3A_122 : memref<1x128xi32, #tpu.memory_space<hbm>> -> memref<128xi32, #tpu.memory_space<hbm>>
        %dma_wait3A_124 = arith.constant 0 : i32
        %dma_wait3A_125 = tpu.memref_slice %arg7[%run_scoped3A_58, %dma_wait3A_124] : memref<2x128xi32, #tpu.memory_space<vmem>> -> memref<1x128xi32, #tpu.memory_space<vmem>>
        %dma_wait3A_126 = tpu.memref_squeeze %dma_wait3A_125 : memref<1x128xi32, #tpu.memory_space<vmem>> -> memref<128xi32, #tpu.memory_space<vmem>>
        %dma_wait3A_127 = arith.constant 0 : i32
        %dma_wait3A_128 = tpu.memref_slice %arg4[%add3A_57, %dma_wait3A_127] : memref<2560x128xi32, #tpu.memory_space<hbm>> -> memref<1x128xi32, #tpu.memory_space<hbm>>
        %dma_wait3A_129 = tpu.memref_squeeze %dma_wait3A_128 : memref<1x128xi32, #tpu.memory_space<hbm>> -> memref<128xi32, #tpu.memory_space<hbm>>
        tpu.wait_dma2 semaphore(%run_scoped3A_105 : memref<!tpu.dma_semaphore, #tpu.memory_space<semaphore_mem>>) src(%dma_wait3A_129 : memref<128xi32, #tpu.memory_space<hbm>>) dst(%dma_wait3A_126 : memref<128xi32, #tpu.memory_space<vmem>>)
        tpu.yield
      }) : () -> ()
      %add3A_59 = arith.addi %mul3A_2, %mul3A_43 : i32
      %add3A_60 = arith.constant 1 : i32
      %add3A_61 = arith.addi %add3A_59, %add3A_60 : i32
      %run_scoped3A_62 = arith.constant 1 : i32
      "tpu.region"() ({
        %run_scoped3A_105 = tpu.sem_alloc : memref<!tpu.dma_semaphore, #tpu.memory_space<semaphore_mem>>
        %dma_start3A_106 = arith.constant 0 : i32
        %dma_start3A_107 = tpu.memref_slice %arg6[%run_scoped3A_62, %dma_start3A_106] : memref<2x128xi32, #tpu.memory_space<vmem>> -> memref<1x128xi32, #tpu.memory_space<vmem>>
        %dma_start3A_108 = tpu.memref_squeeze %dma_start3A_107 : memref<1x128xi32, #tpu.memory_space<vmem>> -> memref<128xi32, #tpu.memory_space<vmem>>
        %dma_start3A_109 = arith.constant 0 : i32
        %dma_start3A_110 = tpu.memref_slice %arg3[%add3A_61, %dma_start3A_109] : memref<2560x128xi32, #tpu.memory_space<hbm>> -> memref<1x128xi32, #tpu.memory_space<hbm>>
        %dma_start3A_111 = tpu.memref_squeeze %dma_start3A_110 : memref<1x128xi32, #tpu.memory_space<hbm>> -> memref<128xi32, #tpu.memory_space<hbm>>
        %dma_start3A_112 = arith.constant 0 : i32
        %dma_start3A_113 = tpu.memref_slice %arg6[%run_scoped3A_62, %dma_start3A_112] : memref<2x128xi32, #tpu.memory_space<vmem>> -> memref<1x128xi32, #tpu.memory_space<vmem>>
        %dma_start3A_114 = tpu.memref_squeeze %dma_start3A_113 : memref<1x128xi32, #tpu.memory_space<vmem>> -> memref<128xi32, #tpu.memory_space<vmem>>
        %dma_start3A_115 = arith.constant 0 : i32
        %dma_start3A_116 = tpu.memref_slice %arg3[%add3A_61, %dma_start3A_115] : memref<2560x128xi32, #tpu.memory_space<hbm>> -> memref<1x128xi32, #tpu.memory_space<hbm>>
        %dma_start3A_117 = tpu.memref_squeeze %dma_start3A_116 : memref<1x128xi32, #tpu.memory_space<hbm>> -> memref<128xi32, #tpu.memory_space<hbm>>
        tpu.enqueue_dma source(%dma_start3A_117 : memref<128xi32, #tpu.memory_space<hbm>>) target(%dma_start3A_114 : memref<128xi32, #tpu.memory_space<vmem>>) target_semaphore(%run_scoped3A_105 : memref<!tpu.dma_semaphore, #tpu.memory_space<semaphore_mem>>)
        %dma_wait3A_118 = arith.constant 0 : i32
        %dma_wait3A_119 = tpu.memref_slice %arg6[%run_scoped3A_62, %dma_wait3A_118] : memref<2x128xi32, #tpu.memory_space<vmem>> -> memref<1x128xi32, #tpu.memory_space<vmem>>
        %dma_wait3A_120 = tpu.memref_squeeze %dma_wait3A_119 : memref<1x128xi32, #tpu.memory_space<vmem>> -> memref<128xi32, #tpu.memory_space<vmem>>
        %dma_wait3A_121 = arith.constant 0 : i32
        %dma_wait3A_122 = tpu.memref_slice %arg3[%add3A_61, %dma_wait3A_121] : memref<2560x128xi32, #tpu.memory_space<hbm>> -> memref<1x128xi32, #tpu.memory_space<hbm>>
        %dma_wait3A_123 = tpu.memref_squeeze %dma_wait3A_122 : memref<1x128xi32, #tpu.memory_space<hbm>> -> memref<128xi32, #tpu.memory_space<hbm>>
        %dma_wait3A_124 = arith.constant 0 : i32
        %dma_wait3A_125 = tpu.memref_slice %arg6[%run_scoped3A_62, %dma_wait3A_124] : memref<2x128xi32, #tpu.memory_space<vmem>> -> memref<1x128xi32, #tpu.memory_space<vmem>>
        %dma_wait3A_126 = tpu.memref_squeeze %dma_wait3A_125 : memref<1x128xi32, #tpu.memory_space<vmem>> -> memref<128xi32, #tpu.memory_space<vmem>>
        %dma_wait3A_127 = arith.constant 0 : i32
        %dma_wait3A_128 = tpu.memref_slice %arg3[%add3A_61, %dma_wait3A_127] : memref<2560x128xi32, #tpu.memory_space<hbm>> -> memref<1x128xi32, #tpu.memory_space<hbm>>
        %dma_wait3A_129 = tpu.memref_squeeze %dma_wait3A_128 : memref<1x128xi32, #tpu.memory_space<hbm>> -> memref<128xi32, #tpu.memory_space<hbm>>
        tpu.wait_dma2 semaphore(%run_scoped3A_105 : memref<!tpu.dma_semaphore, #tpu.memory_space<semaphore_mem>>) src(%dma_wait3A_129 : memref<128xi32, #tpu.memory_space<hbm>>) dst(%dma_wait3A_126 : memref<128xi32, #tpu.memory_space<vmem>>)
        tpu.yield
      }) : () -> ()
      %gt3A_63 = arith.constant 0 : i32
      %gt3A_64 = arith.cmpi sgt, %scan3A_41, %gt3A_63 : i32
      %convert_element_type3A_65 = arith.extui %gt3A_64 : i1 to i32
      %cond3A_66 = arith.constant 0 : i32
      %cond3A_67 = arith.cmpi ne, %convert_element_type3A_65, %cond3A_66 : i32
      scf.if %cond3A_67 {
        %dma_wait3A_105 = arith.constant 0 : i32
        %dma_wait3A_106 = arith.constant 0 : i32
        %dma_wait3A_107 = tpu.memref_slice %arg2[%dma_wait3A_105, %dma_wait3A_106] : memref<10240x128xf32, #tpu.memory_space<hbm>> -> memref<128x128xf32, #tpu.memory_space<hbm>>
        %dma_wait3A_108 = arith.constant 0 : i32
        %dma_wait3A_109 = arith.constant 0 : i32
        %dma_wait3A_110 = tpu.memref_slice %arg2[%dma_wait3A_108, %dma_wait3A_109] : memref<10240x128xf32, #tpu.memory_space<hbm>> -> memref<128x128xf32, #tpu.memory_space<hbm>>
        tpu.wait_dma2 semaphore(%arg14 : memref<!tpu.dma_semaphore, #tpu.memory_space<semaphore_mem>>) src(%dma_wait3A_110 : memref<128x128xf32, #tpu.memory_space<hbm>>) dst(%arg9 : memref<128x128xf32, #tpu.memory_space<vmem>>)
      } else {
      }
      %dma_start3A_68 = arith.constant 1 : i32
      %dma_start3A_69 = arith.constant 0 : i32
      %dma_start3A_70 = tpu.memref_slice %arg6[%dma_start3A_68, %dma_start3A_69] : memref<2x128xi32, #tpu.memory_space<vmem>> -> memref<1x128xi32, #tpu.memory_space<vmem>>
      %dma_start3A_71 = tpu.memref_squeeze %dma_start3A_70 : memref<1x128xi32, #tpu.memory_space<vmem>> -> memref<128xi32, #tpu.memory_space<vmem>>
      %dma_start3A_72 = arith.constant 0 : i32
      %dma_start3A_73 = arith.constant 0 : i32
      %dma_start3A_74 = tpu.memref_slice %arg2[%dma_start3A_72, %dma_start3A_73] : memref<10240x128xf32, #tpu.memory_space<hbm>> -> memref<10240x128xf32, #tpu.memory_space<hbm>>
      tpu.enqueue_indirect_dma source(%dma_start3A_74 : memref<10240x128xf32, #tpu.memory_space<hbm>>) target(%arg9 : memref<128x128xf32, #tpu.memory_space<vmem>>) offsets(%dma_start3A_71 : memref<128xi32, #tpu.memory_space<vmem>>) semaphore(%arg12 : memref<!tpu.dma_semaphore, #tpu.memory_space<semaphore_mem>>)
      %add3A_75 = arith.addi %mul3A_2, %mul3A_43 : i32
      %add3A_76 = arith.constant 1 : i32
      %add3A_77 = arith.addi %add3A_75, %add3A_76 : i32
      %run_scoped3A_78 = arith.constant 1 : i32
      "tpu.region"() ({
        %run_scoped3A_105 = tpu.sem_alloc : memref<!tpu.dma_semaphore, #tpu.memory_space<semaphore_mem>>
        %dma_start3A_106 = arith.constant 0 : i32
        %dma_start3A_107 = tpu.memref_slice %arg7[%run_scoped3A_78, %dma_start3A_106] : memref<2x128xi32, #tpu.memory_space<vmem>> -> memref<1x128xi32, #tpu.memory_space<vmem>>
        %dma_start3A_108 = tpu.memref_squeeze %dma_start3A_107 : memref<1x128xi32, #tpu.memory_space<vmem>> -> memref<128xi32, #tpu.memory_space<vmem>>
        %dma_start3A_109 = arith.constant 0 : i32
        %dma_start3A_110 = tpu.memref_slice %arg4[%add3A_77, %dma_start3A_109] : memref<2560x128xi32, #tpu.memory_space<hbm>> -> memref<1x128xi32, #tpu.memory_space<hbm>>
        %dma_start3A_111 = tpu.memref_squeeze %dma_start3A_110 : memref<1x128xi32, #tpu.memory_space<hbm>> -> memref<128xi32, #tpu.memory_space<hbm>>
        %dma_start3A_112 = arith.constant 0 : i32
        %dma_start3A_113 = tpu.memref_slice %arg7[%run_scoped3A_78, %dma_start3A_112] : memref<2x128xi32, #tpu.memory_space<vmem>> -> memref<1x128xi32, #tpu.memory_space<vmem>>
        %dma_start3A_114 = tpu.memref_squeeze %dma_start3A_113 : memref<1x128xi32, #tpu.memory_space<vmem>> -> memref<128xi32, #tpu.memory_space<vmem>>
        %dma_start3A_115 = arith.constant 0 : i32
        %dma_start3A_116 = tpu.memref_slice %arg4[%add3A_77, %dma_start3A_115] : memref<2560x128xi32, #tpu.memory_space<hbm>> -> memref<1x128xi32, #tpu.memory_space<hbm>>
        %dma_start3A_117 = tpu.memref_squeeze %dma_start3A_116 : memref<1x128xi32, #tpu.memory_space<hbm>> -> memref<128xi32, #tpu.memory_space<hbm>>
        tpu.enqueue_dma source(%dma_start3A_117 : memref<128xi32, #tpu.memory_space<hbm>>) target(%dma_start3A_114 : memref<128xi32, #tpu.memory_space<vmem>>) target_semaphore(%run_scoped3A_105 : memref<!tpu.dma_semaphore, #tpu.memory_space<semaphore_mem>>)
        %dma_wait3A_118 = arith.constant 0 : i32
        %dma_wait3A_119 = tpu.memref_slice %arg7[%run_scoped3A_78, %dma_wait3A_118] : memref<2x128xi32, #tpu.memory_space<vmem>> -> memref<1x128xi32, #tpu.memory_space<vmem>>
        %dma_wait3A_120 = tpu.memref_squeeze %dma_wait3A_119 : memref<1x128xi32, #tpu.memory_space<vmem>> -> memref<128xi32, #tpu.memory_space<vmem>>
        %dma_wait3A_121 = arith.constant 0 : i32
        %dma_wait3A_122 = tpu.memref_slice %arg4[%add3A_77, %dma_wait3A_121] : memref<2560x128xi32, #tpu.memory_space<hbm>> -> memref<1x128xi32, #tpu.memory_space<hbm>>
        %dma_wait3A_123 = tpu.memref_squeeze %dma_wait3A_122 : memref<1x128xi32, #tpu.memory_space<hbm>> -> memref<128xi32, #tpu.memory_space<hbm>>
        %dma_wait3A_124 = arith.constant 0 : i32
        %dma_wait3A_125 = tpu.memref_slice %arg7[%run_scoped3A_78, %dma_wait3A_124] : memref<2x128xi32, #tpu.memory_space<vmem>> -> memref<1x128xi32, #tpu.memory_space<vmem>>
        %dma_wait3A_126 = tpu.memref_squeeze %dma_wait3A_125 : memref<1x128xi32, #tpu.memory_space<vmem>> -> memref<128xi32, #tpu.memory_space<vmem>>
        %dma_wait3A_127 = arith.constant 0 : i32
        %dma_wait3A_128 = tpu.memref_slice %arg4[%add3A_77, %dma_wait3A_127] : memref<2560x128xi32, #tpu.memory_space<hbm>> -> memref<1x128xi32, #tpu.memory_space<hbm>>
        %dma_wait3A_129 = tpu.memref_squeeze %dma_wait3A_128 : memref<1x128xi32, #tpu.memory_space<hbm>> -> memref<128xi32, #tpu.memory_space<hbm>>
        tpu.wait_dma2 semaphore(%run_scoped3A_105 : memref<!tpu.dma_semaphore, #tpu.memory_space<semaphore_mem>>) src(%dma_wait3A_129 : memref<128xi32, #tpu.memory_space<hbm>>) dst(%dma_wait3A_126 : memref<128xi32, #tpu.memory_space<vmem>>)
        tpu.yield
      }) : () -> ()
      %dma_wait3A_79 = arith.constant 0 : i32
      %dma_wait3A_80 = arith.constant 0 : i32
      %dma_wait3A_81 = tpu.memref_slice %arg2[%dma_wait3A_79, %dma_wait3A_80] : memref<10240x128xf32, #tpu.memory_space<hbm>> -> memref<128x128xf32, #tpu.memory_space<hbm>>
      %dma_wait3A_82 = arith.constant 0 : i32
      %dma_wait3A_83 = arith.constant 0 : i32
      %dma_wait3A_84 = tpu.memref_slice %arg2[%dma_wait3A_82, %dma_wait3A_83] : memref<10240x128xf32, #tpu.memory_space<hbm>> -> memref<128x128xf32, #tpu.memory_space<hbm>>
      tpu.wait_dma2 semaphore(%arg11 : memref<!tpu.dma_semaphore, #tpu.memory_space<semaphore_mem>>) src(%dma_wait3A_84 : memref<128x128xf32, #tpu.memory_space<hbm>>) dst(%arg8 : memref<128x128xf32, #tpu.memory_space<vmem>>)
      %dma_start3A_85 = arith.constant 0 : i32
      %dma_start3A_86 = arith.constant 0 : i32
      %dma_start3A_87 = tpu.memref_slice %arg7[%dma_start3A_85, %dma_start3A_86] : memref<2x128xi32, #tpu.memory_space<vmem>> -> memref<1x128xi32, #tpu.memory_space<vmem>>
      %dma_start3A_88 = tpu.memref_squeeze %dma_start3A_87 : memref<1x128xi32, #tpu.memory_space<vmem>> -> memref<128xi32, #tpu.memory_space<vmem>>
      %dma_start3A_89 = arith.constant 0 : i32
      %dma_start3A_90 = arith.constant 0 : i32
      %dma_start3A_91 = tpu.memref_slice %arg10[%dma_start3A_89, %dma_start3A_90] : memref<10240x128xf32, #tpu.memory_space<vmem_shared>> -> memref<10240x128xf32, #tpu.memory_space<vmem_shared>>
      tpu.enqueue_indirect_dma source(%arg8 : memref<128x128xf32, #tpu.memory_space<vmem>>) target(%dma_start3A_91 : memref<10240x128xf32, #tpu.memory_space<vmem_shared>>) offsets(%dma_start3A_88 : memref<128xi32, #tpu.memory_space<vmem>>) semaphore(%arg13 : memref<!tpu.dma_semaphore, #tpu.memory_space<semaphore_mem>>) {add = true}
      %dma_wait3A_92 = arith.constant 0 : i32
      %dma_wait3A_93 = arith.constant 0 : i32
      %dma_wait3A_94 = tpu.memref_slice %arg2[%dma_wait3A_92, %dma_wait3A_93] : memref<10240x128xf32, #tpu.memory_space<hbm>> -> memref<128x128xf32, #tpu.memory_space<hbm>>
      %dma_wait3A_95 = arith.constant 0 : i32
      %dma_wait3A_96 = arith.constant 0 : i32
      %dma_wait3A_97 = tpu.memref_slice %arg2[%dma_wait3A_95, %dma_wait3A_96] : memref<10240x128xf32, #tpu.memory_space<hbm>> -> memref<128x128xf32, #tpu.memory_space<hbm>>
      tpu.wait_dma2 semaphore(%arg12 : memref<!tpu.dma_semaphore, #tpu.memory_space<semaphore_mem>>) src(%dma_wait3A_97 : memref<128x128xf32, #tpu.memory_space<hbm>>) dst(%arg9 : memref<128x128xf32, #tpu.memory_space<vmem>>)
      %dma_start3A_98 = arith.constant 1 : i32
      %dma_start3A_99 = arith.constant 0 : i32
      %dma_start3A_100 = tpu.memref_slice %arg7[%dma_start3A_98, %dma_start3A_99] : memref<2x128xi32, #tpu.memory_space<vmem>> -> memref<1x128xi32, #tpu.memory_space<vmem>>
      %dma_start3A_101 = tpu.memref_squeeze %dma_start3A_100 : memref<1x128xi32, #tpu.memory_space<vmem>> -> memref<128xi32, #tpu.memory_space<vmem>>
      %dma_start3A_102 = arith.constant 0 : i32
      %dma_start3A_103 = arith.constant 0 : i32
      %dma_start3A_104 = tpu.memref_slice %arg10[%dma_start3A_102, %dma_start3A_103] : memref<10240x128xf32, #tpu.memory_space<vmem_shared>> -> memref<10240x128xf32, #tpu.memory_space<vmem_shared>>
      tpu.enqueue_indirect_dma source(%arg9 : memref<128x128xf32, #tpu.memory_space<vmem>>) target(%dma_start3A_104 : memref<10240x128xf32, #tpu.memory_space<vmem_shared>>) offsets(%dma_start3A_101 : memref<128xi32, #tpu.memory_space<vmem>>) semaphore(%arg14 : memref<!tpu.dma_semaphore, #tpu.memory_space<semaphore_mem>>) {add = true}
    }
    %scan3A_22 = arith.constant 40 : i32
    %dma_wait3A = arith.constant 0 : i32
    %dma_wait3A_23 = arith.constant 0 : i32
    %dma_wait3A_24 = tpu.memref_slice %arg2[%dma_wait3A, %dma_wait3A_23] : memref<10240x128xf32, #tpu.memory_space<hbm>> -> memref<128x128xf32, #tpu.memory_space<hbm>>
    %dma_wait3A_25 = arith.constant 0 : i32
    %dma_wait3A_26 = arith.constant 0 : i32
    %dma_wait3A_27 = tpu.memref_slice %arg2[%dma_wait3A_25, %dma_wait3A_26] : memref<10240x128xf32, #tpu.memory_space<hbm>> -> memref<128x128xf32, #tpu.memory_space<hbm>>
    tpu.wait_dma2 semaphore(%arg13 : memref<!tpu.dma_semaphore, #tpu.memory_space<semaphore_mem>>) src(%dma_wait3A_27 : memref<128x128xf32, #tpu.memory_space<hbm>>) dst(%arg8 : memref<128x128xf32, #tpu.memory_space<vmem>>)
    %dma_wait3A_28 = arith.constant 0 : i32
    %dma_wait3A_29 = arith.constant 0 : i32
    %dma_wait3A_30 = tpu.memref_slice %arg2[%dma_wait3A_28, %dma_wait3A_29] : memref<10240x128xf32, #tpu.memory_space<hbm>> -> memref<128x128xf32, #tpu.memory_space<hbm>>
    %dma_wait3A_31 = arith.constant 0 : i32
    %dma_wait3A_32 = arith.constant 0 : i32
    %dma_wait3A_33 = tpu.memref_slice %arg2[%dma_wait3A_31, %dma_wait3A_32] : memref<10240x128xf32, #tpu.memory_space<hbm>> -> memref<128x128xf32, #tpu.memory_space<hbm>>
    tpu.wait_dma2 semaphore(%arg14 : memref<!tpu.dma_semaphore, #tpu.memory_space<semaphore_mem>>) src(%dma_wait3A_33 : memref<128x128xf32, #tpu.memory_space<hbm>>) dst(%arg9 : memref<128x128xf32, #tpu.memory_space<vmem>>)
    %barrier3A_34 = arith.constant 0 : index
    tpu.barrier barrier_id(%barrier3A_34)
    %scan3A_35 = arith.constant 0 : i32
    %scan3A_36 = arith.constant 0 : i32
    %scan3A_37 = arith.constant 5 : i32
    %scan3A_38 = arith.addi %scan3A_36, %scan3A_37 : i32
    %scan3A_39 = arith.constant 1 : i32
    scf.for %scan3A_41 = %scan3A_36 to %scan3A_38 step %scan3A_39  : i32 {
      %mul3A_42 = arith.constant 128 : i32
      %mul3A_43 = arith.muli %scan3A_41, %mul3A_42 : i32
      %add3A_44 = arith.addi %mul3A_4, %mul3A_43 : i32
      "tpu.region"() ({
        %run_scoped3A = tpu.sem_alloc : memref<!tpu.dma_semaphore, #tpu.memory_space<semaphore_mem>>
        %dma_start3A = arith.constant 0 : i32
        %dma_start3A_45 = tpu.memref_slice %arg5[%arg0, %add3A_44, %dma_start3A] : memref<2x10240x128xf32, #tpu.memory_space<hbm>> -> memref<1x128x128xf32, #tpu.memory_space<hbm>>
        %dma_start3A_46 = tpu.memref_squeeze %dma_start3A_45 : memref<1x128x128xf32, #tpu.memory_space<hbm>> -> memref<128x128xf32, #tpu.memory_space<hbm>>
        %dma_start3A_47 = arith.constant 0 : i32
        %dma_start3A_48 = tpu.memref_slice %arg10[%add3A_44, %dma_start3A_47] : memref<10240x128xf32, #tpu.memory_space<vmem_shared>> -> memref<128x128xf32, #tpu.memory_space<vmem_shared>>
        tpu.enqueue_dma source(%dma_start3A_48 : memref<128x128xf32, #tpu.memory_space<vmem_shared>>) target(%dma_start3A_46 : memref<128x128xf32, #tpu.memory_space<hbm>>) target_semaphore(%run_scoped3A : memref<!tpu.dma_semaphore, #tpu.memory_space<semaphore_mem>>)
        %dma_wait3A_49 = arith.constant 0 : i32
        %dma_wait3A_50 = tpu.memref_slice %arg5[%arg0, %add3A_44, %dma_wait3A_49] : memref<2x10240x128xf32, #tpu.memory_space<hbm>> -> memref<1x128x128xf32, #tpu.memory_space<hbm>>
        %dma_wait3A_51 = tpu.memref_squeeze %dma_wait3A_50 : memref<1x128x128xf32, #tpu.memory_space<hbm>> -> memref<128x128xf32, #tpu.memory_space<hbm>>
        %dma_wait3A_52 = arith.constant 0 : i32
        %dma_wait3A_53 = tpu.memref_slice %arg10[%add3A_44, %dma_wait3A_52] : memref<10240x128xf32, #tpu.memory_space<vmem_shared>> -> memref<128x128xf32, #tpu.memory_space<vmem_shared>>
        tpu.wait_dma2 semaphore(%run_scoped3A : memref<!tpu.dma_semaphore, #tpu.memory_space<semaphore_mem>>) src(%dma_wait3A_53 : memref<128x128xf32, #tpu.memory_space<vmem_shared>>) dst(%dma_wait3A_51 : memref<128x128xf32, #tpu.memory_space<hbm>>)
        tpu.yield
      }) : () -> ()
    }
    %scan3A_40 = arith.constant 5 : i32
    return
  }
}

module attributes {stable_mosaic.version = 14 : i64} {
  func.func @_tc_first_kernel(%arg0: i32, %arg1: memref<1024x128xf32, #tpu.memory_space<vmem>>, %arg2: memref<128x128xf32, #tpu.memory_space<vmem>>, %arg3: memref<2x1024x128xf32, #tpu.memory_space<vmem>>, %arg4: memref<1024x128xf32, #tpu.memory_space<vmem>>, %arg5: memref<1024x128xf32, #tpu.memory_space<vmem>>) attributes {dimension_semantics = [#tpu.dimension_semantics<arbitrary>], iteration_bounds = array<i64: 10>, scalar_prefetch = 0 : i64, scratch_operands = 0 : i64, tpu.core_type = #tpu.core_type<tc>, window_params = [{transform_indices = @transform_0, window_bounds = array<i64: 1024, 128>}, {pipeline_mode = #tpu.pipeline_mode<synchronous>, transform_indices = @transform_1, window_bounds = array<i64: 128, 128>}, {transform_indices = @transform_2, window_bounds = array<i64: 2, 1024, 128>}, {transform_indices = @transform_3, window_bounds = array<i64: 1024, 128>}, {transform_indices = @transform_4, window_bounds = array<i64: 1024, 128>}]} {
    %get3A = arith.constant 0 : index
    %get3A_0 = arith.constant 0 : index
    %get3A_1 = arith.constant 0 : index
    %get3A_2 = vector.load %arg3[%get3A, %get3A_0, %get3A_1] : memref<2x1024x128xf32, #tpu.memory_space<vmem>>, vector<2x1024x128xf32>
    %slice3A = vector.extract_strided_slice %get3A_2 {offsets = [0, 0, 0], sizes = [1, 1024, 128], strides = [1, 1, 1]} : vector<2x1024x128xf32> to vector<1x1024x128xf32>
    %squeeze3A = vector.shape_cast %slice3A : vector<1x1024x128xf32> to vector<1024x128xf32>
    %slice3A_3 = vector.extract_strided_slice %get3A_2 {offsets = [1, 0, 0], sizes = [1, 1024, 128], strides = [1, 1, 1]} : vector<2x1024x128xf32> to vector<1x1024x128xf32>
    %squeeze3A_4 = vector.shape_cast %slice3A_3 : vector<1x1024x128xf32> to vector<1024x128xf32>
    %add3A = arith.addf %squeeze3A, %squeeze3A_4 : vector<1024x128xf32>
    %add3A_5 = arith.constant 1.000000e+00 : f32
    %add3A_6 = vector.broadcast %add3A_5 : f32 to vector<1024x128xf32>
    %add3A_7 = arith.addf %add3A, %add3A_6 : vector<1024x128xf32>
    %rsqrt3A = math.rsqrt %add3A_7 : vector<1024x128xf32>
    %swap3A = arith.constant 0 : index
    %swap3A_8 = arith.constant 0 : index
    %swap3A_9 = vector.load %arg5[%swap3A, %swap3A_8] : memref<1024x128xf32, #tpu.memory_space<vmem>>, vector<1024x128xf32>
    tpu.vector_store %arg5[%swap3A, %swap3A_8], %rsqrt3A {strides = array<i32>} : memref<1024x128xf32, #tpu.memory_space<vmem>>, vector<1024x128xf32>,
    %get3A_10 = arith.constant 0 : index
    %get3A_11 = arith.constant 0 : index
    %get3A_12 = vector.load %arg1[%get3A_10, %get3A_11] : memref<1024x128xf32, #tpu.memory_space<vmem>>, vector<1024x128xf32>
    %get3A_13 = arith.constant 0 : index
    %get3A_14 = arith.constant 0 : index
    %get3A_15 = vector.load %arg2[%get3A_13, %get3A_14] : memref<128x128xf32, #tpu.memory_space<vmem>>, vector<128x128xf32>
    %dot_general3A = arith.constant dense<0.000000e+00> : vector<1024x128xf32>
    %dot_general3A_16 = tpu.matmul %get3A_12, %get3A_15, %dot_general3A {dimension_numbers = #tpu.dot_dimension_numbers<[1], [0], [0], [1], [0, 0, 1, 1], [], []>, transpose_lhs_hint = false} : vector<1024x128xf32>, vector<128x128xf32>, vector<1024x128xf32> -> vector<1024x128xf32>
    %slice3A_17 = vector.extract_strided_slice %rsqrt3A {offsets = [0, 0], sizes = [1024, 1], strides = [1, 1]} : vector<1024x128xf32> to vector<1024x1xf32>
    %mul3A = vector.broadcast %slice3A_17 : vector<1024x1xf32> to vector<1024x128xf32>
    %mul3A_18 = arith.mulf %mul3A, %dot_general3A_16 : vector<1024x128xf32>
    %swap3A_19 = arith.constant 0 : index
    %swap3A_20 = arith.constant 0 : index
    %swap3A_21 = vector.load %arg4[%swap3A_19, %swap3A_20] : memref<1024x128xf32, #tpu.memory_space<vmem>>, vector<1024x128xf32>
    tpu.vector_store %arg4[%swap3A_19, %swap3A_20], %mul3A_18 {strides = array<i32>} : memref<1024x128xf32, #tpu.memory_space<vmem>>, vector<1024x128xf32>,
    return
  }
  func.func @transform_0(%arg0: i32) -> (i32, i32) {
    %c0_i32 = arith.constant 0 : i32
    %c0_i32_0 = arith.constant 0 : i32
    return %arg0, %c0_i32 : i32, i32
  }
  func.func @transform_1(%arg0: i32) -> (i32, i32) {
    %c0_i32 = arith.constant 0 : i32
    %c0_i32_0 = arith.constant 0 : i32
    %c0_i32_1 = arith.constant 0 : i32
    return %c0_i32, %c0_i32_0 : i32, i32
  }
  func.func @transform_2(%arg0: i32) -> (i32, i32, i32) {
    %c0_i32 = arith.constant 0 : i32
    %c0_i32_0 = arith.constant 0 : i32
    %c0_i32_1 = arith.constant 0 : i32
    return %c0_i32, %arg0, %c0_i32_0 : i32, i32, i32
  }
  func.func @transform_3(%arg0: i32) -> (i32, i32) {
    %c0_i32 = arith.constant 0 : i32
    %c0_i32_0 = arith.constant 0 : i32
    return %arg0, %c0_i32 : i32, i32
  }
  func.func @transform_4(%arg0: i32) -> (i32, i32) {
    %c0_i32 = arith.constant 0 : i32
    %c0_i32_0 = arith.constant 0 : i32
    return %arg0, %c0_i32 : i32, i32
  }
}

module attributes {stable_mosaic.version = 14 : i64} {
  func.func @_tc_final_kernel(%arg0: i32, %arg1: memref<2x1024x128xf32, #tpu.memory_space<vmem>>, %arg2: memref<1024x128xf32, #tpu.memory_space<vmem>>, %arg3: memref<1024x128xf32, #tpu.memory_space<vmem>>, %arg4: memref<1x128xf32, #tpu.memory_space<vmem>>, %arg5: memref<1024x128xf32, #tpu.memory_space<vmem>>) attributes {dimension_semantics = [#tpu.dimension_semantics<arbitrary>], iteration_bounds = array<i64: 10>, scalar_prefetch = 0 : i64, scratch_operands = 0 : i64, tpu.core_type = #tpu.core_type<tc>, window_params = [{transform_indices = @transform_0, window_bounds = array<i64: 2, 1024, 128>}, {transform_indices = @transform_1, window_bounds = array<i64: 1024, 128>}, {transform_indices = @transform_2, window_bounds = array<i64: 1024, 128>}, {pipeline_mode = #tpu.pipeline_mode<synchronous>, transform_indices = @transform_3, window_bounds = array<i64: 1, 128>}, {transform_indices = @transform_4, window_bounds = array<i64: 1024, 128>}]} {
    %get3A = arith.constant 0 : index
    %get3A_0 = arith.constant 0 : index
    %get3A_1 = arith.constant 0 : index
    %get3A_2 = vector.load %arg1[%get3A, %get3A_0, %get3A_1] : memref<2x1024x128xf32, #tpu.memory_space<vmem>>, vector<2x1024x128xf32>
    %get3A_3 = arith.constant 0 : index
    %get3A_4 = arith.constant 0 : index
    %get3A_5 = vector.load %arg3[%get3A_3, %get3A_4] : memref<1024x128xf32, #tpu.memory_space<vmem>>, vector<1024x128xf32>
    %slice3A = vector.extract_strided_slice %get3A_5 {offsets = [0, 0], sizes = [1024, 1], strides = [1, 1]} : vector<1024x128xf32> to vector<1024x1xf32>
    %slice3A_6 = vector.extract_strided_slice %get3A_2 {offsets = [0, 0, 0], sizes = [1, 1024, 128], strides = [1, 1, 1]} : vector<2x1024x128xf32> to vector<1x1024x128xf32>
    %squeeze3A = vector.shape_cast %slice3A_6 : vector<1x1024x128xf32> to vector<1024x128xf32>
    %slice3A_7 = vector.extract_strided_slice %get3A_2 {offsets = [1, 0, 0], sizes = [1, 1024, 128], strides = [1, 1, 1]} : vector<2x1024x128xf32> to vector<1x1024x128xf32>
    %squeeze3A_8 = vector.shape_cast %slice3A_7 : vector<1x1024x128xf32> to vector<1024x128xf32>
    %add3A = arith.addf %squeeze3A, %squeeze3A_8 : vector<1024x128xf32>
    %get3A_9 = arith.constant 0 : index
    %get3A_10 = arith.constant 0 : index
    %get3A_11 = vector.load %arg2[%get3A_9, %get3A_10] : memref<1024x128xf32, #tpu.memory_space<vmem>>, vector<1024x128xf32>
    %add3A_12 = arith.addf %add3A, %get3A_11 : vector<1024x128xf32>
    %mul3A = vector.broadcast %slice3A : vector<1024x1xf32> to vector<1024x128xf32>
    %mul3A_13 = arith.mulf %mul3A, %add3A_12 : vector<1024x128xf32>
    %get3A_14 = arith.constant 0 : index
    %get3A_15 = arith.constant 0 : index
    %get3A_16 = vector.load %arg4[%get3A_14, %get3A_15] : memref<1x128xf32, #tpu.memory_space<vmem>>, vector<1x128xf32>
    %add3A_17 = vector.broadcast %get3A_16 : vector<1x128xf32> to vector<1024x128xf32>
    %add3A_18 = arith.addf %mul3A_13, %add3A_17 : vector<1024x128xf32>
    %iota3A = tpu.iota {dimensions = array<i32: 1>} : vector<1024x128xi32>
    %lt3A = arith.constant 40 : i32
    %lt3A_19 = vector.broadcast %lt3A : i32 to vector<1024x128xi32>
    %lt3A_20 = arith.cmpi slt, %iota3A, %lt3A_19 : vector<1024x128xi32>
    %jit3A = arith.constant 0xFF800000 : f32
    %broadcast_in_dim3A = vector.broadcast %jit3A : f32 to vector<1024x128xf32>
    %select_n3A = arith.select %lt3A_20, %add3A_18, %broadcast_in_dim3A : vector<1024x128xi1>, vector<1024x128xf32>
    %reduce_max3A = arith.constant dense<0xFF800000> : vector<1024xf32>
    %reduce_max3A_21 = vector.multi_reduction <maximumf>, %select_n3A, %reduce_max3A [1] : vector<1024x128xf32> to vector<1024xf32>
    %broadcast_in_dim3A_22 = vector.shape_cast %reduce_max3A_21 : vector<1024xf32> to vector<1024x1xf32>
    %sub3A = vector.broadcast %broadcast_in_dim3A_22 : vector<1024x1xf32> to vector<1024x128xf32>
    %sub3A_23 = arith.subf %add3A_18, %sub3A : vector<1024x128xf32>
    %exp3A = math.exp %sub3A_23 : vector<1024x128xf32>
    %jit3A_24 = arith.constant 0.000000e+00 : f32
    %broadcast_in_dim3A_25 = vector.broadcast %jit3A_24 : f32 to vector<1024x128xf32>
    %select_n3A_26 = arith.select %lt3A_20, %exp3A, %broadcast_in_dim3A_25 : vector<1024x128xi1>, vector<1024x128xf32>
    %reduce_sum3A = arith.constant dense<0.000000e+00> : vector<1024xf32>
    %reduce_sum3A_27 = vector.multi_reduction <add>, %select_n3A_26, %reduce_sum3A [1] : vector<1024x128xf32> to vector<1024xf32>
    %broadcast_in_dim3A_28 = vector.shape_cast %reduce_sum3A_27 : vector<1024xf32> to vector<1024x1xf32>
    %log3A = math.log %broadcast_in_dim3A_28 : vector<1024x1xf32>
    %add3A_29 = arith.addf %log3A, %broadcast_in_dim3A_22 : vector<1024x1xf32>
    %sub3A_30 = vector.broadcast %add3A_29 : vector<1024x1xf32> to vector<1024x128xf32>
    %sub3A_31 = arith.subf %add3A_18, %sub3A_30 : vector<1024x128xf32>
    %swap3A = arith.constant 0 : index
    %swap3A_32 = arith.constant 0 : index
    %swap3A_33 = vector.load %arg5[%swap3A, %swap3A_32] : memref<1024x128xf32, #tpu.memory_space<vmem>>, vector<1024x128xf32>
    tpu.vector_store %arg5[%swap3A, %swap3A_32], %sub3A_31 {strides = array<i32>} : memref<1024x128xf32, #tpu.memory_space<vmem>>, vector<1024x128xf32>,
    return
  }
  func.func @transform_0(%arg0: i32) -> (i32, i32, i32) {
    %c0_i32 = arith.constant 0 : i32
    %c0_i32_0 = arith.constant 0 : i32
    %c0_i32_1 = arith.constant 0 : i32
    return %c0_i32, %arg0, %c0_i32_0 : i32, i32, i32
  }
  func.func @transform_1(%arg0: i32) -> (i32, i32) {
    %c0_i32 = arith.constant 0 : i32
    %c0_i32_0 = arith.constant 0 : i32
    return %arg0, %c0_i32 : i32, i32
  }
  func.func @transform_2(%arg0: i32) -> (i32, i32) {
    %c0_i32 = arith.constant 0 : i32
    %c0_i32_0 = arith.constant 0 : i32
    return %arg0, %c0_i32 : i32, i32
  }
  func.func @transform_3(%arg0: i32) -> (i32, i32) {
    %c0_i32 = arith.constant 0 : i32
    %c0_i32_0 = arith.constant 0 : i32
    %c0_i32_1 = arith.constant 0 : i32
    return %c0_i32, %c0_i32_0 : i32, i32
  }
  func.func @transform_4(%arg0: i32) -> (i32, i32) {
    %c0_i32 = arith.constant 0 : i32
    %c0_i32_0 = arith.constant 0 : i32
    return %arg0, %c0_i32 : i32, i32
  }
}

module attributes {stable_mosaic.version = 14 : i64} {
  func.func @_tc_mid_kernel(%arg0: i32, %arg1: memref<2x1024x128xf32, #tpu.memory_space<vmem>>, %arg2: memref<1024x128xf32, #tpu.memory_space<vmem>>, %arg3: memref<1024x128xf32, #tpu.memory_space<vmem>>, %arg4: memref<1x128xf32, #tpu.memory_space<vmem>>, %arg5: memref<128x128xf32, #tpu.memory_space<vmem>>, %arg6: memref<1024x128xf32, #tpu.memory_space<vmem>>) attributes {dimension_semantics = [#tpu.dimension_semantics<arbitrary>], iteration_bounds = array<i64: 10>, scalar_prefetch = 0 : i64, scratch_operands = 0 : i64, tpu.core_type = #tpu.core_type<tc>, window_params = [{transform_indices = @transform_0, window_bounds = array<i64: 2, 1024, 128>}, {transform_indices = @transform_1, window_bounds = array<i64: 1024, 128>}, {transform_indices = @transform_2, window_bounds = array<i64: 1024, 128>}, {pipeline_mode = #tpu.pipeline_mode<synchronous>, transform_indices = @transform_3, window_bounds = array<i64: 1, 128>}, {pipeline_mode = #tpu.pipeline_mode<synchronous>, transform_indices = @transform_4, window_bounds = array<i64: 128, 128>}, {transform_indices = @transform_5, window_bounds = array<i64: 1024, 128>}]} {
    %get3A = arith.constant 0 : index
    %get3A_0 = arith.constant 0 : index
    %get3A_1 = arith.constant 0 : index
    %get3A_2 = vector.load %arg1[%get3A, %get3A_0, %get3A_1] : memref<2x1024x128xf32, #tpu.memory_space<vmem>>, vector<2x1024x128xf32>
    %get3A_3 = arith.constant 0 : index
    %get3A_4 = arith.constant 0 : index
    %get3A_5 = vector.load %arg3[%get3A_3, %get3A_4] : memref<1024x128xf32, #tpu.memory_space<vmem>>, vector<1024x128xf32>
    %slice3A = vector.extract_strided_slice %get3A_5 {offsets = [0, 0], sizes = [1024, 1], strides = [1, 1]} : vector<1024x128xf32> to vector<1024x1xf32>
    %slice3A_6 = vector.extract_strided_slice %get3A_2 {offsets = [0, 0, 0], sizes = [1, 1024, 128], strides = [1, 1, 1]} : vector<2x1024x128xf32> to vector<1x1024x128xf32>
    %squeeze3A = vector.shape_cast %slice3A_6 : vector<1x1024x128xf32> to vector<1024x128xf32>
    %slice3A_7 = vector.extract_strided_slice %get3A_2 {offsets = [1, 0, 0], sizes = [1, 1024, 128], strides = [1, 1, 1]} : vector<2x1024x128xf32> to vector<1x1024x128xf32>
    %squeeze3A_8 = vector.shape_cast %slice3A_7 : vector<1x1024x128xf32> to vector<1024x128xf32>
    %add3A = arith.addf %squeeze3A, %squeeze3A_8 : vector<1024x128xf32>
    %get3A_9 = arith.constant 0 : index
    %get3A_10 = arith.constant 0 : index
    %get3A_11 = vector.load %arg2[%get3A_9, %get3A_10] : memref<1024x128xf32, #tpu.memory_space<vmem>>, vector<1024x128xf32>
    %add3A_12 = arith.addf %add3A, %get3A_11 : vector<1024x128xf32>
    %mul3A = vector.broadcast %slice3A : vector<1024x1xf32> to vector<1024x128xf32>
    %mul3A_13 = arith.mulf %mul3A, %add3A_12 : vector<1024x128xf32>
    %get3A_14 = arith.constant 0 : index
    %get3A_15 = arith.constant 0 : index
    %get3A_16 = vector.load %arg4[%get3A_14, %get3A_15] : memref<1x128xf32, #tpu.memory_space<vmem>>, vector<1x128xf32>
    %add3A_17 = vector.broadcast %get3A_16 : vector<1x128xf32> to vector<1024x128xf32>
    %add3A_18 = arith.addf %mul3A_13, %add3A_17 : vector<1024x128xf32>
    %logistic3A = arith.negf %add3A_18 : vector<1024x128xf32>
    %logistic3A_19 = math.exp %logistic3A : vector<1024x128xf32>
    %logistic3A_20 = arith.constant 1.000000e+00 : f32
    %logistic3A_21 = vector.broadcast %logistic3A_20 : f32 to vector<1024x128xf32>
    %logistic3A_22 = arith.addf %logistic3A_21, %logistic3A_19 : vector<1024x128xf32>
    %logistic3A_23 = arith.divf %logistic3A_21, %logistic3A_22 : vector<1024x128xf32>
    %mul3A_24 = arith.mulf %add3A_18, %logistic3A_23 : vector<1024x128xf32>
    %get3A_25 = arith.constant 0 : index
    %get3A_26 = arith.constant 0 : index
    %get3A_27 = vector.load %arg5[%get3A_25, %get3A_26] : memref<128x128xf32, #tpu.memory_space<vmem>>, vector<128x128xf32>
    %dot_general3A = arith.constant dense<0.000000e+00> : vector<1024x128xf32>
    %dot_general3A_28 = tpu.matmul %mul3A_24, %get3A_27, %dot_general3A {dimension_numbers = #tpu.dot_dimension_numbers<[1], [0], [0], [1], [0, 0, 1, 1], [], []>, transpose_lhs_hint = false} : vector<1024x128xf32>, vector<128x128xf32>, vector<1024x128xf32> -> vector<1024x128xf32>
    %mul3A_29 = vector.broadcast %slice3A : vector<1024x1xf32> to vector<1024x128xf32>
    %mul3A_30 = arith.mulf %mul3A_29, %dot_general3A_28 : vector<1024x128xf32>
    %swap3A = arith.constant 0 : index
    %swap3A_31 = arith.constant 0 : index
    %swap3A_32 = vector.load %arg6[%swap3A, %swap3A_31] : memref<1024x128xf32, #tpu.memory_space<vmem>>, vector<1024x128xf32>
    tpu.vector_store %arg6[%swap3A, %swap3A_31], %mul3A_30 {strides = array<i32>} : memref<1024x128xf32, #tpu.memory_space<vmem>>, vector<1024x128xf32>,
    return
  }
  func.func @transform_0(%arg0: i32) -> (i32, i32, i32) {
    %c0_i32 = arith.constant 0 : i32
    %c0_i32_0 = arith.constant 0 : i32
    %c0_i32_1 = arith.constant 0 : i32
    return %c0_i32, %arg0, %c0_i32_0 : i32, i32, i32
  }
  func.func @transform_1(%arg0: i32) -> (i32, i32) {
    %c0_i32 = arith.constant 0 : i32
    %c0_i32_0 = arith.constant 0 : i32
    return %arg0, %c0_i32 : i32, i32
  }
  func.func @transform_2(%arg0: i32) -> (i32, i32) {
    %c0_i32 = arith.constant 0 : i32
    %c0_i32_0 = arith.constant 0 : i32
    return %arg0, %c0_i32 : i32, i32
  }
  func.func @transform_3(%arg0: i32) -> (i32, i32) {
    %c0_i32 = arith.constant 0 : i32
    %c0_i32_0 = arith.constant 0 : i32
    %c0_i32_1 = arith.constant 0 : i32
    return %c0_i32, %c0_i32_0 : i32, i32
  }
  func.func @transform_4(%arg0: i32) -> (i32, i32) {
    %c0_i32 = arith.constant 0 : i32
    %c0_i32_0 = arith.constant 0 : i32
    %c0_i32_1 = arith.constant 0 : i32
    return %c0_i32, %c0_i32_0 : i32, i32
  }
  func.func @transform_5(%arg0: i32) -> (i32, i32) {
    %c0_i32 = arith.constant 0 : i32
    %c0_i32_0 = arith.constant 0 : i32
    return %arg0, %c0_i32 : i32, i32
  }
}

</mosaic_0001>

<sc_bundles>
// kernel: kernel.10.cloned.1.call-start
scs
__scs_entry_jumppad:
0x0: {  	(pc) =	sbr.rel $0x88, $3  }
0x1: {  	(tag) =	ssettag $0x0;
	lr =	simm.s32 $0x1  }
0x2: {  	[smem:$0x3F99] =	sst lr;
	_ =	strace $0xD0000000  }
0x3: {  	_ = 	snop  }
0x4: {  	_ = 	snop  }
0x5: {  	_ = 	snop  }
0x6: {  	_ = 	snop  }
0x7: {  	_ = 	snop  }
__scs_overlays_trampoline_lowered:
0x8: {  	[smem:$0x3FA8] =	sst s0  }
0x9: {  	[smem:$0x3FA9] =	sst s1  }
0xa: {  	[smem:$0x3FAA] =	sst s2  }
0xb: {  	[smem:$0x3FAB] =	sst s3  }
0xc: {  	[smem:$0x3FAC] =	sst s4  }
0xd: {  	[smem:$0x3FAD] =	sst s5  }
0xe: {  	[smem:$0x3FAE] =	sst s6  }
0xf: {  	[smem:$0x3FAF] =	sst s7  }
0x10: {  	[smem:$0x3FB0] =	sst s8  }
0x11: {  	[smem:$0x3FB1] =	sst s9;
	s0 =	simm.s32 @!p0 $0x0  }
0x12: {  	s1 =	sld [smem:$0x3F97];
	s0 =	simm.s32 @p0 $0x1  }
0x13: {  	[smem:$0x3FB2] =	sst s0;
	s0 =	simm.s32 @!p1 $0x0  }
0x14: {  	s2 =	sld [smem:$0x3F96];
	s0 =	simm.s32 @p1 $0x1  }
0x15: {  	[smem:$0x3FB3] =	sst s0;
	s0 =	simm.s32 @!p2 $0x0  }
0x16: {  	s3 =	sld [smem:$0x3FDB];
	s0 =	simm.s32 @p2 $0x1  }
0x17: {  	s4 =	simm.s32 $0x1BF5;
	[smem:$0x3FB5] =	sst s0  }
0x18: {  	s0 =	sld [smem:$0x3F98];
	_ =	swait.ge [sflag:s4], $0x0  }
0x19: {  	s7 =	sld [smem:$0x3F99]  }
0x1a: {  	s8 =	sadd.s32 $0xFFFFE003, lr  }
0x1b: {  	s9 =	sadd.s32 $0xFFFFFEF7, lr;
	s5 =	simm.s32 $0xFFFFFFFF;
	p2 =	slt.u32 s8, $0xFFFFF086  }
0x1c: {  	p1 =	slt.u32 s9, $0xF7A;
	s5 =	simm.s32 @!p2 $0x0  }
0x1d: {  	s5 =	simm.s32 @p1 $0x1;
	p0 =	seq.s32 s7, s2  }
0x1e: {  	s7 =	smul.u32 @!p0 $0xF7A, s2;
	p2 =	seq.s32 @!p0 s5, $0x0  }
0x1f: {  	s9 =	smul.u32 $0xF7A, s1;
	s8 =	simm.s32 @!p0 $0x1BF5;
	p2 =	por !p2, p0  }
0x20: {  	[sflag:s8] =	ssyncset.s32 @!p0 $0xFFFFF086;
	s6 =	sadd.s32 @!p0 s3, s7;
	s7 =	simm.s32 @!p0 $0x108  }
0x21: {  	s3 =	sadd.s32 s3, s9;
	s6 =	sadd.s32 @!p0 $0x88, s6;
	s7 =	simm.s32 @p2 $0x1082  }
0x22: {  	[simem:s7], [sflag:s8] =	dma.local @!p0 [hbm:s6], $0xF7A  }
0x23: {  	s9 =	sor.u32 $0xD0000000, s2;
	s6 =	simm.s32 $0x108;
	_ =	swait.ge @!p0 [sflag:s8], $0x0  }
0x24: {  	s3 =	sadd.s32 $0x88, s3;
	s6 =	simm.s32 @!p1 $0x1082;
	[sflag:s4] =	ssyncset.s32 $0xFFFFF086  }
0x25: {  	[simem:s6], [sflag:s4] =	dma.local [hbm:s3], $0xF7A  }
0x26: {  	[smem:$0x3F99] =	sst s1;
	(tag) =	ssettag s2;
	_ =	strace s9  }
0x27: {  	s1 =	sld [smem:$0x3FA9]  }
0x28: {  	s2 =	sld [smem:$0x3FAA]  }
0x29: {  	s4 =	sld [smem:$0x3FAC]  }
0x2a: {  	p0 =	seq.s32 s5, $0x0;
	s5 =	sld [smem:$0x3FAD]  }
0x2b: {  	s6 =	sld [smem:$0x3FAE]  }
0x2c: {  	s7 =	sld [smem:$0x3FAF]  }
0x2d: {  	s3 =	simm.s32 $0x108;
	s8 =	sld [smem:$0x3FB0]  }
0x2e: {  	s3 =	simm.s32 @!p0 $0x1082;
	s9 =	sld [smem:$0x3FB1]  }
0x2f: {  	lr =	sadd.s32 s0, s3;
	s0 =	sld [smem:$0x3FA8]  }
0x30: {  	s3 =	sld [smem:$0x3FAB]  }
0x31: {  	[smem:$0x3FB4] =	sst s10  }
0x32: {  	s10 =	sld [smem:$0x3FB2];
	_ =	sdelay $0x3  }
0x33: {  	p0 =	seq.s32 s10, $0x1;
	s10 =	sld [smem:$0x3FB4];
	_ =	sdelay $0x3  }
0x34: {  	[smem:$0x3FB4] =	sst s10  }
0x35: {  	s10 =	sld [smem:$0x3FB3];
	_ =	sdelay $0x3  }
0x36: {  	p1 =	seq.s32 s10, $0x1;
	s10 =	sld [smem:$0x3FB4];
	_ =	sdelay $0x3  }
0x37: {  	[smem:$0x3FB4] =	sst s10  }
0x38: {  	s10 =	sld [smem:$0x3FB5]  }
0x39: {  	_ = 	snop;
	(pc) =	sbr.ind lr, $3  }
0x3a: {  	_ = 	snop  }
0x3b: {  	_ = 	snop  }
0x3c: {  	p2 =	seq.s32 s10, $0x1;
	s10 =	sld [smem:$0x3FB4]  }
0x3d: {  	_ =	shalt  }
0x3e: {  	_ =	shalt  }
0x3f: {  	_ =	shalt  }
0x40: {  	_ =	shalt  }
0x41: {  	_ =	shalt  }
0x42: {  	_ =	shalt  }
0x43: {  	_ =	shalt  }
0x44: {  	_ =	shalt  }
0x45: {  	_ =	shalt  }
0x46: {  	_ =	shalt  }
0x47: {  	_ =	shalt  }
0x48: {  	_ =	shalt  }
0x49: {  	_ =	shalt  }
0x4a: {  	_ =	shalt  }
0x4b: {  	_ =	shalt  }
0x4c: {  	_ =	shalt  }
0x4d: {  	_ =	shalt  }
0x4e: {  	_ =	shalt  }
0x4f: {  	_ =	shalt  }
0x50: {  	_ =	shalt  }
0x51: {  	_ =	shalt  }
0x52: {  	_ =	shalt  }
0x53: {  	_ =	shalt  }
0x54: {  	_ =	shalt  }
0x55: {  	_ =	shalt  }
0x56: {  	_ =	shalt  }
0x57: {  	_ =	shalt  }
0x58: {  	_ =	shalt  }
0x59: {  	_ =	shalt  }
0x5a: {  	_ =	shalt  }
0x5b: {  	_ =	shalt  }
0x5c: {  	_ =	shalt  }
0x5d: {  	_ =	shalt  }
0x5e: {  	_ =	shalt  }
0x5f: {  	_ =	shalt  }
0x60: {  	_ =	shalt  }
0x61: {  	_ =	shalt  }
0x62: {  	_ =	shalt  }
0x63: {  	_ =	shalt  }
0x64: {  	_ =	shalt  }
0x65: {  	_ =	shalt  }
0x66: {  	_ =	shalt  }
0x67: {  	_ =	shalt  }
0x68: {  	_ =	shalt  }
0x69: {  	_ =	shalt  }
0x6a: {  	_ =	shalt  }
0x6b: {  	_ =	shalt  }
0x6c: {  	_ =	shalt  }
0x6d: {  	_ =	shalt  }
0x6e: {  	_ =	shalt  }
0x6f: {  	_ =	shalt  }
0x70: {  	_ =	shalt  }
0x71: {  	_ =	shalt  }
0x72: {  	_ =	shalt  }
0x73: {  	_ =	shalt  }
0x74: {  	_ =	shalt  }
0x75: {  	_ =	shalt  }
0x76: {  	_ =	shalt  }
0x77: {  	_ =	shalt  }
0x78: {  	_ =	shalt  }
0x79: {  	_ =	shalt  }
0x7a: {  	_ =	shalt  }
0x7b: {  	_ =	shalt  }
0x7c: {  	_ =	shalt  }
0x7d: {  	_ =	shalt  }
0x7e: {  	_ =	shalt  }
0x7f: {  	_ =	shalt  }
0x80: {  	_ =	shalt  }
0x81: {  	_ =	shalt  }
0x82: {  	_ =	shalt  }
0x83: {  	_ =	shalt  }
0x84: {  	_ =	shalt  }
0x85: {  	_ =	shalt  }
0x86: {  	_ =	shalt  }
0x87: {  	_ =	shalt  }
.Lfunc_end0:
.L_simem_size_0:
called_computation_lowered:
.L_overlay_start_0:
0x88: {  	s2 =	sld [smem:$0x3FD9]  }
0x89: {  	s3 =	sld [smem:$0x3FFE];
	_ =	sdelay $0x1  }
0x8a: {  	s1 =	srdreg.scid  }
0x8b: {  	s0 =	sand.u32 $0x1, s1  }
0x8c: {  	s16 =	sshll.u32 s0, $0xA;
	s2 =	sadd.s32 s3, s2  }
0x8d: {  	s2 =	sadd.s32 s2, s16  }
0x8e: {  	[smem:$0x3FC0] =	sst s2  }
0x8f: {  	_ = 	snop  }
0x90: {  	(tm) =	ssettm $0x1  }
0x91: {  	s17 =	sld [smem:$0x3FFB];
	_ =	sdelay $0x3  }
0x92: {  	_ =	strace s17  }
0x93: {  	s2 =	sld [smem:$0x3FFC];
	_ =	sdelay $0x3  }
0x94: {  	_ =	strace s2  }
0x95: {  	s2 =	sld [smem:$0x3FFD];
	_ =	sdelay $0x3  }
0x96: {  	_ =	strace s2  }
0x97: {  	_ =	strace $0x8FFFFFFF  }
0x98: {  	s18 =	sld [smem:$0x3FDB];
	_ =	sdelay $0x1  }
0x99: {  	s19 =	simm.s32 $_scs_section_size  }
0x9a: {  	s4 =	simm.s32 $_size__tile_overlayer_lowered;
	s5 =	simm.s32 $_tile_overlayer_lowered  }
0x9b: {  	s22 =	simm.s32 $0x1BFF;
	s21 =	sshll.u32 s5, $0x1;
	s2 =	sadd.s32 s19, s18  }
0x9c: {  	s6 =	simm.s32 $0x0;
	s20 =	sshll.u32 s4, $0x1;
	s4 =	sadd.s32 s21, s2  }
0x9d: {  	[timem:s6], [sflag:s22] =	dma.local [hbm:s4], s20  }
0x9e: {  	_ =	swait.ge [sflag:s22], s20  }
0x9f: {  	s3 =	ssub.s32 $0x0, s20;
	[sflag:s22] =	ssyncset.done $0x0  }
0xa0: {  	[sflag:s22] =	ssyncadd.s32 s3;
	_ =	sdelay $0x1  }
0xa1: {  	s23 =	simm.s32 $0x1B8B  }
0xa2: {  	_ =	swait.ge [sflag:s23], $0x1  }
0xa3: {  	[sflag:s23] =	ssyncset.done $0x0  }
0xa4: {  	s25 =	simm.s32 $0x1B8E;
	s24 =	sld [smem:$0x3FFE];
	[sflag:s23] =	ssyncadd.s32 $0xFFFFFFFF  }
0xa5: {  	s26 =	simm.s32 $execute0_lowered;
	[smem:$0x3FD2] =	sst s25  }
0xa6: {  	s4 =	sshll.u32 s26, $0x1;
	_ =	strace $0x80000046;
	[dreg:$0x1] =	wrdreg $0xFFFFFFFF  }
0xa7: {  	s28 =	simm.s32 $_size_execute0_lowered;
	s2 =	sadd.s32 s2, s4;
	[dreg:$0x0] =	wrdreg $0x0  }
0xa8: {  	s4 =	sshll.u32 s28, $0x1;
	[dreg:$0x2] =	wrdreg s2  }
0xa9: {  	[dreg:$0x3] =	wrdreg s4  }
0xaa: {  	[dreg:$0x4] =	wrdreg $0xC0  }
0xab: {  	_ =	task [dreg:s6], $0x5FFFF  }
0xac: {  	[dreg:$0x1] =	wrdreg $0xFFFFFFFF  }
0xad: {  	[dreg:$0x0] =	wrdreg $0x60  }
0xae: {  	[dreg:$0x2] =	wrdreg s24  }
0xaf: {  	[dreg:$0x3] =	wrdreg $0x81000  }
0xb0: {  	[dreg:$0x4] =	wrdreg $0x9  }
0xb1: {  	_ =	task.clear_ibuf [dreg:s6], $0x5FFFF;
	_ =	strace $0x90000046  }
0xb2: {  	s29 =	simm.s32 $0x9;
	_ =	strace $0x80000048  }
0xb3: {  	_ =	swait.ge [sflag:s29], $0x1  }
0xb4: {  	[sflag:s29] =	ssyncadd.s32 $0xFFFFFFFF  }
0xb5: {  	_ =	strace $0x90000048  }
0xb6: {  	_ =	sfence  }
0xb7: {  	s30 =	sld [smem:$0x0];
	_ =	sdelay $0x2  }
0xb8: {  	s31 =	sshll.u32 s1, $0xD;
	s1 =	sshrl.u32 s1, $0x2  }
0xb9: {  	s3 =	sand.u32 $0x4000, s31;
	s1 =	sadd.s32 s1, s30  }
0xba: {  	s0 =	sor.u32 s3, s0;
	s1 =	sshll.u32 s1, $0x11  }
0xbb: {  	s0 =	sor.u32 s1, s0  }
0xbc: {  	s0 =	sadd.s32 $0x8F2B, s0  }
0xbd: {  	[sflag:s0] =	ssyncadd.remote.s32 $0x1  }
0xbe: {  	_ =	sfence.sel $0xFFFF  }
0xbf: {  	[dreg:$0x0] =	wrdreg $0xFFFFFFFF;
	(pc) =	sbr.abs _section_cstart, $3  }
0xc0: {  	[dreg:$0x1] =	wrdreg $0xFFFFFFFF  }
0xc1: {  	_ =	task.clear_ibuf [dreg:s6], $0x2FFFF;
	_ =	strace $0x9FFFFFFF  }
0xc2: {  	(tm) =	ssettm $0x7FFFFFFF  }
0xc3: {  	_ =	shalt  }
tec
execute0_lowered:
.L_overlay_start_1:
0x0: {  	(tag) =	ssettag $0x1  }
0x1: {  	s0 =	rddreg [dreg:$0x0]  }
0x2: {  	s1 =	rddreg [dreg:$0x1];
	s3 =	simm.s32 $0x0;
	s2 =	srdreg.scid  }
0x3: {  	s5 =	stileid.u32;
	s28 =	simm.s32 $0x80;
	s29 =	simm.s32 $0x1  }
0x4: {  	s30 =	simm.s32 $0x2;
	s31 =	simm.s32 $0x0;
	[smem:$0x7FF] =	sst s3  }
0x5: {  	s2 =	sand.u32 $0x1, s2;
	s6 =	smul.u32 $0x50000, s5;
	s4 =	sadd.s32 $0x3200, s0  }
0x6: {  	s8 =	sadd.s32 $0xD200, s0;
	s18 =	smul.u32 $0x14000, s5;
	s0 =	sadd.s32 $0xDA00, s0  }
0x7: {  	s22 =	sshll.u32 s5, $0x1;
	_ =	strace $0x80000047;
	s7 =	ssub.s32 $0x2, s2  }
0x8: {  	s17 =	smul.u32 $0x140000, s2;
	[dreg:$0x3] =	wrdreg s8;
	s21 =	sshrl.u32 s7, $0x1  }
0x9: {  	s6 =	sshrl.u32 s6, $0x2;
	s16 =	sadd.s32 $0x4000, s18;
	s19 =	sadd.s32 $0x8000, s18  }
0xa: {  	s8 =	ssub.s32 s7, s21;
	s7 =	sor.u32 s2, s22;
	s9 =	sadd.s32 s17, s18  }
0xb: {  	s6 =	sadd.s32 s6, s1;
	s14 =	sadd.s32 s17, s16;
	s20 =	sadd.s32 s17, s19  }
0xc: {  	s22 =	sadd.s32 s16, s1;
	s21 =	sadd.s32 $0x10000, s18;
	s2 =	smul.u32 $0x500, s2  }
0xd: {  	s13 =	smul.u32 $0x500, s7;
	s23 =	sshrl.u32 s9, $0x3;
	s8 =	smax.u32 s8, $0x1  }
0xe: {  	s9 =	sadd.s32 $0x4000, s6;
	s10 =	sadd.s32 $0x8000, s6;
	s11 =	sadd.s32 $0xC000, s6  }
0xf: {  	s12 =	sadd.s32 $0x10000, s6;
	s15 =	sshrl.u32 s14, $0x3;
	s20 =	sshrl.u32 s20, $0x3  }
0x10: {  	s26 =	sadd.s32 s17, s21;
	s22 =	sshrl.u32 s22, $0x3;
	s7 =	sadd.s32 s0, s23  }
0x11: {  	s15 =	sadd.s32 s0, s15;
	s16 =	sadd.s32 s0, s20;
	s20 =	sadd.s32 $0xC000, s18  }
0x12: {  	s23 =	sadd.s32 s19, s1;
	s19 =	sshrl.u32 s26, $0x3;
	s26 =	sadd.s32 s21, s1  }
0x13: {  	s21 =	simm.s32 $0x3;
	s13 =	sadd.s32 s13, s4;
	s24 =	sadd.s32 s17, s20  }
0x14: {  	s18 =	sadd.s32 s0, s19;
	s25 =	sshrl.u32 s24, $0x3;
	s24 =	smul.u32 $0xA00, s5  }
0x15: {  	s23 =	sshrl.u32 s23, $0x3;
	s14 =	sadd.s32 $0x10, s13;
	s17 =	sadd.s32 s0, s25  }
0x16: {  	s25 =	sadd.s32 s20, s1;
	s20 =	simm.s32 $0x4100;
	s19 =	sadd.s32 s2, s24  }
0x17: {  	v0 =	vimm.f32 $0.0e+00;
	s24 =	sshrl.u32 s25, $0x3;
	s25 =	sshrl.u32 s26, $0x3;
	s26 =	simm.s32 $0x100  }
.LBB2_1:
0x18: {  	s0 =	simm.s32 $0x0;
	s2 =	simm.s32 $0x200  }
.LBB2_2:
0x19: {  	p0 =	sne.s32 s2, $0xFE00;
	[tilespmem:s0+$0x170] =	vst v0  }
0x1a: {  	[tilespmem:s0+$0x100] =	vst v0  }
0x1b: {  	[tilespmem:s0+$0x110] =	vst v0  }
.Ltmp0:
0x1c: {  	[tilespmem:s0+$0x120] =	vst v0;
	(pc) =	sbr.rel @p0 .LBB2_2-.Ltmp0, $4  }
0x1d: {  	[tilespmem:s0+$0x130] =	vst v0  }
0x1e: {  	[tilespmem:s0+$0x140] =	vst v0  }
0x1f: {  	[tilespmem:s0+$0x150] =	vst v0  }
0x20: {  	[tilespmem:s0+$0x160] =	vst v0;
	s0 =	sshra.s32 s2, $0x2;
	s2 =	sadd.s32 $0x200, s2  }
0x21: {  	[tilespmem:s0+$0x170] =	vst v0  }
0x22: {  	[tilespmem:s0+$0x100] =	vst v0  }
0x23: {  	[tilespmem:s0+$0x110] =	vst v0  }
0x24: {  	[tilespmem:s0+$0x120] =	vst v0  }
0x25: {  	[tilespmem:s0+$0x130] =	vst v0  }
0x26: {  	[tilespmem:s0+$0x140] =	vst v0  }
0x27: {  	[tilespmem:s0+$0x150] =	vst v0  }
0x28: {  	[tilespmem:s0+$0x160] =	vst v0;
	s2 =	rddreg [dreg:$0x3]  }
0x29: {  	[tilespmem:s20], [sflag:$0x3] =	stream.linear.gather [hbm4b:s2+s3], $0x4000, $0x38;
	[tilespmem:$0x1C100] =	vst v63  }
0x2a: {  	_ =	swait.ge [sflag:s21], $0x4000  }
0x2b: {  	[sflag:s21] =	ssyncset.done $0x0  }
0x2c: {  	[sflag:s21] =	ssyncadd.s32 $0xFFFFC000  }
0x2d: {  	[spmem:s6] =	stream.linear.scatter [tilespmem:s26], [sflag:$0x3], $0x4000, $0x38;
	[tilespmem:$0x1C100] =	vst v63  }
0x2e: {  	_ =	swait.ge [sflag:s21], $0x4000  }
0x2f: {  	[sflag:s21] =	ssyncset.done $0x0  }
0x30: {  	[sflag:s21] =	ssyncadd.s32 $0xFFFFC000  }
0x31: {  	[spmem:s9] =	stream.linear.scatter [tilespmem:s26], [sflag:$0x3], $0x4000, $0x38;
	[tilespmem:$0x1C100] =	vst v63  }
0x32: {  	_ =	swait.ge [sflag:s21], $0x4000  }
0x33: {  	[sflag:s21] =	ssyncset.done $0x0  }
0x34: {  	[sflag:s21] =	ssyncadd.s32 $0xFFFFC000  }
0x35: {  	[spmem:s10] =	stream.linear.scatter [tilespmem:s26], [sflag:$0x3], $0x4000, $0x38;
	[tilespmem:$0x1C100] =	vst v63  }
0x36: {  	_ =	swait.ge [sflag:s21], $0x4000  }
0x37: {  	[sflag:s21] =	ssyncset.done $0x0  }
0x38: {  	[sflag:s21] =	ssyncadd.s32 $0xFFFFC000  }
0x39: {  	[spmem:s11] =	stream.linear.scatter [tilespmem:s26], [sflag:$0x3], $0x4000, $0x38;
	[tilespmem:$0x1C100] =	vst v63  }
0x3a: {  	_ =	swait.ge [sflag:s21], $0x4000  }
0x3b: {  	[sflag:s21] =	ssyncset.done $0x0  }
0x3c: {  	[sflag:s21] =	ssyncadd.s32 $0xFFFFC000  }
0x3d: {  	[spmem:s12] =	stream.linear.scatter [tilespmem:s26], [sflag:$0x3], $0x4000, $0x38;
	[tilespmem:$0x1C100] =	vst v63  }
0x3e: {  	_ =	swait.ge [sflag:s21], $0x4000  }
0x3f: {  	[sflag:s21] =	ssyncset.done $0x0  }
0x40: {  	[sflag:s21] =	ssyncadd.s32 $0xFFFFC000  }
0x41: {  	[bflag:$0x0] =	sbarrier.arrive $0xFFFF  }
0x42: {  	[tilespmem:s3], [sflag:$0x3] =	stream.linear.gather [hbm4b:s13+s3], $0x80, $0x38;
	[tilespmem:$0x1C100] =	vst v63  }
0x43: {  	_ =	swait.ge [sflag:s21], $0x80  }
0x44: {  	[sflag:s21] =	ssyncset.done $0x0  }
0x45: {  	[sflag:s21] =	ssyncadd.s32 $0xFFFFFF80  }
0x46: {  	[spmem:s1] =	stream.indirect.scatter.add.f32 [tilespmem:s20], [sflag:$0x1], $0x80, s3, s28, $0xb8;
	[tilespmem:$0x1C100] =	vst v63  }
0x47: {  	_ = 	snop  }
0x48: {  	[tilespmem:s28], [sflag:$0x3] =	stream.linear.gather [hbm4b:s14+s3], $0x80, $0x38;
	[tilespmem:$0x1C100] =	vst v63  }
0x49: {  	_ =	swait.ge [sflag:s21], $0x80  }
0x4a: {  	[sflag:s21] =	ssyncset.done $0x0  }
0x4b: {  	s5 =	simm.s32 $0x20;
	[sflag:s21] =	ssyncadd.s32 $0xFFFFFF80  }
0x4c: {  	[spmem:s1] =	stream.indirect.scatter.add.f32 [tilespmem:s20], [sflag:$0x2], $0x80, s28, s28, $0xb8;
	[tilespmem:$0x1C100] =	vst v63  }
0x4d: {  	s2 =	sadd.s32 $0x20, s19;
	s0 =	sand.u32 $0x60, s5;
	_ =	swait.ge [sflag:s29], $0x4000  }
0x4e: {  	s2 =	sand.u32 $0x1FF80, s2;
	s0 =	sadd.s32 s4, s0;
	[sflag:s29] =	ssyncset.done $0x0  }
0x4f: {  	s0 =	sadd.s32 s2, s0;
	[sflag:s29] =	ssyncadd.s32 $0xFFFFC000  }
0x50: {  	[tilespmem:s3], [sflag:$0x3] =	stream.linear.gather [hbm4b:s0+s3], $0x80, $0x38;
	[tilespmem:$0x1C100] =	vst v63  }
0x51: {  	_ =	swait.ge [sflag:s21], $0x80  }
0x52: {  	[sflag:s21] =	ssyncset.done $0x0  }
0x53: {  	[sflag:s21] =	ssyncadd.s32 $0xFFFFFF80  }
0x54: {  	[spmem:s1] =	stream.indirect.scatter.add.f32 [tilespmem:s20], [sflag:$0x1], $0x80, s3, s28, $0xb8;
	[tilespmem:$0x1C100] =	vst v63  }
0x55: {  	_ =	swait.ge [sflag:s30], $0x4000  }
0x56: {  	[sflag:s30] =	ssyncset.done $0x0  }
0x57: {  	s0 =	sadd.s32 $0x10, s0;
	[sflag:s30] =	ssyncadd.s32 $0xFFFFC000  }
0x58: {  	[tilespmem:s28], [sflag:$0x3] =	stream.linear.gather [hbm4b:s0+s3], $0x80, $0x38;
	[tilespmem:$0x1C100] =	vst v63  }
0x59: {  	_ =	swait.ge [sflag:s21], $0x80  }
0x5a: {  	[sflag:s21] =	ssyncset.done $0x0  }
0x5b: {  	s0 =	simm.s32 $0x40;
	[sflag:s21] =	ssyncadd.s32 $0xFFFFFF80  }
.LBB2_4:
0x5c: {  	[spmem:s1] =	stream.indirect.scatter.add.f32 [tilespmem:s20], [sflag:$0x2], $0x80, s28, s28, $0xb8;
	[tilespmem:$0x1C100] =	vst v63  }
0x5d: {  	s2 =	sadd.s32 s0, s19;
	s5 =	sand.u32 $0x60, s0;
	_ =	swait.ge [sflag:s29], $0x4000  }
0x5e: {  	s2 =	sand.u32 $0x1FF80, s2;
	s5 =	sadd.s32 s4, s5;
	[sflag:s29] =	ssyncset.done $0x0  }
0x5f: {  	p0 =	sne.s32 s0, $0x4E0;
	s2 =	sadd.s32 s2, s5;
	[sflag:s29] =	ssyncadd.s32 $0xFFFFC000  }
0x60: {  	[tilespmem:s3], [sflag:$0x3] =	stream.linear.gather [hbm4b:s2+s3], $0x80, $0x38;
	[tilespmem:$0x1C100] =	vst v63  }
0x61: {  	s0 =	sadd.s32 $0x20, s0;
	_ =	swait.ge [sflag:s21], $0x80  }
0x62: {  	[sflag:s21] =	ssyncset.done $0x0  }
0x63: {  	[sflag:s21] =	ssyncadd.s32 $0xFFFFFF80  }
0x64: {  	[spmem:s1] =	stream.indirect.scatter.add.f32 [tilespmem:s20], [sflag:$0x1], $0x80, s3, s28, $0xb8;
	[tilespmem:$0x1C100] =	vst v63  }
0x65: {  	_ =	swait.ge [sflag:s30], $0x4000  }
0x66: {  	[sflag:s30] =	ssyncset.done $0x0  }
.Ltmp1:
0x67: {  	s2 =	sadd.s32 $0x10, s2;
	[sflag:s30] =	ssyncadd.s32 $0xFFFFC000;
	(pc) =	sbr.rel @p0 .LBB2_4-.Ltmp1, $4  }
0x68: {  	[tilespmem:s28], [sflag:$0x3] =	stream.linear.gather [hbm4b:s2+s3], $0x80, $0x38;
	[tilespmem:$0x1C100] =	vst v63  }
0x69: {  	_ =	swait.ge [sflag:s21], $0x80  }
0x6a: {  	[sflag:s21] =	ssyncset.done $0x0  }
0x6b: {  	[sflag:s21] =	ssyncadd.s32 $0xFFFFFF80  }
0x6c: {  	[spmem:s1] =	stream.indirect.scatter.add.f32 [tilespmem:s20], [sflag:$0x2], $0x80, s28, s28, $0xb8;
	[tilespmem:$0x1C100] =	vst v63  }
0x6d: {  	_ =	swait.ge [sflag:s29], $0x4000  }
0x6e: {  	[sflag:s29] =	ssyncset.done $0x0  }
0x6f: {  	[sflag:s29] =	ssyncadd.s32 $0xFFFFC000  }
0x70: {  	_ =	swait.ge [sflag:s30], $0x4000  }
0x71: {  	s0 =	stileid.u32;
	[sflag:s30] =	ssyncset.done $0x0  }
0x72: {  	s0 =	sshll.u32 s0, $0x6;
	[sflag:s30] =	ssyncadd.s32 $0xFFFFC000  }
0x73: {  	s2 =	sshrl.u32 s6, $0x3;
	s0 =	sor.u32 $0x1C03, s0;
	[bflag:$0x0] =	sbarrier.arrive $0xFFFF  }
0x74: {  	[hbm:s7], [sflag:s0] =	dma.local [spmem:s2], $0x800  }
0x75: {  	_ =	swait.ge [sflag:s21], $0x800  }
0x76: {  	[sflag:s21] =	ssyncset.done $0x0  }
0x77: {  	[sflag:s21] =	ssyncadd.s32 $0xFFFFF800  }
0x78: {  	[hbm:s15], [sflag:s0] =	dma.local [spmem:s22], $0x800  }
0x79: {  	_ =	swait.ge [sflag:s21], $0x800  }
0x7a: {  	[sflag:s21] =	ssyncset.done $0x0  }
0x7b: {  	[sflag:s21] =	ssyncadd.s32 $0xFFFFF800  }
0x7c: {  	[hbm:s16], [sflag:s0] =	dma.local [spmem:s23], $0x800  }
0x7d: {  	_ =	swait.ge [sflag:s21], $0x800  }
0x7e: {  	[sflag:s21] =	ssyncset.done $0x0  }
0x7f: {  	[sflag:s21] =	ssyncadd.s32 $0xFFFFF800  }
0x80: {  	[hbm:s17], [sflag:s0] =	dma.local [spmem:s24], $0x800  }
0x81: {  	s31 =	sadd.s32 $0x1, s31;
	_ =	swait.ge [sflag:s21], $0x800  }
0x82: {  	p0 =	sne.s32 s31, s8;
	[sflag:s21] =	ssyncset.done $0x0  }
.Ltmp2:
0x83: {  	[sflag:s21] =	ssyncadd.s32 $0xFFFFF800;
	(pc) =	sbr.rel @p0 .LBB2_1-.Ltmp2, $4  }
0x84: {  	[hbm:s18], [sflag:s0] =	dma.local [spmem:s25], $0x800  }
0x85: {  	_ =	swait.ge [sflag:s21], $0x800  }
0x86: {  	[sflag:s21] =	ssyncset.done $0x0  }
0x87: {  	[sflag:s21] =	ssyncadd.s32 $0xFFFFF800  }
0x88: {  	_ =	sfence.sel $0x180000  }
0x89: {  	[bflag:$0x0] =	sbarrier.arrive $0xFFFF  }
0x8a: {  	_ =	strace $0x90000047  }
0x8b: {  	s0 =	stileid.u32;
	[bflag:$0x2] =	sbarrier.arrive $0xFFFF  }
0x8c: {  	p0 =	sne.s32 s0, $0x0;
	s0 =	rddreg [dreg:$0x2]  }
0x8d: {  	s0 =	sadd.s32 @!p0 $0x100000, s0  }
0x8e: {  	[sflag:s0] =	ssyncadd.tile.s32 @!p0 $0x1;
	_ =	shalt  }
.Lfunc_end2:
_tile_overlayer_lowered:
.L_overlay_start_2:
0x8f: {  	(tag) =	ssettag $0x2  }
0x90: {  	s0 =	rddreg [dreg:$0x0];
	s2 =	stileid.u32  }
0x91: {  	s1 =	rddreg [dreg:$0x1];
	p0 =	sne.s32 s2, $0x0  }
0x92: {  	s3 =	rddreg [dreg:$0x2];
	[bflag:$0x3] =	sbarrier.arrive $0xFFFF;
	s2 =	simm.s32 @!p0 $0x1C03  }
0x93: {  	[timem:s3], [sflag:s2] =	dma.local @!p0 [hbm:s0], s1  }
0x94: {  	s0 =	simm.s32 @!p0 $0x3  }
0x95: {  	_ =	swait.ge @!p0 [sflag:s0], s1  }
0x96: {  	s1 =	ssub.s32 @!p0 $0x0, s1;
	[sflag:s0] =	ssyncset.done @!p0 $0x0  }
0x97: {  	[sflag:s0] =	ssyncadd.s32 @!p0 s1  }
0x98: {  	[bflag:$0x3] =	sbarrier.arrive $0xFFFF  }
0x99: {  	_ =	shalt  }

// kernel: kernel.13.cloned.1.call-start
scs
__scs_entry_jumppad:
0x0: {  	(pc) =	sbr.rel $0x88, $3  }
0x1: {  	(tag) =	ssettag $0x0;
	lr =	simm.s32 $0x1  }
0x2: {  	[smem:$0x3F99] =	sst lr;
	_ =	strace $0xD0000000  }
0x3: {  	_ = 	snop  }
0x4: {  	_ = 	snop  }
0x5: {  	_ = 	snop  }
0x6: {  	_ = 	snop  }
0x7: {  	_ = 	snop  }
__scs_overlays_trampoline_lowered:
0x8: {  	[smem:$0x3FA8] =	sst s0  }
0x9: {  	[smem:$0x3FA9] =	sst s1  }
0xa: {  	[smem:$0x3FAA] =	sst s2  }
0xb: {  	[smem:$0x3FAB] =	sst s3  }
0xc: {  	[smem:$0x3FAC] =	sst s4  }
0xd: {  	[smem:$0x3FAD] =	sst s5  }
0xe: {  	[smem:$0x3FAE] =	sst s6  }
0xf: {  	[smem:$0x3FAF] =	sst s7  }
0x10: {  	[smem:$0x3FB0] =	sst s8  }
0x11: {  	[smem:$0x3FB1] =	sst s9;
	s0 =	simm.s32 @!p0 $0x0  }
0x12: {  	s1 =	sld [smem:$0x3F97];
	s0 =	simm.s32 @p0 $0x1  }
0x13: {  	[smem:$0x3FB2] =	sst s0;
	s0 =	simm.s32 @!p1 $0x0  }
0x14: {  	s2 =	sld [smem:$0x3F96];
	s0 =	simm.s32 @p1 $0x1  }
0x15: {  	[smem:$0x3FB3] =	sst s0;
	s0 =	simm.s32 @!p2 $0x0  }
0x16: {  	s3 =	sld [smem:$0x3FDB];
	s0 =	simm.s32 @p2 $0x1  }
0x17: {  	s4 =	simm.s32 $0x1BF5;
	[smem:$0x3FB5] =	sst s0  }
0x18: {  	s0 =	sld [smem:$0x3F98];
	_ =	swait.ge [sflag:s4], $0x0  }
0x19: {  	s7 =	sld [smem:$0x3F99]  }
0x1a: {  	s8 =	sadd.s32 $0xFFFFE003, lr  }
0x1b: {  	s9 =	sadd.s32 $0xFFFFFEF7, lr;
	s5 =	simm.s32 $0xFFFFFFFF;
	p2 =	slt.u32 s8, $0xFFFFF086  }
0x1c: {  	p1 =	slt.u32 s9, $0xF7A;
	s5 =	simm.s32 @!p2 $0x0  }
0x1d: {  	s5 =	simm.s32 @p1 $0x1;
	p0 =	seq.s32 s7, s2  }
0x1e: {  	s7 =	smul.u32 @!p0 $0xF7A, s2;
	p2 =	seq.s32 @!p0 s5, $0x0  }
0x1f: {  	s9 =	smul.u32 $0xF7A, s1;
	s8 =	simm.s32 @!p0 $0x1BF5;
	p2 =	por !p2, p0  }
0x20: {  	[sflag:s8] =	ssyncset.s32 @!p0 $0xFFFFF086;
	s6 =	sadd.s32 @!p0 s3, s7;
	s7 =	simm.s32 @!p0 $0x108  }
0x21: {  	s3 =	sadd.s32 s3, s9;
	s6 =	sadd.s32 @!p0 $0x88, s6;
	s7 =	simm.s32 @p2 $0x1082  }
0x22: {  	[simem:s7], [sflag:s8] =	dma.local @!p0 [hbm:s6], $0xF7A  }
0x23: {  	s9 =	sor.u32 $0xD0000000, s2;
	s6 =	simm.s32 $0x108;
	_ =	swait.ge @!p0 [sflag:s8], $0x0  }
0x24: {  	s3 =	sadd.s32 $0x88, s3;
	s6 =	simm.s32 @!p1 $0x1082;
	[sflag:s4] =	ssyncset.s32 $0xFFFFF086  }
0x25: {  	[simem:s6], [sflag:s4] =	dma.local [hbm:s3], $0xF7A  }
0x26: {  	[smem:$0x3F99] =	sst s1;
	(tag) =	ssettag s2;
	_ =	strace s9  }
0x27: {  	s1 =	sld [smem:$0x3FA9]  }
0x28: {  	s2 =	sld [smem:$0x3FAA]  }
0x29: {  	s4 =	sld [smem:$0x3FAC]  }
0x2a: {  	p0 =	seq.s32 s5, $0x0;
	s5 =	sld [smem:$0x3FAD]  }
0x2b: {  	s6 =	sld [smem:$0x3FAE]  }
0x2c: {  	s7 =	sld [smem:$0x3FAF]  }
0x2d: {  	s3 =	simm.s32 $0x108;
	s8 =	sld [smem:$0x3FB0]  }
0x2e: {  	s3 =	simm.s32 @!p0 $0x1082;
	s9 =	sld [smem:$0x3FB1]  }
0x2f: {  	lr =	sadd.s32 s0, s3;
	s0 =	sld [smem:$0x3FA8]  }
0x30: {  	s3 =	sld [smem:$0x3FAB]  }
0x31: {  	[smem:$0x3FB4] =	sst s10  }
0x32: {  	s10 =	sld [smem:$0x3FB2];
	_ =	sdelay $0x3  }
0x33: {  	p0 =	seq.s32 s10, $0x1;
	s10 =	sld [smem:$0x3FB4];
	_ =	sdelay $0x3  }
0x34: {  	[smem:$0x3FB4] =	sst s10  }
0x35: {  	s10 =	sld [smem:$0x3FB3];
	_ =	sdelay $0x3  }
0x36: {  	p1 =	seq.s32 s10, $0x1;
	s10 =	sld [smem:$0x3FB4];
	_ =	sdelay $0x3  }
0x37: {  	[smem:$0x3FB4] =	sst s10  }
0x38: {  	s10 =	sld [smem:$0x3FB5]  }
0x39: {  	_ = 	snop;
	(pc) =	sbr.ind lr, $3  }
0x3a: {  	_ = 	snop  }
0x3b: {  	_ = 	snop  }
0x3c: {  	p2 =	seq.s32 s10, $0x1;
	s10 =	sld [smem:$0x3FB4]  }
0x3d: {  	_ =	shalt  }
0x3e: {  	_ =	shalt  }
0x3f: {  	_ =	shalt  }
0x40: {  	_ =	shalt  }
0x41: {  	_ =	shalt  }
0x42: {  	_ =	shalt  }
0x43: {  	_ =	shalt  }
0x44: {  	_ =	shalt  }
0x45: {  	_ =	shalt  }
0x46: {  	_ =	shalt  }
0x47: {  	_ =	shalt  }
0x48: {  	_ =	shalt  }
0x49: {  	_ =	shalt  }
0x4a: {  	_ =	shalt  }
0x4b: {  	_ =	shalt  }
0x4c: {  	_ =	shalt  }
0x4d: {  	_ =	shalt  }
0x4e: {  	_ =	shalt  }
0x4f: {  	_ =	shalt  }
0x50: {  	_ =	shalt  }
0x51: {  	_ =	shalt  }
0x52: {  	_ =	shalt  }
0x53: {  	_ =	shalt  }
0x54: {  	_ =	shalt  }
0x55: {  	_ =	shalt  }
0x56: {  	_ =	shalt  }
0x57: {  	_ =	shalt  }
0x58: {  	_ =	shalt  }
0x59: {  	_ =	shalt  }
0x5a: {  	_ =	shalt  }
0x5b: {  	_ =	shalt  }
0x5c: {  	_ =	shalt  }
0x5d: {  	_ =	shalt  }
0x5e: {  	_ =	shalt  }
0x5f: {  	_ =	shalt  }
0x60: {  	_ =	shalt  }
0x61: {  	_ =	shalt  }
0x62: {  	_ =	shalt  }
0x63: {  	_ =	shalt  }
0x64: {  	_ =	shalt  }
0x65: {  	_ =	shalt  }
0x66: {  	_ =	shalt  }
0x67: {  	_ =	shalt  }
0x68: {  	_ =	shalt  }
0x69: {  	_ =	shalt  }
0x6a: {  	_ =	shalt  }
0x6b: {  	_ =	shalt  }
0x6c: {  	_ =	shalt  }
0x6d: {  	_ =	shalt  }
0x6e: {  	_ =	shalt  }
0x6f: {  	_ =	shalt  }
0x70: {  	_ =	shalt  }
0x71: {  	_ =	shalt  }
0x72: {  	_ =	shalt  }
0x73: {  	_ =	shalt  }
0x74: {  	_ =	shalt  }
0x75: {  	_ =	shalt  }
0x76: {  	_ =	shalt  }
0x77: {  	_ =	shalt  }
0x78: {  	_ =	shalt  }
0x79: {  	_ =	shalt  }
0x7a: {  	_ =	shalt  }
0x7b: {  	_ =	shalt  }
0x7c: {  	_ =	shalt  }
0x7d: {  	_ =	shalt  }
0x7e: {  	_ =	shalt  }
0x7f: {  	_ =	shalt  }
0x80: {  	_ =	shalt  }
0x81: {  	_ =	shalt  }
0x82: {  	_ =	shalt  }
0x83: {  	_ =	shalt  }
0x84: {  	_ =	shalt  }
0x85: {  	_ =	shalt  }
0x86: {  	_ =	shalt  }
0x87: {  	_ =	shalt  }
.Lfunc_end0:
.L_simem_size_0:
called_computation.1_lowered:
.L_overlay_start_0:
0x88: {  	s2 =	sld [smem:$0x3FD9]  }
0x89: {  	s3 =	sld [smem:$0x3FFE];
	_ =	sdelay $0x1  }
0x8a: {  	s1 =	srdreg.scid  }
0x8b: {  	s0 =	sand.u32 $0x1, s1  }
0x8c: {  	s17 =	sshll.u32 s0, $0xA;
	s2 =	sadd.s32 s3, s2  }
0x8d: {  	s2 =	sadd.s32 s2, s17  }
0x8e: {  	[smem:$0x3FC0] =	sst s2  }
0x8f: {  	_ = 	snop  }
0x90: {  	s2 =	sld [smem:$0x3FD0];
	(tm) =	ssettm $0x1  }
0x91: {  	s18 =	sld [smem:$0x3FFB];
	_ =	sdelay $0x3  }
0x92: {  	_ =	strace s18  }
0x93: {  	s3 =	sld [smem:$0x3FFC];
	_ =	sdelay $0x3  }
0x94: {  	_ =	strace s3  }
0x95: {  	s3 =	sld [smem:$0x3FFD];
	_ =	sdelay $0x3  }
0x96: {  	_ =	strace s3  }
0x97: {  	_ =	strace $0x8FFFFFFF  }
0x98: {  	s19 =	sld [smem:$0x3FDB];
	_ =	sdelay $0x1  }
0x99: {  	s4 =	simm.s32 $_scs_section_size  }
0x9a: {  	s5 =	simm.s32 $_size__tile_overlayer_lowered;
	s6 =	simm.s32 $_tile_overlayer_lowered  }
0x9b: {  	s22 =	simm.s32 $0x1BFF;
	s21 =	sshll.u32 s6, $0x1;
	s3 =	sadd.s32 s4, s19  }
0x9c: {  	s7 =	simm.s32 $0x0;
	s20 =	sshll.u32 s5, $0x1;
	s5 =	sadd.s32 s21, s3  }
0x9d: {  	[timem:s7], [sflag:s22] =	dma.local [hbm:s5], s20  }
0x9e: {  	_ =	swait.ge [sflag:s22], s20  }
0x9f: {  	s4 =	ssub.s32 $0x0, s20;
	[sflag:s22] =	ssyncset.done $0x0  }
0xa0: {  	[sflag:s22] =	ssyncadd.s32 s4;
	_ =	sdelay $0x1  }
0xa1: {  	s23 =	simm.s32 $0x1B8B  }
0xa2: {  	_ =	swait.ge [sflag:s23], $0x1  }
0xa3: {  	[sflag:s23] =	ssyncset.done $0x0  }
0xa4: {  	s25 =	simm.s32 $0x1B8E;
	s24 =	sld [smem:$0x3FFE];
	[sflag:s23] =	ssyncadd.s32 $0xFFFFFFFF  }
0xa5: {  	s26 =	simm.s32 $execute0_lowered;
	[smem:$0x3FD2] =	sst s25  }
0xa6: {  	s5 =	sshll.u32 s26, $0x1;
	_ =	strace $0x80000049;
	[dreg:$0x1] =	wrdreg $0xFFFFFFFF  }
0xa7: {  	s28 =	simm.s32 $_size_execute0_lowered;
	s3 =	sadd.s32 s3, s5;
	[dreg:$0x0] =	wrdreg $0x0  }
0xa8: {  	s5 =	sshll.u32 s28, $0x1;
	[dreg:$0x2] =	wrdreg s3  }
0xa9: {  	[dreg:$0x3] =	wrdreg s5  }
0xaa: {  	[dreg:$0x4] =	wrdreg $0xC0  }
0xab: {  	_ =	task [dreg:s7], $0x5FFFF  }
0xac: {  	[dreg:$0x1] =	wrdreg $0xFFFFFFFF  }
0xad: {  	[dreg:$0x0] =	wrdreg $0x60  }
0xae: {  	[dreg:$0x2] =	wrdreg s24  }
0xaf: {  	[dreg:$0x3] =	wrdreg s2  }
0xb0: {  	[dreg:$0x4] =	wrdreg $0x82000  }
0xb1: {  	[dreg:$0x5] =	wrdreg $0x9  }
0xb2: {  	_ =	task.clear_ibuf [dreg:s7], $0x6FFFF;
	_ =	strace $0x90000049  }
0xb3: {  	s29 =	simm.s32 $0x9;
	_ =	strace $0x8000004B  }
0xb4: {  	_ =	swait.ge [sflag:s29], $0x1  }
0xb5: {  	[sflag:s29] =	ssyncadd.s32 $0xFFFFFFFF  }
0xb6: {  	_ =	strace $0x9000004B  }
0xb7: {  	_ =	sfence  }
0xb8: {  	s30 =	sld [smem:$0x0];
	_ =	sdelay $0x2  }
0xb9: {  	s31 =	sshll.u32 s1, $0xD;
	s1 =	sshrl.u32 s1, $0x2  }
0xba: {  	s3 =	sand.u32 $0x4000, s31;
	s1 =	sadd.s32 s1, s30  }
0xbb: {  	s0 =	sor.u32 s3, s0;
	s1 =	sshll.u32 s1, $0x11  }
0xbc: {  	s0 =	sor.u32 s1, s0  }
0xbd: {  	s0 =	sadd.s32 $0x8F2B, s0  }
0xbe: {  	[sflag:s0] =	ssyncadd.remote.s32 $0x1  }
0xbf: {  	_ =	sfence.sel $0xFFFF  }
0xc0: {  	[dreg:$0x0] =	wrdreg $0xFFFFFFFF;
	(pc) =	sbr.abs _section_cstart, $3  }
0xc1: {  	[dreg:$0x1] =	wrdreg $0xFFFFFFFF  }
0xc2: {  	_ =	task.clear_ibuf [dreg:s7], $0x2FFFF;
	_ =	strace $0x9FFFFFFF  }
0xc3: {  	(tm) =	ssettm $0x7FFFFFFF  }
tec
execute0_lowered:
.L_overlay_start_1:
0x0: {  	(tag) =	ssettag $0x1  }
0x1: {  	s0 =	rddreg [dreg:$0x0]  }
0x2: {  	s1 =	rddreg [dreg:$0x1]  }
0x3: {  	s2 =	rddreg [dreg:$0x2]  }
0x4: {  	s3 =	simm.s32 $0x0;
	s4 =	srdreg.scid;
	s15 =	stileid.u32  }
0x5: {  	s28 =	simm.s32 $0x200;
	s29 =	simm.s32 $0x5;
	s30 =	simm.s32 $0x80  }
0x6: {  	s31 =	simm.s32 $0x100;
	[smem:$0x7FF] =	sst s3;
	s9 =	smul.u32 $0x14000, s15  }
0x7: {  	s4 =	sand.u32 $0x1, s4;
	s5 =	sadd.s32 $0xD200, s0;
	s11 =	smul.u32 $0x50000, s15  }
0x8: {  	s6 =	sadd.s32 $0x3200, s0;
	s18 =	sshll.u32 s15, $0x1;
	s15 =	smul.u32 $0xA00, s15  }
0x9: {  	s0 =	sadd.s32 $0x35200, s0;
	_ =	strace $0x8000004A;
	s8 =	smul.u32 $0x140000, s4  }
0xa: {  	s7 =	ssub.s32 $0x2, s4;
	s13 =	sor.u32 s4, s18;
	s4 =	smul.u32 $0x500, s4  }
0xb: {  	s10 =	sshrl.u32 s7, $0x1;
	s19 =	sshrl.u32 s11, $0x2;
	s21 =	smul.u32 $0x500, s13  }
0xc: {  	s13 =	sadd.s32 $0x4000, s9;
	s25 =	sadd.s32 $0x8000, s9;
	s17 =	sadd.s32 $0xC000, s9  }
0xd: {  	s10 =	ssub.s32 s7, s10;
	s12 =	sadd.s32 s8, s9;
	s7 =	sadd.s32 s19, s2  }
0xe: {  	s24 =	sadd.s32 s8, s13;
	s26 =	sadd.s32 s8, s25;
	s9 =	sadd.s32 $0x10000, s9  }
0xf: {  	s22 =	sadd.s32 s8, s17;
	s19 =	sadd.s32 s4, s15;
	s25 =	sadd.s32 s25, s2  }
0x10: {  	s4 =	simm.s32 $0x180;
	s20 =	sshrl.u32 s12, $0x3;
	s10 =	smax.u32 s10, $0x1  }
0x11: {  	s23 =	sadd.s32 $0x8000, s7;
	s14 =	sadd.s32 $0xC000, s7;
	[dreg:$0x5] =	wrdreg s10  }
0x12: {  	s16 =	sadd.s32 s1, s21;
	s8 =	sadd.s32 s8, s9;
	[dreg:$0x7] =	wrdreg s23  }
0x13: {  	s18 =	sadd.s32 s6, s21;
	s9 =	sadd.s32 s9, s2;
	[dreg:$0x8] =	wrdreg s14  }
0x14: {  	s12 =	simm.s32 $0x0;
	s11 =	sadd.s32 s0, s20;
	[dreg:$0x9] =	wrdreg s16  }
0x15: {  	s16 =	sshrl.u32 s26, $0x3;
	s14 =	sshrl.u32 s22, $0x3;
	s8 =	sshrl.u32 s8, $0x3  }
0x16: {  	s23 =	sor.u32 $0x10, s21;
	s26 =	sadd.s32 s17, s2;
	s10 =	simm.s32 $0x3  }
0x17: {  	[dreg:$0x4] =	wrdreg s11;
	s11 =	sadd.s32 $0x4000, s7;
	s14 =	sadd.s32 s0, s14  }
0x18: {  	s20 =	sadd.s32 s1, s23;
	s21 =	sadd.s32 s6, s23;
	s23 =	sshrl.u32 s25, $0x3  }
0x19: {  	s25 =	sshrl.u32 s9, $0x3;
	s9 =	simm.s32 $0x2;
	[dreg:$0x6] =	wrdreg s11  }
0x1a: {  	s11 =	sshrl.u32 s24, $0x3;
	[dreg:$0xc] =	wrdreg s14;
	s24 =	sadd.s32 s13, s2  }
0x1b: {  	s11 =	sadd.s32 s0, s11;
	s22 =	sshrl.u32 s24, $0x3;
	s24 =	sshrl.u32 s26, $0x3  }
0x1c: {  	s26 =	sadd.s32 $0x10000, s7;
	[dreg:$0xa] =	wrdreg s11;
	s11 =	sadd.s32 s0, s16  }
0x1d: {  	s0 =	sadd.s32 s0, s8;
	s8 =	simm.s32 $0x1;
	[dreg:$0xb] =	wrdreg s11  }
0x1e: {  	v0 =	vimm.f32 $0.0e+00;
	[dreg:$0xd] =	wrdreg s0;
	s0 =	simm.s32 $0x4200;
	s11 =	simm.s32 $0x4  }
.LBB2_1:
0x1f: {  	s13 =	simm.s32 $0x0;
	s14 =	simm.s32 $0x200  }
.LBB2_2:
0x20: {  	p0 =	sne.s32 s14, $0xFE00;
	[tilespmem:s13+$0x270] =	vst v0  }
0x21: {  	[tilespmem:s13+$0x200] =	vst v0  }
0x22: {  	[tilespmem:s13+$0x210] =	vst v0  }
.Ltmp0:
0x23: {  	[tilespmem:s13+$0x220] =	vst v0;
	(pc) =	sbr.rel @p0 .LBB2_2-.Ltmp0, $4  }
0x24: {  	[tilespmem:s13+$0x230] =	vst v0  }
0x25: {  	[tilespmem:s13+$0x240] =	vst v0  }
0x26: {  	[tilespmem:s13+$0x250] =	vst v0  }
0x27: {  	[tilespmem:s13+$0x260] =	vst v0;
	s13 =	sshra.s32 s14, $0x2;
	s14 =	sadd.s32 $0x200, s14  }
0x28: {  	[tilespmem:s13+$0x270] =	vst v0  }
0x29: {  	[tilespmem:s13+$0x200] =	vst v0  }
0x2a: {  	[tilespmem:s13+$0x210] =	vst v0  }
0x2b: {  	[tilespmem:s13+$0x220] =	vst v0  }
0x2c: {  	[tilespmem:s13+$0x230] =	vst v0  }
0x2d: {  	[tilespmem:s13+$0x240] =	vst v0  }
0x2e: {  	[tilespmem:s13+$0x250] =	vst v0  }
0x2f: {  	[tilespmem:s13+$0x260] =	vst v0  }
0x30: {  	[spmem:s7] =	stream.linear.scatter [tilespmem:s28], [sflag:$0x5], $0x4000, $0x38;
	[tilespmem:$0x1C200] =	vst v63  }
0x31: {  	_ =	swait.ge [sflag:s29], $0x4000  }
0x32: {  	[sflag:s29] =	ssyncset.done $0x0  }
0x33: {  	s17 =	rddreg [dreg:$0x6];
	[sflag:s29] =	ssyncadd.s32 $0xFFFFC000  }
0x34: {  	[spmem:s17] =	stream.linear.scatter [tilespmem:s28], [sflag:$0x5], $0x4000, $0x38;
	[tilespmem:$0x1C200] =	vst v63  }
0x35: {  	_ =	swait.ge [sflag:s29], $0x4000  }
0x36: {  	[sflag:s29] =	ssyncset.done $0x0  }
0x37: {  	s14 =	rddreg [dreg:$0x7];
	[sflag:s29] =	ssyncadd.s32 $0xFFFFC000  }
0x38: {  	[spmem:s14] =	stream.linear.scatter [tilespmem:s28], [sflag:$0x5], $0x4000, $0x38;
	[tilespmem:$0x1C200] =	vst v63  }
0x39: {  	_ =	swait.ge [sflag:s29], $0x4000  }
0x3a: {  	[sflag:s29] =	ssyncset.done $0x0  }
0x3b: {  	s15 =	rddreg [dreg:$0x8];
	[sflag:s29] =	ssyncadd.s32 $0xFFFFC000  }
0x3c: {  	[spmem:s15] =	stream.linear.scatter [tilespmem:s28], [sflag:$0x5], $0x4000, $0x38;
	[tilespmem:$0x1C200] =	vst v63  }
0x3d: {  	_ =	swait.ge [sflag:s29], $0x4000  }
0x3e: {  	[sflag:s29] =	ssyncset.done $0x0  }
0x3f: {  	[sflag:s29] =	ssyncadd.s32 $0xFFFFC000  }
0x40: {  	[spmem:s26] =	stream.linear.scatter [tilespmem:s28], [sflag:$0x5], $0x4000, $0x38;
	[tilespmem:$0x1C200] =	vst v63  }
0x41: {  	_ =	swait.ge [sflag:s29], $0x4000  }
0x42: {  	[sflag:s29] =	ssyncset.done $0x0  }
0x43: {  	[sflag:s29] =	ssyncadd.s32 $0xFFFFC000  }
0x44: {  	[bflag:$0x0] =	sbarrier.arrive $0xFFFF  }
0x45: {  	s16 =	rddreg [dreg:$0x9]  }
0x46: {  	[tilespmem:s3], [sflag:$0x5] =	stream.linear.gather [hbm4b:s16+s3], $0x80, $0x38;
	[tilespmem:$0x1C200] =	vst v63  }
0x47: {  	_ =	swait.ge [sflag:s29], $0x80  }
0x48: {  	[sflag:s29] =	ssyncset.done $0x0  }
0x49: {  	[sflag:s29] =	ssyncadd.s32 $0xFFFFFF80  }
0x4a: {  	[tilespmem:s28], [sflag:$0x1] =	stream.indirect.gather [hbm4b:s5+s30], $0x80, s3, s30, $0xb8;
	[tilespmem:$0x1C200] =	vst v63  }
0x4b: {  	_ = 	snop  }
0x4c: {  	[tilespmem:s31], [sflag:$0x5] =	stream.linear.gather [hbm4b:s18+s3], $0x80, $0x38;
	[tilespmem:$0x1C200] =	vst v63  }
0x4d: {  	_ =	swait.ge [sflag:s29], $0x80  }
0x4e: {  	[sflag:s29] =	ssyncset.done $0x0  }
0x4f: {  	[sflag:s29] =	ssyncadd.s32 $0xFFFFFF80  }
0x50: {  	[tilespmem:s30], [sflag:$0x5] =	stream.linear.gather [hbm4b:s20+s3], $0x80, $0x38;
	[tilespmem:$0x1C200] =	vst v63  }
0x51: {  	_ =	swait.ge [sflag:s29], $0x80  }
0x52: {  	[sflag:s29] =	ssyncset.done $0x0  }
0x53: {  	[sflag:s29] =	ssyncadd.s32 $0xFFFFFF80  }
0x54: {  	[tilespmem:s0], [sflag:$0x2] =	stream.indirect.gather [hbm4b:s5+s30], $0x80, s30, s30, $0xb8;
	[tilespmem:$0x1C200] =	vst v63  }
0x55: {  	_ = 	snop  }
0x56: {  	[tilespmem:s4], [sflag:$0x5] =	stream.linear.gather [hbm4b:s21+s3], $0x80, $0x38;
	[tilespmem:$0x1C200] =	vst v63  }
0x57: {  	_ =	swait.ge [sflag:s29], $0x80  }
0x58: {  	[sflag:s29] =	ssyncset.done $0x0  }
0x59: {  	[sflag:s29] =	ssyncadd.s32 $0xFFFFFF80  }
0x5a: {  	_ =	swait.ge [sflag:s8], $0x4000  }
0x5b: {  	[sflag:s8] =	ssyncset.done $0x0  }
0x5c: {  	[sflag:s8] =	ssyncadd.s32 $0xFFFFC000  }
0x5d: {  	[spmem:s2] =	stream.indirect.scatter.add.f32 [tilespmem:s28], [sflag:$0x3], $0x80, s31, s30, $0xb8;
	[tilespmem:$0x1C200] =	vst v63  }
0x5e: {  	s17 =	simm.s32 $0x20;
	s14 =	sadd.s32 $0x20, s19;
	_ =	swait.ge [sflag:s9], $0x4000  }
0x5f: {  	s13 =	sand.u32 $0x60, s17;
	s14 =	sand.u32 $0x1FF80, s14;
	[sflag:s9] =	ssyncset.done $0x0  }
0x60: {  	s13 =	sor.u32 s13, s14;
	[sflag:s9] =	ssyncadd.s32 $0xFFFFC000  }
0x61: {  	[spmem:s2] =	stream.indirect.scatter.add.f32 [tilespmem:s0], [sflag:$0x4], $0x80, s4, s30, $0xb8;
	[tilespmem:$0x1C200] =	vst v63  }
0x62: {  	s14 =	sadd.s32 s1, s13  }
0x63: {  	[tilespmem:s3], [sflag:$0x5] =	stream.linear.gather [hbm4b:s14+s3], $0x80, $0x38;
	[tilespmem:$0x1C200] =	vst v63  }
0x64: {  	_ =	swait.ge [sflag:s29], $0x80  }
0x65: {  	[sflag:s29] =	ssyncset.done $0x0  }
0x66: {  	[sflag:s29] =	ssyncadd.s32 $0xFFFFFF80  }
0x67: {  	_ =	swait.ge [sflag:s10], $0x4000  }
0x68: {  	[sflag:s10] =	ssyncset.done $0x0  }
0x69: {  	[sflag:s10] =	ssyncadd.s32 $0xFFFFC000  }
0x6a: {  	[tilespmem:s28], [sflag:$0x1] =	stream.indirect.gather [hbm4b:s5+s30], $0x80, s3, s30, $0xb8;
	[tilespmem:$0x1C200] =	vst v63  }
0x6b: {  	s15 =	sadd.s32 s6, s13  }
0x6c: {  	[tilespmem:s31], [sflag:$0x5] =	stream.linear.gather [hbm4b:s15+s3], $0x80, $0x38;
	[tilespmem:$0x1C200] =	vst v63  }
0x6d: {  	_ =	swait.ge [sflag:s29], $0x80  }
0x6e: {  	s13 =	sor.u32 $0x10, s13;
	[sflag:s29] =	ssyncset.done $0x0  }
0x6f: {  	s16 =	sadd.s32 s1, s13;
	[sflag:s29] =	ssyncadd.s32 $0xFFFFFF80  }
0x70: {  	[tilespmem:s30], [sflag:$0x5] =	stream.linear.gather [hbm4b:s16+s3], $0x80, $0x38;
	[tilespmem:$0x1C200] =	vst v63  }
0x71: {  	_ =	swait.ge [sflag:s29], $0x80  }
0x72: {  	[sflag:s29] =	ssyncset.done $0x0  }
0x73: {  	[sflag:s29] =	ssyncadd.s32 $0xFFFFFF80  }
0x74: {  	_ =	swait.ge [sflag:s11], $0x4000  }
0x75: {  	[sflag:s11] =	ssyncset.done $0x0  }
0x76: {  	[sflag:s11] =	ssyncadd.s32 $0xFFFFC000  }
0x77: {  	[tilespmem:s0], [sflag:$0x2] =	stream.indirect.gather [hbm4b:s5+s30], $0x80, s30, s30, $0xb8;
	[tilespmem:$0x1C200] =	vst v63  }
0x78: {  	s13 =	sadd.s32 s6, s13  }
0x79: {  	[tilespmem:s4], [sflag:$0x5] =	stream.linear.gather [hbm4b:s13+s3], $0x80, $0x38;
	[tilespmem:$0x1C200] =	vst v63  }
0x7a: {  	_ =	swait.ge [sflag:s29], $0x80  }
0x7b: {  	[sflag:s29] =	ssyncset.done $0x0  }
0x7c: {  	[sflag:s29] =	ssyncadd.s32 $0xFFFFFF80  }
0x7d: {  	_ =	swait.ge [sflag:s8], $0x4000  }
0x7e: {  	[sflag:s8] =	ssyncset.done $0x0  }
0x7f: {  	s17 =	simm.s32 $0x40;
	[sflag:s8] =	ssyncadd.s32 $0xFFFFC000  }
0x80: {  	[spmem:s2] =	stream.indirect.scatter.add.f32 [tilespmem:s28], [sflag:$0x3], $0x80, s31, s30, $0xb8;
	[tilespmem:$0x1C200] =	vst v63  }
0x81: {  	s14 =	sand.u32 $0x60, s17;
	s15 =	sadd.s32 $0x40, s19;
	_ =	swait.ge [sflag:s9], $0x4000  }
0x82: {  	s16 =	sand.u32 $0x1FF80, s15;
	s13 =	simm.s32 $0x60;
	[sflag:s9] =	ssyncset.done $0x0  }
.LBB2_4:
0x83: {  	s16 =	sor.u32 s14, s16  }
0x84: {  	[sflag:s9] =	ssyncadd.s32 $0xFFFFC000;
	s14 =	smov.u32 s13;
	s15 =	sadd.s32 $0x20, s13  }
0x85: {  	[spmem:s2] =	stream.indirect.scatter.add.f32 [tilespmem:s0], [sflag:$0x4], $0x80, s4, s30, $0xb8;
	[tilespmem:$0x1C200] =	vst v63  }
0x86: {  	p0 =	sne.s32 s13, $0x4E0;
	s13 =	sadd.s32 s1, s16;
	s17 =	sor.u32 $0x10, s16  }
0x87: {  	[tilespmem:s3], [sflag:$0x5] =	stream.linear.gather [hbm4b:s13+s3], $0x80, $0x38;
	[tilespmem:$0x1C200] =	vst v63  }
0x88: {  	_ =	swait.ge [sflag:s29], $0x80  }
0x89: {  	[sflag:s29] =	ssyncset.done $0x0  }
0x8a: {  	[sflag:s29] =	ssyncadd.s32 $0xFFFFFF80  }
0x8b: {  	_ =	swait.ge [sflag:s10], $0x4000  }
0x8c: {  	[sflag:s10] =	ssyncset.done $0x0  }
0x8d: {  	[sflag:s10] =	ssyncadd.s32 $0xFFFFC000  }
0x8e: {  	[tilespmem:s28], [sflag:$0x1] =	stream.indirect.gather [hbm4b:s5+s30], $0x80, s3, s30, $0xb8;
	[tilespmem:$0x1C200] =	vst v63  }
0x8f: {  	s13 =	sadd.s32 s6, s16  }
0x90: {  	[tilespmem:s31], [sflag:$0x5] =	stream.linear.gather [hbm4b:s13+s3], $0x80, $0x38;
	[tilespmem:$0x1C200] =	vst v63  }
0x91: {  	_ =	swait.ge [sflag:s29], $0x80  }
0x92: {  	[sflag:s29] =	ssyncset.done $0x0  }
0x93: {  	s13 =	sadd.s32 s1, s17;
	[sflag:s29] =	ssyncadd.s32 $0xFFFFFF80  }
0x94: {  	[tilespmem:s30], [sflag:$0x5] =	stream.linear.gather [hbm4b:s13+s3], $0x80, $0x38;
	[tilespmem:$0x1C200] =	vst v63  }
0x95: {  	_ =	swait.ge [sflag:s29], $0x80  }
0x96: {  	[sflag:s29] =	ssyncset.done $0x0  }
0x97: {  	[sflag:s29] =	ssyncadd.s32 $0xFFFFFF80  }
0x98: {  	_ =	swait.ge [sflag:s11], $0x4000  }
0x99: {  	[sflag:s11] =	ssyncset.done $0x0  }
0x9a: {  	[sflag:s11] =	ssyncadd.s32 $0xFFFFC000  }
0x9b: {  	[tilespmem:s0], [sflag:$0x2] =	stream.indirect.gather [hbm4b:s5+s30], $0x80, s30, s30, $0xb8;
	[tilespmem:$0x1C200] =	vst v63  }
0x9c: {  	s13 =	sadd.s32 s6, s17  }
0x9d: {  	[tilespmem:s4], [sflag:$0x5] =	stream.linear.gather [hbm4b:s13+s3], $0x80, $0x38;
	[tilespmem:$0x1C200] =	vst v63  }
0x9e: {  	_ =	swait.ge [sflag:s29], $0x80  }
0x9f: {  	[sflag:s29] =	ssyncset.done $0x0  }
0xa0: {  	[sflag:s29] =	ssyncadd.s32 $0xFFFFFF80  }
0xa1: {  	_ =	swait.ge [sflag:s8], $0x4000  }
.Ltmp1:
0xa2: {  	[sflag:s8] =	ssyncset.done $0x0;
	(pc) =	sbr.rel @p0 .LBB2_4-.Ltmp1, $4  }
0xa3: {  	[sflag:s8] =	ssyncadd.s32 $0xFFFFC000  }
0xa4: {  	[spmem:s2] =	stream.indirect.scatter.add.f32 [tilespmem:s28], [sflag:$0x3], $0x80, s31, s30, $0xb8;
	[tilespmem:$0x1C200] =	vst v63  }
0xa5: {  	s13 =	sadd.s32 s14, s19;
	s14 =	sand.u32 $0x60, s14;
	_ =	swait.ge [sflag:s9], $0x4000  }
0xa6: {  	s16 =	sand.u32 $0x1FF80, s13;
	s13 =	smov.u32 s15;
	[sflag:s9] =	ssyncset.done $0x0  }
0xa7: {  	s13 =	sor.u32 s14, s16;
	[sflag:s9] =	ssyncadd.s32 $0xFFFFC000  }
0xa8: {  	[spmem:s2] =	stream.indirect.scatter.add.f32 [tilespmem:s0], [sflag:$0x4], $0x80, s4, s30, $0xb8;
	[tilespmem:$0x1C200] =	vst v63  }
0xa9: {  	s14 =	sadd.s32 s1, s13  }
0xaa: {  	[tilespmem:s3], [sflag:$0x5] =	stream.linear.gather [hbm4b:s14+s3], $0x80, $0x38;
	[tilespmem:$0x1C200] =	vst v63  }
0xab: {  	_ =	swait.ge [sflag:s29], $0x80  }
0xac: {  	[sflag:s29] =	ssyncset.done $0x0  }
0xad: {  	[sflag:s29] =	ssyncadd.s32 $0xFFFFFF80  }
0xae: {  	_ =	swait.ge [sflag:s10], $0x4000  }
0xaf: {  	[sflag:s10] =	ssyncset.done $0x0  }
0xb0: {  	[sflag:s10] =	ssyncadd.s32 $0xFFFFC000  }
0xb1: {  	[tilespmem:s28], [sflag:$0x1] =	stream.indirect.gather [hbm4b:s5+s30], $0x80, s3, s30, $0xb8;
	[tilespmem:$0x1C200] =	vst v63  }
0xb2: {  	s17 =	sadd.s32 s6, s13  }
0xb3: {  	[tilespmem:s31], [sflag:$0x5] =	stream.linear.gather [hbm4b:s17+s3], $0x80, $0x38;
	[tilespmem:$0x1C200] =	vst v63  }
0xb4: {  	_ =	swait.ge [sflag:s29], $0x80  }
0xb5: {  	s13 =	sor.u32 $0x10, s13;
	[sflag:s29] =	ssyncset.done $0x0  }
0xb6: {  	s15 =	sadd.s32 s1, s13;
	[sflag:s29] =	ssyncadd.s32 $0xFFFFFF80  }
0xb7: {  	[tilespmem:s30], [sflag:$0x5] =	stream.linear.gather [hbm4b:s15+s3], $0x80, $0x38;
	[tilespmem:$0x1C200] =	vst v63  }
0xb8: {  	_ =	swait.ge [sflag:s29], $0x80  }
0xb9: {  	[sflag:s29] =	ssyncset.done $0x0  }
0xba: {  	[sflag:s29] =	ssyncadd.s32 $0xFFFFFF80  }
0xbb: {  	_ =	swait.ge [sflag:s11], $0x4000  }
0xbc: {  	[sflag:s11] =	ssyncset.done $0x0  }
0xbd: {  	[sflag:s11] =	ssyncadd.s32 $0xFFFFC000  }
0xbe: {  	[tilespmem:s0], [sflag:$0x2] =	stream.indirect.gather [hbm4b:s5+s30], $0x80, s30, s30, $0xb8;
	[tilespmem:$0x1C200] =	vst v63  }
0xbf: {  	s13 =	sadd.s32 s6, s13  }
0xc0: {  	[tilespmem:s4], [sflag:$0x5] =	stream.linear.gather [hbm4b:s13+s3], $0x80, $0x38;
	[tilespmem:$0x1C200] =	vst v63  }
0xc1: {  	_ =	swait.ge [sflag:s29], $0x80  }
0xc2: {  	[sflag:s29] =	ssyncset.done $0x0  }
0xc3: {  	[sflag:s29] =	ssyncadd.s32 $0xFFFFFF80  }
0xc4: {  	_ =	swait.ge [sflag:s8], $0x4000  }
0xc5: {  	[sflag:s8] =	ssyncset.done $0x0  }
0xc6: {  	[sflag:s8] =	ssyncadd.s32 $0xFFFFC000  }
0xc7: {  	[spmem:s2] =	stream.indirect.scatter.add.f32 [tilespmem:s28], [sflag:$0x3], $0x80, s31, s30, $0xb8;
	[tilespmem:$0x1C200] =	vst v63  }
0xc8: {  	_ =	swait.ge [sflag:s9], $0x4000  }
0xc9: {  	[sflag:s9] =	ssyncset.done $0x0  }
0xca: {  	[sflag:s9] =	ssyncadd.s32 $0xFFFFC000  }
0xcb: {  	[spmem:s2] =	stream.indirect.scatter.add.f32 [tilespmem:s0], [sflag:$0x4], $0x80, s4, s30, $0xb8;
	[tilespmem:$0x1C200] =	vst v63  }
0xcc: {  	_ =	swait.ge [sflag:s10], $0x4000  }
0xcd: {  	[sflag:s10] =	ssyncset.done $0x0  }
0xce: {  	[sflag:s10] =	ssyncadd.s32 $0xFFFFC000  }
0xcf: {  	_ =	swait.ge [sflag:s11], $0x4000  }
0xd0: {  	[sflag:s11] =	ssyncset.done $0x0  }
0xd1: {  	s16 =	stileid.u32;
	[sflag:s11] =	ssyncadd.s32 $0xFFFFC000  }
0xd2: {  	s13 =	sshll.u32 s16, $0x6;
	[bflag:$0x0] =	sbarrier.arrive $0xFFFF  }
0xd3: {  	s17 =	sshrl.u32 s7, $0x3;
	s13 =	sor.u32 $0x1C05, s13;
	s15 =	rddreg [dreg:$0x4]  }
0xd4: {  	[hbm:s15], [sflag:s13] =	dma.local [spmem:s17], $0x800  }
0xd5: {  	_ =	swait.ge [sflag:s29], $0x800  }
0xd6: {  	[sflag:s29] =	ssyncset.done $0x0  }
0xd7: {  	s16 =	rddreg [dreg:$0xa];
	[sflag:s29] =	ssyncadd.s32 $0xFFFFF800  }
0xd8: {  	[hbm:s16], [sflag:s13] =	dma.local [spmem:s22], $0x800  }
0xd9: {  	_ =	swait.ge [sflag:s29], $0x800  }
0xda: {  	[sflag:s29] =	ssyncset.done $0x0  }
0xdb: {  	s17 =	rddreg [dreg:$0xb];
	[sflag:s29] =	ssyncadd.s32 $0xFFFFF800  }
0xdc: {  	[hbm:s17], [sflag:s13] =	dma.local [spmem:s23], $0x800  }
0xdd: {  	_ =	swait.ge [sflag:s29], $0x800  }
0xde: {  	[sflag:s29] =	ssyncset.done $0x0  }
0xdf: {  	s15 =	rddreg [dreg:$0xc];
	[sflag:s29] =	ssyncadd.s32 $0xFFFFF800  }
0xe0: {  	[hbm:s15], [sflag:s13] =	dma.local [spmem:s24], $0x800  }
0xe1: {  	_ =	swait.ge [sflag:s29], $0x800  }
0xe2: {  	[sflag:s29] =	ssyncset.done $0x0  }
0xe3: {  	s16 =	rddreg [dreg:$0xd];
	[sflag:s29] =	ssyncadd.s32 $0xFFFFF800  }
0xe4: {  	[hbm:s16], [sflag:s13] =	dma.local [spmem:s25], $0x800  }
0xe5: {  	_ =	swait.ge [sflag:s29], $0x800  }
0xe6: {  	s12 =	sadd.s32 $0x1, s12;
	s17 =	rddreg [dreg:$0x5]  }
0xe7: {  	p0 =	sne.s32 s12, s17  }
.Ltmp2:
0xe8: {  	_ = 	snop;
	(pc) =	sbr.rel @p0 .LBB2_1-.Ltmp2, $3  }
0xe9: {  	_ =	sdelay $0x1  }
0xea: {  	[sflag:s29] =	ssyncset.done $0x0  }
0xeb: {  	[sflag:s29] =	ssyncadd.s32 $0xFFFFF800  }
0xec: {  	_ =	sfence.sel $0x180000  }
0xed: {  	[bflag:$0x0] =	sbarrier.arrive $0xFFFF  }
0xee: {  	_ =	strace $0x9000004A  }
0xef: {  	s0 =	stileid.u32;
	[bflag:$0x2] =	sbarrier.arrive $0xFFFF  }
0xf0: {  	p0 =	sne.s32 s0, $0x0;
	s0 =	rddreg [dreg:$0x3]  }
0xf1: {  	s0 =	sadd.s32 @!p0 $0x100000, s0  }
0xf2: {  	[sflag:s0] =	ssyncadd.tile.s32 @!p0 $0x1;
	_ =	shalt  }
.Lfunc_end2:
_tile_overlayer_lowered:
.L_overlay_start_2:
0xf3: {  	(tag) =	ssettag $0x2  }
0xf4: {  	s0 =	rddreg [dreg:$0x0];
	s2 =	stileid.u32  }
0xf5: {  	s1 =	rddreg [dreg:$0x1];
	p0 =	sne.s32 s2, $0x0  }
0xf6: {  	s3 =	rddreg [dreg:$0x2];
	[bflag:$0x3] =	sbarrier.arrive $0xFFFF;
	s2 =	simm.s32 @!p0 $0x1C05  }
0xf7: {  	[timem:s3], [sflag:s2] =	dma.local @!p0 [hbm:s0], s1  }
0xf8: {  	s0 =	simm.s32 @!p0 $0x5  }
0xf9: {  	_ =	swait.ge @!p0 [sflag:s0], s1  }
0xfa: {  	s1 =	ssub.s32 @!p0 $0x0, s1;
	[sflag:s0] =	ssyncset.done @!p0 $0x0  }
0xfb: {  	[sflag:s0] =	ssyncadd.s32 @!p0 s1  }
0xfc: {  	[bflag:$0x3] =	sbarrier.arrive $0xFFFF  }
0xfd: {  	_ =	shalt  }

// kernel: kernel.16.cloned.1.call-start
scs
__scs_entry_jumppad:
0x0: {  	(pc) =	sbr.rel $0x88, $3  }
0x1: {  	(tag) =	ssettag $0x0;
	lr =	simm.s32 $0x1  }
0x2: {  	[smem:$0x3F99] =	sst lr;
	_ =	strace $0xD0000000  }
0x3: {  	_ = 	snop  }
0x4: {  	_ = 	snop  }
0x5: {  	_ = 	snop  }
0x6: {  	_ = 	snop  }
0x7: {  	_ = 	snop  }
__scs_overlays_trampoline_lowered:
0x8: {  	[smem:$0x3FA8] =	sst s0  }
0x9: {  	[smem:$0x3FA9] =	sst s1  }
0xa: {  	[smem:$0x3FAA] =	sst s2  }
0xb: {  	[smem:$0x3FAB] =	sst s3  }
0xc: {  	[smem:$0x3FAC] =	sst s4  }
0xd: {  	[smem:$0x3FAD] =	sst s5  }
0xe: {  	[smem:$0x3FAE] =	sst s6  }
0xf: {  	[smem:$0x3FAF] =	sst s7  }
0x10: {  	[smem:$0x3FB0] =	sst s8  }
0x11: {  	[smem:$0x3FB1] =	sst s9;
	s0 =	simm.s32 @!p0 $0x0  }
0x12: {  	s1 =	sld [smem:$0x3F97];
	s0 =	simm.s32 @p0 $0x1  }
0x13: {  	[smem:$0x3FB2] =	sst s0;
	s0 =	simm.s32 @!p1 $0x0  }
0x14: {  	s2 =	sld [smem:$0x3F96];
	s0 =	simm.s32 @p1 $0x1  }
0x15: {  	[smem:$0x3FB3] =	sst s0;
	s0 =	simm.s32 @!p2 $0x0  }
0x16: {  	s3 =	sld [smem:$0x3FDB];
	s0 =	simm.s32 @p2 $0x1  }
0x17: {  	s4 =	simm.s32 $0x1BF5;
	[smem:$0x3FB5] =	sst s0  }
0x18: {  	s0 =	sld [smem:$0x3F98];
	_ =	swait.ge [sflag:s4], $0x0  }
0x19: {  	s7 =	sld [smem:$0x3F99]  }
0x1a: {  	s8 =	sadd.s32 $0xFFFFE003, lr  }
0x1b: {  	s9 =	sadd.s32 $0xFFFFFEF7, lr;
	s5 =	simm.s32 $0xFFFFFFFF;
	p2 =	slt.u32 s8, $0xFFFFF086  }
0x1c: {  	p1 =	slt.u32 s9, $0xF7A;
	s5 =	simm.s32 @!p2 $0x0  }
0x1d: {  	s5 =	simm.s32 @p1 $0x1;
	p0 =	seq.s32 s7, s2  }
0x1e: {  	s7 =	smul.u32 @!p0 $0xF7A, s2;
	p2 =	seq.s32 @!p0 s5, $0x0  }
0x1f: {  	s9 =	smul.u32 $0xF7A, s1;
	s8 =	simm.s32 @!p0 $0x1BF5;
	p2 =	por !p2, p0  }
0x20: {  	[sflag:s8] =	ssyncset.s32 @!p0 $0xFFFFF086;
	s6 =	sadd.s32 @!p0 s3, s7;
	s7 =	simm.s32 @!p0 $0x108  }
0x21: {  	s3 =	sadd.s32 s3, s9;
	s6 =	sadd.s32 @!p0 $0x88, s6;
	s7 =	simm.s32 @p2 $0x1082  }
0x22: {  	[simem:s7], [sflag:s8] =	dma.local @!p0 [hbm:s6], $0xF7A  }
0x23: {  	s9 =	sor.u32 $0xD0000000, s2;
	s6 =	simm.s32 $0x108;
	_ =	swait.ge @!p0 [sflag:s8], $0x0  }
0x24: {  	s3 =	sadd.s32 $0x88, s3;
	s6 =	simm.s32 @!p1 $0x1082;
	[sflag:s4] =	ssyncset.s32 $0xFFFFF086  }
0x25: {  	[simem:s6], [sflag:s4] =	dma.local [hbm:s3], $0xF7A  }
0x26: {  	[smem:$0x3F99] =	sst s1;
	(tag) =	ssettag s2;
	_ =	strace s9  }
0x27: {  	s1 =	sld [smem:$0x3FA9]  }
0x28: {  	s2 =	sld [smem:$0x3FAA]  }
0x29: {  	s4 =	sld [smem:$0x3FAC]  }
0x2a: {  	p0 =	seq.s32 s5, $0x0;
	s5 =	sld [smem:$0x3FAD]  }
0x2b: {  	s6 =	sld [smem:$0x3FAE]  }
0x2c: {  	s7 =	sld [smem:$0x3FAF]  }
0x2d: {  	s3 =	simm.s32 $0x108;
	s8 =	sld [smem:$0x3FB0]  }
0x2e: {  	s3 =	simm.s32 @!p0 $0x1082;
	s9 =	sld [smem:$0x3FB1]  }
0x2f: {  	lr =	sadd.s32 s0, s3;
	s0 =	sld [smem:$0x3FA8]  }
0x30: {  	s3 =	sld [smem:$0x3FAB]  }
0x31: {  	[smem:$0x3FB4] =	sst s10  }
0x32: {  	s10 =	sld [smem:$0x3FB2];
	_ =	sdelay $0x3  }
0x33: {  	p0 =	seq.s32 s10, $0x1;
	s10 =	sld [smem:$0x3FB4];
	_ =	sdelay $0x3  }
0x34: {  	[smem:$0x3FB4] =	sst s10  }
0x35: {  	s10 =	sld [smem:$0x3FB3];
	_ =	sdelay $0x3  }
0x36: {  	p1 =	seq.s32 s10, $0x1;
	s10 =	sld [smem:$0x3FB4];
	_ =	sdelay $0x3  }
0x37: {  	[smem:$0x3FB4] =	sst s10  }
0x38: {  	s10 =	sld [smem:$0x3FB5]  }
0x39: {  	_ = 	snop;
	(pc) =	sbr.ind lr, $3  }
0x3a: {  	_ = 	snop  }
0x3b: {  	_ = 	snop  }
0x3c: {  	p2 =	seq.s32 s10, $0x1;
	s10 =	sld [smem:$0x3FB4]  }
0x3d: {  	_ =	shalt  }
0x3e: {  	_ =	shalt  }
0x3f: {  	_ =	shalt  }
0x40: {  	_ =	shalt  }
0x41: {  	_ =	shalt  }
0x42: {  	_ =	shalt  }
0x43: {  	_ =	shalt  }
0x44: {  	_ =	shalt  }
0x45: {  	_ =	shalt  }
0x46: {  	_ =	shalt  }
0x47: {  	_ =	shalt  }
0x48: {  	_ =	shalt  }
0x49: {  	_ =	shalt  }
0x4a: {  	_ =	shalt  }
0x4b: {  	_ =	shalt  }
0x4c: {  	_ =	shalt  }
0x4d: {  	_ =	shalt  }
0x4e: {  	_ =	shalt  }
0x4f: {  	_ =	shalt  }
0x50: {  	_ =	shalt  }
0x51: {  	_ =	shalt  }
0x52: {  	_ =	shalt  }
0x53: {  	_ =	shalt  }
0x54: {  	_ =	shalt  }
0x55: {  	_ =	shalt  }
0x56: {  	_ =	shalt  }
0x57: {  	_ =	shalt  }
0x58: {  	_ =	shalt  }
0x59: {  	_ =	shalt  }
0x5a: {  	_ =	shalt  }
0x5b: {  	_ =	shalt  }
0x5c: {  	_ =	shalt  }
0x5d: {  	_ =	shalt  }
0x5e: {  	_ =	shalt  }
0x5f: {  	_ =	shalt  }
0x60: {  	_ =	shalt  }
0x61: {  	_ =	shalt  }
0x62: {  	_ =	shalt  }
0x63: {  	_ =	shalt  }
0x64: {  	_ =	shalt  }
0x65: {  	_ =	shalt  }
0x66: {  	_ =	shalt  }
0x67: {  	_ =	shalt  }
0x68: {  	_ =	shalt  }
0x69: {  	_ =	shalt  }
0x6a: {  	_ =	shalt  }
0x6b: {  	_ =	shalt  }
0x6c: {  	_ =	shalt  }
0x6d: {  	_ =	shalt  }
0x6e: {  	_ =	shalt  }
0x6f: {  	_ =	shalt  }
0x70: {  	_ =	shalt  }
0x71: {  	_ =	shalt  }
0x72: {  	_ =	shalt  }
0x73: {  	_ =	shalt  }
0x74: {  	_ =	shalt  }
0x75: {  	_ =	shalt  }
0x76: {  	_ =	shalt  }
0x77: {  	_ =	shalt  }
0x78: {  	_ =	shalt  }
0x79: {  	_ =	shalt  }
0x7a: {  	_ =	shalt  }
0x7b: {  	_ =	shalt  }
0x7c: {  	_ =	shalt  }
0x7d: {  	_ =	shalt  }
0x7e: {  	_ =	shalt  }
0x7f: {  	_ =	shalt  }
0x80: {  	_ =	shalt  }
0x81: {  	_ =	shalt  }
0x82: {  	_ =	shalt  }
0x83: {  	_ =	shalt  }
0x84: {  	_ =	shalt  }
0x85: {  	_ =	shalt  }
0x86: {  	_ =	shalt  }
0x87: {  	_ =	shalt  }
.Lfunc_end0:
.L_simem_size_0:
called_computation.2_lowered:
.L_overlay_start_0:
0x88: {  	s2 =	sld [smem:$0x3FD9]  }
0x89: {  	s3 =	sld [smem:$0x3FFE];
	_ =	sdelay $0x1  }
0x8a: {  	s1 =	srdreg.scid  }
0x8b: {  	s0 =	sand.u32 $0x1, s1  }
0x8c: {  	s17 =	sshll.u32 s0, $0xA;
	s2 =	sadd.s32 s3, s2  }
0x8d: {  	s2 =	sadd.s32 s2, s17  }
0x8e: {  	[smem:$0x3FC0] =	sst s2  }
0x8f: {  	_ = 	snop  }
0x90: {  	s2 =	sld [smem:$0x3FD0];
	(tm) =	ssettm $0x1  }
0x91: {  	s18 =	sld [smem:$0x3FFB];
	_ =	sdelay $0x3  }
0x92: {  	_ =	strace s18  }
0x93: {  	s3 =	sld [smem:$0x3FFC];
	_ =	sdelay $0x3  }
0x94: {  	_ =	strace s3  }
0x95: {  	s3 =	sld [smem:$0x3FFD];
	_ =	sdelay $0x3  }
0x96: {  	_ =	strace s3  }
0x97: {  	_ =	strace $0x8FFFFFFF  }
0x98: {  	s19 =	sld [smem:$0x3FDB];
	_ =	sdelay $0x1  }
0x99: {  	s4 =	simm.s32 $_scs_section_size  }
0x9a: {  	s5 =	simm.s32 $_size__tile_overlayer_lowered;
	s6 =	simm.s32 $_tile_overlayer_lowered  }
0x9b: {  	s22 =	simm.s32 $0x1BFF;
	s21 =	sshll.u32 s6, $0x1;
	s3 =	sadd.s32 s4, s19  }
0x9c: {  	s7 =	simm.s32 $0x0;
	s20 =	sshll.u32 s5, $0x1;
	s5 =	sadd.s32 s21, s3  }
0x9d: {  	[timem:s7], [sflag:s22] =	dma.local [hbm:s5], s20  }
0x9e: {  	_ =	swait.ge [sflag:s22], s20  }
0x9f: {  	s4 =	ssub.s32 $0x0, s20;
	[sflag:s22] =	ssyncset.done $0x0  }
0xa0: {  	[sflag:s22] =	ssyncadd.s32 s4;
	_ =	sdelay $0x1  }
0xa1: {  	s23 =	simm.s32 $0x1B8B  }
0xa2: {  	_ =	swait.ge [sflag:s23], $0x1  }
0xa3: {  	[sflag:s23] =	ssyncset.done $0x0  }
0xa4: {  	s25 =	simm.s32 $0x1B8E;
	s24 =	sld [smem:$0x3FFE];
	[sflag:s23] =	ssyncadd.s32 $0xFFFFFFFF  }
0xa5: {  	s26 =	simm.s32 $execute0_lowered;
	[smem:$0x3FD2] =	sst s25  }
0xa6: {  	s5 =	sshll.u32 s26, $0x1;
	_ =	strace $0x8000004C;
	[dreg:$0x1] =	wrdreg $0xFFFFFFFF  }
0xa7: {  	s28 =	simm.s32 $_size_execute0_lowered;
	s3 =	sadd.s32 s3, s5;
	[dreg:$0x0] =	wrdreg $0x0  }
0xa8: {  	s5 =	sshll.u32 s28, $0x1;
	[dreg:$0x2] =	wrdreg s3  }
0xa9: {  	[dreg:$0x3] =	wrdreg s5  }
0xaa: {  	[dreg:$0x4] =	wrdreg $0xC0  }
0xab: {  	_ =	task [dreg:s7], $0x5FFFF  }
0xac: {  	[dreg:$0x1] =	wrdreg $0xFFFFFFFF  }
0xad: {  	[dreg:$0x0] =	wrdreg $0x60  }
0xae: {  	[dreg:$0x2] =	wrdreg s24  }
0xaf: {  	[dreg:$0x3] =	wrdreg s2  }
0xb0: {  	[dreg:$0x4] =	wrdreg $0x82000  }
0xb1: {  	[dreg:$0x5] =	wrdreg $0x9  }
0xb2: {  	_ =	task.clear_ibuf [dreg:s7], $0x6FFFF;
	_ =	strace $0x9000004C  }
0xb3: {  	s29 =	simm.s32 $0x9;
	_ =	strace $0x8000004E  }
0xb4: {  	_ =	swait.ge [sflag:s29], $0x1  }
0xb5: {  	[sflag:s29] =	ssyncadd.s32 $0xFFFFFFFF  }
0xb6: {  	_ =	strace $0x9000004E  }
0xb7: {  	_ =	sfence  }
0xb8: {  	s30 =	sld [smem:$0x0];
	_ =	sdelay $0x2  }
0xb9: {  	s31 =	sshll.u32 s1, $0xD;
	s1 =	sshrl.u32 s1, $0x2  }
0xba: {  	s3 =	sand.u32 $0x4000, s31;
	s1 =	sadd.s32 s1, s30  }
0xbb: {  	s0 =	sor.u32 s3, s0;
	s1 =	sshll.u32 s1, $0x11  }
0xbc: {  	s0 =	sor.u32 s1, s0  }
0xbd: {  	s0 =	sadd.s32 $0x8F2B, s0  }
0xbe: {  	[sflag:s0] =	ssyncadd.remote.s32 $0x1  }
0xbf: {  	_ =	sfence.sel $0xFFFF  }
0xc0: {  	[dreg:$0x0] =	wrdreg $0xFFFFFFFF;
	(pc) =	sbr.abs _section_cstart, $3  }
0xc1: {  	[dreg:$0x1] =	wrdreg $0xFFFFFFFF  }
0xc2: {  	_ =	task.clear_ibuf [dreg:s7], $0x2FFFF;
	_ =	strace $0x9FFFFFFF  }
0xc3: {  	(tm) =	ssettm $0x7FFFFFFF  }
tec
execute0_lowered:
.L_overlay_start_1:
0x0: {  	(tag) =	ssettag $0x1  }
0x1: {  	s0 =	rddreg [dreg:$0x0]  }
0x2: {  	s1 =	rddreg [dreg:$0x1]  }
0x3: {  	s2 =	rddreg [dreg:$0x2]  }
0x4: {  	s3 =	simm.s32 $0x0;
	s4 =	srdreg.scid;
	s15 =	stileid.u32  }
0x5: {  	s28 =	simm.s32 $0x200;
	s29 =	simm.s32 $0x5;
	s30 =	simm.s32 $0x80  }
0x6: {  	s31 =	simm.s32 $0x100;
	[smem:$0x7FF] =	sst s3;
	s9 =	smul.u32 $0x14000, s15  }
0x7: {  	s4 =	sand.u32 $0x1, s4;
	s5 =	sadd.s32 $0xD200, s0;
	s11 =	smul.u32 $0x50000, s15  }
0x8: {  	s6 =	sadd.s32 $0x3200, s0;
	s18 =	sshll.u32 s15, $0x1;
	s15 =	smul.u32 $0xA00, s15  }
0x9: {  	s0 =	sadd.s32 $0x35200, s0;
	_ =	strace $0x8000004D;
	s8 =	smul.u32 $0x140000, s4  }
0xa: {  	s7 =	ssub.s32 $0x2, s4;
	s13 =	sor.u32 s4, s18;
	s4 =	smul.u32 $0x500, s4  }
0xb: {  	s10 =	sshrl.u32 s7, $0x1;
	s19 =	sshrl.u32 s11, $0x2;
	s21 =	smul.u32 $0x500, s13  }
0xc: {  	s13 =	sadd.s32 $0x4000, s9;
	s25 =	sadd.s32 $0x8000, s9;
	s17 =	sadd.s32 $0xC000, s9  }
0xd: {  	s10 =	ssub.s32 s7, s10;
	s12 =	sadd.s32 s8, s9;
	s7 =	sadd.s32 s19, s2  }
0xe: {  	s24 =	sadd.s32 s8, s13;
	s26 =	sadd.s32 s8, s25;
	s9 =	sadd.s32 $0x10000, s9  }
0xf: {  	s22 =	sadd.s32 s8, s17;
	s19 =	sadd.s32 s4, s15;
	s25 =	sadd.s32 s25, s2  }
0x10: {  	s4 =	simm.s32 $0x180;
	s20 =	sshrl.u32 s12, $0x3;
	s10 =	smax.u32 s10, $0x1  }
0x11: {  	s23 =	sadd.s32 $0x8000, s7;
	s14 =	sadd.s32 $0xC000, s7;
	[dreg:$0x5] =	wrdreg s10  }
0x12: {  	s16 =	sadd.s32 s1, s21;
	s8 =	sadd.s32 s8, s9;
	[dreg:$0x7] =	wrdreg s23  }
0x13: {  	s18 =	sadd.s32 s6, s21;
	s9 =	sadd.s32 s9, s2;
	[dreg:$0x8] =	wrdreg s14  }
0x14: {  	s12 =	simm.s32 $0x0;
	s11 =	sadd.s32 s0, s20;
	[dreg:$0x9] =	wrdreg s16  }
0x15: {  	s16 =	sshrl.u32 s26, $0x3;
	s14 =	sshrl.u32 s22, $0x3;
	s8 =	sshrl.u32 s8, $0x3  }
0x16: {  	s23 =	sor.u32 $0x10, s21;
	s26 =	sadd.s32 s17, s2;
	s10 =	simm.s32 $0x3  }
0x17: {  	[dreg:$0x4] =	wrdreg s11;
	s11 =	sadd.s32 $0x4000, s7;
	s14 =	sadd.s32 s0, s14  }
0x18: {  	s20 =	sadd.s32 s1, s23;
	s21 =	sadd.s32 s6, s23;
	s23 =	sshrl.u32 s25, $0x3  }
0x19: {  	s25 =	sshrl.u32 s9, $0x3;
	s9 =	simm.s32 $0x2;
	[dreg:$0x6] =	wrdreg s11  }
0x1a: {  	s11 =	sshrl.u32 s24, $0x3;
	[dreg:$0xc] =	wrdreg s14;
	s24 =	sadd.s32 s13, s2  }
0x1b: {  	s11 =	sadd.s32 s0, s11;
	s22 =	sshrl.u32 s24, $0x3;
	s24 =	sshrl.u32 s26, $0x3  }
0x1c: {  	s26 =	sadd.s32 $0x10000, s7;
	[dreg:$0xa] =	wrdreg s11;
	s11 =	sadd.s32 s0, s16  }
0x1d: {  	s0 =	sadd.s32 s0, s8;
	s8 =	simm.s32 $0x1;
	[dreg:$0xb] =	wrdreg s11  }
0x1e: {  	v0 =	vimm.f32 $0.0e+00;
	[dreg:$0xd] =	wrdreg s0;
	s0 =	simm.s32 $0x4200;
	s11 =	simm.s32 $0x4  }
.LBB2_1:
0x1f: {  	s13 =	simm.s32 $0x0;
	s14 =	simm.s32 $0x200  }
.LBB2_2:
0x20: {  	p0 =	sne.s32 s14, $0xFE00;
	[tilespmem:s13+$0x270] =	vst v0  }
0x21: {  	[tilespmem:s13+$0x200] =	vst v0  }
0x22: {  	[tilespmem:s13+$0x210] =	vst v0  }
.Ltmp0:
0x23: {  	[tilespmem:s13+$0x220] =	vst v0;
	(pc) =	sbr.rel @p0 .LBB2_2-.Ltmp0, $4  }
0x24: {  	[tilespmem:s13+$0x230] =	vst v0  }
0x25: {  	[tilespmem:s13+$0x240] =	vst v0  }
0x26: {  	[tilespmem:s13+$0x250] =	vst v0  }
0x27: {  	[tilespmem:s13+$0x260] =	vst v0;
	s13 =	sshra.s32 s14, $0x2;
	s14 =	sadd.s32 $0x200, s14  }
0x28: {  	[tilespmem:s13+$0x270] =	vst v0  }
0x29: {  	[tilespmem:s13+$0x200] =	vst v0  }
0x2a: {  	[tilespmem:s13+$0x210] =	vst v0  }
0x2b: {  	[tilespmem:s13+$0x220] =	vst v0  }
0x2c: {  	[tilespmem:s13+$0x230] =	vst v0  }
0x2d: {  	[tilespmem:s13+$0x240] =	vst v0  }
0x2e: {  	[tilespmem:s13+$0x250] =	vst v0  }
0x2f: {  	[tilespmem:s13+$0x260] =	vst v0  }
0x30: {  	[spmem:s7] =	stream.linear.scatter [tilespmem:s28], [sflag:$0x5], $0x4000, $0x38;
	[tilespmem:$0x1C200] =	vst v63  }
0x31: {  	_ =	swait.ge [sflag:s29], $0x4000  }
0x32: {  	[sflag:s29] =	ssyncset.done $0x0  }
0x33: {  	s17 =	rddreg [dreg:$0x6];
	[sflag:s29] =	ssyncadd.s32 $0xFFFFC000  }
0x34: {  	[spmem:s17] =	stream.linear.scatter [tilespmem:s28], [sflag:$0x5], $0x4000, $0x38;
	[tilespmem:$0x1C200] =	vst v63  }
0x35: {  	_ =	swait.ge [sflag:s29], $0x4000  }
0x36: {  	[sflag:s29] =	ssyncset.done $0x0  }
0x37: {  	s14 =	rddreg [dreg:$0x7];
	[sflag:s29] =	ssyncadd.s32 $0xFFFFC000  }
0x38: {  	[spmem:s14] =	stream.linear.scatter [tilespmem:s28], [sflag:$0x5], $0x4000, $0x38;
	[tilespmem:$0x1C200] =	vst v63  }
0x39: {  	_ =	swait.ge [sflag:s29], $0x4000  }
0x3a: {  	[sflag:s29] =	ssyncset.done $0x0  }
0x3b: {  	s15 =	rddreg [dreg:$0x8];
	[sflag:s29] =	ssyncadd.s32 $0xFFFFC000  }
0x3c: {  	[spmem:s15] =	stream.linear.scatter [tilespmem:s28], [sflag:$0x5], $0x4000, $0x38;
	[tilespmem:$0x1C200] =	vst v63  }
0x3d: {  	_ =	swait.ge [sflag:s29], $0x4000  }
0x3e: {  	[sflag:s29] =	ssyncset.done $0x0  }
0x3f: {  	[sflag:s29] =	ssyncadd.s32 $0xFFFFC000  }
0x40: {  	[spmem:s26] =	stream.linear.scatter [tilespmem:s28], [sflag:$0x5], $0x4000, $0x38;
	[tilespmem:$0x1C200] =	vst v63  }
0x41: {  	_ =	swait.ge [sflag:s29], $0x4000  }
0x42: {  	[sflag:s29] =	ssyncset.done $0x0  }
0x43: {  	[sflag:s29] =	ssyncadd.s32 $0xFFFFC000  }
0x44: {  	[bflag:$0x0] =	sbarrier.arrive $0xFFFF  }
0x45: {  	s16 =	rddreg [dreg:$0x9]  }
0x46: {  	[tilespmem:s3], [sflag:$0x5] =	stream.linear.gather [hbm4b:s16+s3], $0x80, $0x38;
	[tilespmem:$0x1C200] =	vst v63  }
0x47: {  	_ =	swait.ge [sflag:s29], $0x80  }
0x48: {  	[sflag:s29] =	ssyncset.done $0x0  }
0x49: {  	[sflag:s29] =	ssyncadd.s32 $0xFFFFFF80  }
0x4a: {  	[tilespmem:s28], [sflag:$0x1] =	stream.indirect.gather [hbm4b:s5+s30], $0x80, s3, s30, $0xb8;
	[tilespmem:$0x1C200] =	vst v63  }
0x4b: {  	_ = 	snop  }
0x4c: {  	[tilespmem:s31], [sflag:$0x5] =	stream.linear.gather [hbm4b:s18+s3], $0x80, $0x38;
	[tilespmem:$0x1C200] =	vst v63  }
0x4d: {  	_ =	swait.ge [sflag:s29], $0x80  }
0x4e: {  	[sflag:s29] =	ssyncset.done $0x0  }
0x4f: {  	[sflag:s29] =	ssyncadd.s32 $0xFFFFFF80  }
0x50: {  	[tilespmem:s30], [sflag:$0x5] =	stream.linear.gather [hbm4b:s20+s3], $0x80, $0x38;
	[tilespmem:$0x1C200] =	vst v63  }
0x51: {  	_ =	swait.ge [sflag:s29], $0x80  }
0x52: {  	[sflag:s29] =	ssyncset.done $0x0  }
0x53: {  	[sflag:s29] =	ssyncadd.s32 $0xFFFFFF80  }
0x54: {  	[tilespmem:s0], [sflag:$0x2] =	stream.indirect.gather [hbm4b:s5+s30], $0x80, s30, s30, $0xb8;
	[tilespmem:$0x1C200] =	vst v63  }
0x55: {  	_ = 	snop  }
0x56: {  	[tilespmem:s4], [sflag:$0x5] =	stream.linear.gather [hbm4b:s21+s3], $0x80, $0x38;
	[tilespmem:$0x1C200] =	vst v63  }
0x57: {  	_ =	swait.ge [sflag:s29], $0x80  }
0x58: {  	[sflag:s29] =	ssyncset.done $0x0  }
0x59: {  	[sflag:s29] =	ssyncadd.s32 $0xFFFFFF80  }
0x5a: {  	_ =	swait.ge [sflag:s8], $0x4000  }
0x5b: {  	[sflag:s8] =	ssyncset.done $0x0  }
0x5c: {  	[sflag:s8] =	ssyncadd.s32 $0xFFFFC000  }
0x5d: {  	[spmem:s2] =	stream.indirect.scatter.add.f32 [tilespmem:s28], [sflag:$0x3], $0x80, s31, s30, $0xb8;
	[tilespmem:$0x1C200] =	vst v63  }
0x5e: {  	s17 =	simm.s32 $0x20;
	s14 =	sadd.s32 $0x20, s19;
	_ =	swait.ge [sflag:s9], $0x4000  }
0x5f: {  	s13 =	sand.u32 $0x60, s17;
	s14 =	sand.u32 $0x1FF80, s14;
	[sflag:s9] =	ssyncset.done $0x0  }
0x60: {  	s13 =	sor.u32 s13, s14;
	[sflag:s9] =	ssyncadd.s32 $0xFFFFC000  }
0x61: {  	[spmem:s2] =	stream.indirect.scatter.add.f32 [tilespmem:s0], [sflag:$0x4], $0x80, s4, s30, $0xb8;
	[tilespmem:$0x1C200] =	vst v63  }
0x62: {  	s14 =	sadd.s32 s1, s13  }
0x63: {  	[tilespmem:s3], [sflag:$0x5] =	stream.linear.gather [hbm4b:s14+s3], $0x80, $0x38;
	[tilespmem:$0x1C200] =	vst v63  }
0x64: {  	_ =	swait.ge [sflag:s29], $0x80  }
0x65: {  	[sflag:s29] =	ssyncset.done $0x0  }
0x66: {  	[sflag:s29] =	ssyncadd.s32 $0xFFFFFF80  }
0x67: {  	_ =	swait.ge [sflag:s10], $0x4000  }
0x68: {  	[sflag:s10] =	ssyncset.done $0x0  }
0x69: {  	[sflag:s10] =	ssyncadd.s32 $0xFFFFC000  }
0x6a: {  	[tilespmem:s28], [sflag:$0x1] =	stream.indirect.gather [hbm4b:s5+s30], $0x80, s3, s30, $0xb8;
	[tilespmem:$0x1C200] =	vst v63  }
0x6b: {  	s15 =	sadd.s32 s6, s13  }
0x6c: {  	[tilespmem:s31], [sflag:$0x5] =	stream.linear.gather [hbm4b:s15+s3], $0x80, $0x38;
	[tilespmem:$0x1C200] =	vst v63  }
0x6d: {  	_ =	swait.ge [sflag:s29], $0x80  }
0x6e: {  	s13 =	sor.u32 $0x10, s13;
	[sflag:s29] =	ssyncset.done $0x0  }
0x6f: {  	s16 =	sadd.s32 s1, s13;
	[sflag:s29] =	ssyncadd.s32 $0xFFFFFF80  }
0x70: {  	[tilespmem:s30], [sflag:$0x5] =	stream.linear.gather [hbm4b:s16+s3], $0x80, $0x38;
	[tilespmem:$0x1C200] =	vst v63  }
0x71: {  	_ =	swait.ge [sflag:s29], $0x80  }
0x72: {  	[sflag:s29] =	ssyncset.done $0x0  }
0x73: {  	[sflag:s29] =	ssyncadd.s32 $0xFFFFFF80  }
0x74: {  	_ =	swait.ge [sflag:s11], $0x4000  }
0x75: {  	[sflag:s11] =	ssyncset.done $0x0  }
0x76: {  	[sflag:s11] =	ssyncadd.s32 $0xFFFFC000  }
0x77: {  	[tilespmem:s0], [sflag:$0x2] =	stream.indirect.gather [hbm4b:s5+s30], $0x80, s30, s30, $0xb8;
	[tilespmem:$0x1C200] =	vst v63  }
0x78: {  	s13 =	sadd.s32 s6, s13  }
0x79: {  	[tilespmem:s4], [sflag:$0x5] =	stream.linear.gather [hbm4b:s13+s3], $0x80, $0x38;
	[tilespmem:$0x1C200] =	vst v63  }
0x7a: {  	_ =	swait.ge [sflag:s29], $0x80  }
0x7b: {  	[sflag:s29] =	ssyncset.done $0x0  }
0x7c: {  	[sflag:s29] =	ssyncadd.s32 $0xFFFFFF80  }
0x7d: {  	_ =	swait.ge [sflag:s8], $0x4000  }
0x7e: {  	[sflag:s8] =	ssyncset.done $0x0  }
0x7f: {  	s17 =	simm.s32 $0x40;
	[sflag:s8] =	ssyncadd.s32 $0xFFFFC000  }
0x80: {  	[spmem:s2] =	stream.indirect.scatter.add.f32 [tilespmem:s28], [sflag:$0x3], $0x80, s31, s30, $0xb8;
	[tilespmem:$0x1C200] =	vst v63  }
0x81: {  	s14 =	sand.u32 $0x60, s17;
	s15 =	sadd.s32 $0x40, s19;
	_ =	swait.ge [sflag:s9], $0x4000  }
0x82: {  	s16 =	sand.u32 $0x1FF80, s15;
	s13 =	simm.s32 $0x60;
	[sflag:s9] =	ssyncset.done $0x0  }
.LBB2_4:
0x83: {  	s16 =	sor.u32 s14, s16  }
0x84: {  	[sflag:s9] =	ssyncadd.s32 $0xFFFFC000;
	s14 =	smov.u32 s13;
	s15 =	sadd.s32 $0x20, s13  }
0x85: {  	[spmem:s2] =	stream.indirect.scatter.add.f32 [tilespmem:s0], [sflag:$0x4], $0x80, s4, s30, $0xb8;
	[tilespmem:$0x1C200] =	vst v63  }
0x86: {  	p0 =	sne.s32 s13, $0x4E0;
	s13 =	sadd.s32 s1, s16;
	s17 =	sor.u32 $0x10, s16  }
0x87: {  	[tilespmem:s3], [sflag:$0x5] =	stream.linear.gather [hbm4b:s13+s3], $0x80, $0x38;
	[tilespmem:$0x1C200] =	vst v63  }
0x88: {  	_ =	swait.ge [sflag:s29], $0x80  }
0x89: {  	[sflag:s29] =	ssyncset.done $0x0  }
0x8a: {  	[sflag:s29] =	ssyncadd.s32 $0xFFFFFF80  }
0x8b: {  	_ =	swait.ge [sflag:s10], $0x4000  }
0x8c: {  	[sflag:s10] =	ssyncset.done $0x0  }
0x8d: {  	[sflag:s10] =	ssyncadd.s32 $0xFFFFC000  }
0x8e: {  	[tilespmem:s28], [sflag:$0x1] =	stream.indirect.gather [hbm4b:s5+s30], $0x80, s3, s30, $0xb8;
	[tilespmem:$0x1C200] =	vst v63  }
0x8f: {  	s13 =	sadd.s32 s6, s16  }
0x90: {  	[tilespmem:s31], [sflag:$0x5] =	stream.linear.gather [hbm4b:s13+s3], $0x80, $0x38;
	[tilespmem:$0x1C200] =	vst v63  }
0x91: {  	_ =	swait.ge [sflag:s29], $0x80  }
0x92: {  	[sflag:s29] =	ssyncset.done $0x0  }
0x93: {  	s13 =	sadd.s32 s1, s17;
	[sflag:s29] =	ssyncadd.s32 $0xFFFFFF80  }
0x94: {  	[tilespmem:s30], [sflag:$0x5] =	stream.linear.gather [hbm4b:s13+s3], $0x80, $0x38;
	[tilespmem:$0x1C200] =	vst v63  }
0x95: {  	_ =	swait.ge [sflag:s29], $0x80  }
0x96: {  	[sflag:s29] =	ssyncset.done $0x0  }
0x97: {  	[sflag:s29] =	ssyncadd.s32 $0xFFFFFF80  }
0x98: {  	_ =	swait.ge [sflag:s11], $0x4000  }
0x99: {  	[sflag:s11] =	ssyncset.done $0x0  }
0x9a: {  	[sflag:s11] =	ssyncadd.s32 $0xFFFFC000  }
0x9b: {  	[tilespmem:s0], [sflag:$0x2] =	stream.indirect.gather [hbm4b:s5+s30], $0x80, s30, s30, $0xb8;
	[tilespmem:$0x1C200] =	vst v63  }
0x9c: {  	s13 =	sadd.s32 s6, s17  }
0x9d: {  	[tilespmem:s4], [sflag:$0x5] =	stream.linear.gather [hbm4b:s13+s3], $0x80, $0x38;
	[tilespmem:$0x1C200] =	vst v63  }
0x9e: {  	_ =	swait.ge [sflag:s29], $0x80  }
0x9f: {  	[sflag:s29] =	ssyncset.done $0x0  }
0xa0: {  	[sflag:s29] =	ssyncadd.s32 $0xFFFFFF80  }
0xa1: {  	_ =	swait.ge [sflag:s8], $0x4000  }
.Ltmp1:
0xa2: {  	[sflag:s8] =	ssyncset.done $0x0;
	(pc) =	sbr.rel @p0 .LBB2_4-.Ltmp1, $4  }
0xa3: {  	[sflag:s8] =	ssyncadd.s32 $0xFFFFC000  }
0xa4: {  	[spmem:s2] =	stream.indirect.scatter.add.f32 [tilespmem:s28], [sflag:$0x3], $0x80, s31, s30, $0xb8;
	[tilespmem:$0x1C200] =	vst v63  }
0xa5: {  	s13 =	sadd.s32 s14, s19;
	s14 =	sand.u32 $0x60, s14;
	_ =	swait.ge [sflag:s9], $0x4000  }
0xa6: {  	s16 =	sand.u32 $0x1FF80, s13;
	s13 =	smov.u32 s15;
	[sflag:s9] =	ssyncset.done $0x0  }
0xa7: {  	s13 =	sor.u32 s14, s16;
	[sflag:s9] =	ssyncadd.s32 $0xFFFFC000  }
0xa8: {  	[spmem:s2] =	stream.indirect.scatter.add.f32 [tilespmem:s0], [sflag:$0x4], $0x80, s4, s30, $0xb8;
	[tilespmem:$0x1C200] =	vst v63  }
0xa9: {  	s14 =	sadd.s32 s1, s13  }
0xaa: {  	[tilespmem:s3], [sflag:$0x5] =	stream.linear.gather [hbm4b:s14+s3], $0x80, $0x38;
	[tilespmem:$0x1C200] =	vst v63  }
0xab: {  	_ =	swait.ge [sflag:s29], $0x80  }
0xac: {  	[sflag:s29] =	ssyncset.done $0x0  }
0xad: {  	[sflag:s29] =	ssyncadd.s32 $0xFFFFFF80  }
0xae: {  	_ =	swait.ge [sflag:s10], $0x4000  }
0xaf: {  	[sflag:s10] =	ssyncset.done $0x0  }
0xb0: {  	[sflag:s10] =	ssyncadd.s32 $0xFFFFC000  }
0xb1: {  	[tilespmem:s28], [sflag:$0x1] =	stream.indirect.gather [hbm4b:s5+s30], $0x80, s3, s30, $0xb8;
	[tilespmem:$0x1C200] =	vst v63  }
0xb2: {  	s17 =	sadd.s32 s6, s13  }
0xb3: {  	[tilespmem:s31], [sflag:$0x5] =	stream.linear.gather [hbm4b:s17+s3], $0x80, $0x38;
	[tilespmem:$0x1C200] =	vst v63  }
0xb4: {  	_ =	swait.ge [sflag:s29], $0x80  }
0xb5: {  	s13 =	sor.u32 $0x10, s13;
	[sflag:s29] =	ssyncset.done $0x0  }
0xb6: {  	s15 =	sadd.s32 s1, s13;
	[sflag:s29] =	ssyncadd.s32 $0xFFFFFF80  }
0xb7: {  	[tilespmem:s30], [sflag:$0x5] =	stream.linear.gather [hbm4b:s15+s3], $0x80, $0x38;
	[tilespmem:$0x1C200] =	vst v63  }
0xb8: {  	_ =	swait.ge [sflag:s29], $0x80  }
0xb9: {  	[sflag:s29] =	ssyncset.done $0x0  }
0xba: {  	[sflag:s29] =	ssyncadd.s32 $0xFFFFFF80  }
0xbb: {  	_ =	swait.ge [sflag:s11], $0x4000  }
0xbc: {  	[sflag:s11] =	ssyncset.done $0x0  }
0xbd: {  	[sflag:s11] =	ssyncadd.s32 $0xFFFFC000  }
0xbe: {  	[tilespmem:s0], [sflag:$0x2] =	stream.indirect.gather [hbm4b:s5+s30], $0x80, s30, s30, $0xb8;
	[tilespmem:$0x1C200] =	vst v63  }
0xbf: {  	s13 =	sadd.s32 s6, s13  }
0xc0: {  	[tilespmem:s4], [sflag:$0x5] =	stream.linear.gather [hbm4b:s13+s3], $0x80, $0x38;
	[tilespmem:$0x1C200] =	vst v63  }
0xc1: {  	_ =	swait.ge [sflag:s29], $0x80  }
0xc2: {  	[sflag:s29] =	ssyncset.done $0x0  }
0xc3: {  	[sflag:s29] =	ssyncadd.s32 $0xFFFFFF80  }
0xc4: {  	_ =	swait.ge [sflag:s8], $0x4000  }
0xc5: {  	[sflag:s8] =	ssyncset.done $0x0  }
0xc6: {  	[sflag:s8] =	ssyncadd.s32 $0xFFFFC000  }
0xc7: {  	[spmem:s2] =	stream.indirect.scatter.add.f32 [tilespmem:s28], [sflag:$0x3], $0x80, s31, s30, $0xb8;
	[tilespmem:$0x1C200] =	vst v63  }
0xc8: {  	_ =	swait.ge [sflag:s9], $0x4000  }
0xc9: {  	[sflag:s9] =	ssyncset.done $0x0  }
0xca: {  	[sflag:s9] =	ssyncadd.s32 $0xFFFFC000  }
0xcb: {  	[spmem:s2] =	stream.indirect.scatter.add.f32 [tilespmem:s0], [sflag:$0x4], $0x80, s4, s30, $0xb8;
	[tilespmem:$0x1C200] =	vst v63  }
0xcc: {  	_ =	swait.ge [sflag:s10], $0x4000  }
0xcd: {  	[sflag:s10] =	ssyncset.done $0x0  }
0xce: {  	[sflag:s10] =	ssyncadd.s32 $0xFFFFC000  }
0xcf: {  	_ =	swait.ge [sflag:s11], $0x4000  }
0xd0: {  	[sflag:s11] =	ssyncset.done $0x0  }
0xd1: {  	s16 =	stileid.u32;
	[sflag:s11] =	ssyncadd.s32 $0xFFFFC000  }
0xd2: {  	s13 =	sshll.u32 s16, $0x6;
	[bflag:$0x0] =	sbarrier.arrive $0xFFFF  }
0xd3: {  	s17 =	sshrl.u32 s7, $0x3;
	s13 =	sor.u32 $0x1C05, s13;
	s15 =	rddreg [dreg:$0x4]  }
0xd4: {  	[hbm:s15], [sflag:s13] =	dma.local [spmem:s17], $0x800  }
0xd5: {  	_ =	swait.ge [sflag:s29], $0x800  }
0xd6: {  	[sflag:s29] =	ssyncset.done $0x0  }
0xd7: {  	s16 =	rddreg [dreg:$0xa];
	[sflag:s29] =	ssyncadd.s32 $0xFFFFF800  }
0xd8: {  	[hbm:s16], [sflag:s13] =	dma.local [spmem:s22], $0x800  }
0xd9: {  	_ =	swait.ge [sflag:s29], $0x800  }
0xda: {  	[sflag:s29] =	ssyncset.done $0x0  }
0xdb: {  	s17 =	rddreg [dreg:$0xb];
	[sflag:s29] =	ssyncadd.s32 $0xFFFFF800  }
0xdc: {  	[hbm:s17], [sflag:s13] =	dma.local [spmem:s23], $0x800  }
0xdd: {  	_ =	swait.ge [sflag:s29], $0x800  }
0xde: {  	[sflag:s29] =	ssyncset.done $0x0  }
0xdf: {  	s15 =	rddreg [dreg:$0xc];
	[sflag:s29] =	ssyncadd.s32 $0xFFFFF800  }
0xe0: {  	[hbm:s15], [sflag:s13] =	dma.local [spmem:s24], $0x800  }
0xe1: {  	_ =	swait.ge [sflag:s29], $0x800  }
0xe2: {  	[sflag:s29] =	ssyncset.done $0x0  }
0xe3: {  	s16 =	rddreg [dreg:$0xd];
	[sflag:s29] =	ssyncadd.s32 $0xFFFFF800  }
0xe4: {  	[hbm:s16], [sflag:s13] =	dma.local [spmem:s25], $0x800  }
0xe5: {  	_ =	swait.ge [sflag:s29], $0x800  }
0xe6: {  	s12 =	sadd.s32 $0x1, s12;
	s17 =	rddreg [dreg:$0x5]  }
0xe7: {  	p0 =	sne.s32 s12, s17  }
.Ltmp2:
0xe8: {  	_ = 	snop;
	(pc) =	sbr.rel @p0 .LBB2_1-.Ltmp2, $3  }
0xe9: {  	_ =	sdelay $0x1  }
0xea: {  	[sflag:s29] =	ssyncset.done $0x0  }
0xeb: {  	[sflag:s29] =	ssyncadd.s32 $0xFFFFF800  }
0xec: {  	_ =	sfence.sel $0x180000  }
0xed: {  	[bflag:$0x0] =	sbarrier.arrive $0xFFFF  }
0xee: {  	_ =	strace $0x9000004D  }
0xef: {  	s0 =	stileid.u32;
	[bflag:$0x2] =	sbarrier.arrive $0xFFFF  }
0xf0: {  	p0 =	sne.s32 s0, $0x0;
	s0 =	rddreg [dreg:$0x3]  }
0xf1: {  	s0 =	sadd.s32 @!p0 $0x100000, s0  }
0xf2: {  	[sflag:s0] =	ssyncadd.tile.s32 @!p0 $0x1;
	_ =	shalt  }
.Lfunc_end2:
_tile_overlayer_lowered:
.L_overlay_start_2:
0xf3: {  	(tag) =	ssettag $0x2  }
0xf4: {  	s0 =	rddreg [dreg:$0x0];
	s2 =	stileid.u32  }
0xf5: {  	s1 =	rddreg [dreg:$0x1];
	p0 =	sne.s32 s2, $0x0  }
0xf6: {  	s3 =	rddreg [dreg:$0x2];
	[bflag:$0x3] =	sbarrier.arrive $0xFFFF;
	s2 =	simm.s32 @!p0 $0x1C05  }
0xf7: {  	[timem:s3], [sflag:s2] =	dma.local @!p0 [hbm:s0], s1  }
0xf8: {  	s0 =	simm.s32 @!p0 $0x5  }
0xf9: {  	_ =	swait.ge @!p0 [sflag:s0], s1  }
0xfa: {  	s1 =	ssub.s32 @!p0 $0x0, s1;
	[sflag:s0] =	ssyncset.done @!p0 $0x0  }
0xfb: {  	[sflag:s0] =	ssyncadd.s32 @!p0 s1  }
0xfc: {  	[bflag:$0x3] =	sbarrier.arrive $0xFFFF  }
0xfd: {  	_ =	shalt  }

// kernel: kernel.19.cloned.1.call-start
scs
__scs_entry_jumppad:
0x0: {  	(pc) =	sbr.rel $0x88, $3  }
0x1: {  	(tag) =	ssettag $0x0;
	lr =	simm.s32 $0x1  }
0x2: {  	[smem:$0x3F99] =	sst lr;
	_ =	strace $0xD0000000  }
0x3: {  	_ = 	snop  }
0x4: {  	_ = 	snop  }
0x5: {  	_ = 	snop  }
0x6: {  	_ = 	snop  }
0x7: {  	_ = 	snop  }
__scs_overlays_trampoline_lowered:
0x8: {  	[smem:$0x3FA8] =	sst s0  }
0x9: {  	[smem:$0x3FA9] =	sst s1  }
0xa: {  	[smem:$0x3FAA] =	sst s2  }
0xb: {  	[smem:$0x3FAB] =	sst s3  }
0xc: {  	[smem:$0x3FAC] =	sst s4  }
0xd: {  	[smem:$0x3FAD] =	sst s5  }
0xe: {  	[smem:$0x3FAE] =	sst s6  }
0xf: {  	[smem:$0x3FAF] =	sst s7  }
0x10: {  	[smem:$0x3FB0] =	sst s8  }
0x11: {  	[smem:$0x3FB1] =	sst s9;
	s0 =	simm.s32 @!p0 $0x0  }
0x12: {  	s1 =	sld [smem:$0x3F97];
	s0 =	simm.s32 @p0 $0x1  }
0x13: {  	[smem:$0x3FB2] =	sst s0;
	s0 =	simm.s32 @!p1 $0x0  }
0x14: {  	s2 =	sld [smem:$0x3F96];
	s0 =	simm.s32 @p1 $0x1  }
0x15: {  	[smem:$0x3FB3] =	sst s0;
	s0 =	simm.s32 @!p2 $0x0  }
0x16: {  	s3 =	sld [smem:$0x3FDB];
	s0 =	simm.s32 @p2 $0x1  }
0x17: {  	s4 =	simm.s32 $0x1BF5;
	[smem:$0x3FB5] =	sst s0  }
0x18: {  	s0 =	sld [smem:$0x3F98];
	_ =	swait.ge [sflag:s4], $0x0  }
0x19: {  	s7 =	sld [smem:$0x3F99]  }
0x1a: {  	s8 =	sadd.s32 $0xFFFFE003, lr  }
0x1b: {  	s9 =	sadd.s32 $0xFFFFFEF7, lr;
	s5 =	simm.s32 $0xFFFFFFFF;
	p2 =	slt.u32 s8, $0xFFFFF086  }
0x1c: {  	p1 =	slt.u32 s9, $0xF7A;
	s5 =	simm.s32 @!p2 $0x0  }
0x1d: {  	s5 =	simm.s32 @p1 $0x1;
	p0 =	seq.s32 s7, s2  }
0x1e: {  	s7 =	smul.u32 @!p0 $0xF7A, s2;
	p2 =	seq.s32 @!p0 s5, $0x0  }
0x1f: {  	s9 =	smul.u32 $0xF7A, s1;
	s8 =	simm.s32 @!p0 $0x1BF5;
	p2 =	por !p2, p0  }
0x20: {  	[sflag:s8] =	ssyncset.s32 @!p0 $0xFFFFF086;
	s6 =	sadd.s32 @!p0 s3, s7;
	s7 =	simm.s32 @!p0 $0x108  }
0x21: {  	s3 =	sadd.s32 s3, s9;
	s6 =	sadd.s32 @!p0 $0x88, s6;
	s7 =	simm.s32 @p2 $0x1082  }
0x22: {  	[simem:s7], [sflag:s8] =	dma.local @!p0 [hbm:s6], $0xF7A  }
0x23: {  	s9 =	sor.u32 $0xD0000000, s2;
	s6 =	simm.s32 $0x108;
	_ =	swait.ge @!p0 [sflag:s8], $0x0  }
0x24: {  	s3 =	sadd.s32 $0x88, s3;
	s6 =	simm.s32 @!p1 $0x1082;
	[sflag:s4] =	ssyncset.s32 $0xFFFFF086  }
0x25: {  	[simem:s6], [sflag:s4] =	dma.local [hbm:s3], $0xF7A  }
0x26: {  	[smem:$0x3F99] =	sst s1;
	(tag) =	ssettag s2;
	_ =	strace s9  }
0x27: {  	s1 =	sld [smem:$0x3FA9]  }
0x28: {  	s2 =	sld [smem:$0x3FAA]  }
0x29: {  	s4 =	sld [smem:$0x3FAC]  }
0x2a: {  	p0 =	seq.s32 s5, $0x0;
	s5 =	sld [smem:$0x3FAD]  }
0x2b: {  	s6 =	sld [smem:$0x3FAE]  }
0x2c: {  	s7 =	sld [smem:$0x3FAF]  }
0x2d: {  	s3 =	simm.s32 $0x108;
	s8 =	sld [smem:$0x3FB0]  }
0x2e: {  	s3 =	simm.s32 @!p0 $0x1082;
	s9 =	sld [smem:$0x3FB1]  }
0x2f: {  	lr =	sadd.s32 s0, s3;
	s0 =	sld [smem:$0x3FA8]  }
0x30: {  	s3 =	sld [smem:$0x3FAB]  }
0x31: {  	[smem:$0x3FB4] =	sst s10  }
0x32: {  	s10 =	sld [smem:$0x3FB2];
	_ =	sdelay $0x3  }
0x33: {  	p0 =	seq.s32 s10, $0x1;
	s10 =	sld [smem:$0x3FB4];
	_ =	sdelay $0x3  }
0x34: {  	[smem:$0x3FB4] =	sst s10  }
0x35: {  	s10 =	sld [smem:$0x3FB3];
	_ =	sdelay $0x3  }
0x36: {  	p1 =	seq.s32 s10, $0x1;
	s10 =	sld [smem:$0x3FB4];
	_ =	sdelay $0x3  }
0x37: {  	[smem:$0x3FB4] =	sst s10  }
0x38: {  	s10 =	sld [smem:$0x3FB5]  }
0x39: {  	_ = 	snop;
	(pc) =	sbr.ind lr, $3  }
0x3a: {  	_ = 	snop  }
0x3b: {  	_ = 	snop  }
0x3c: {  	p2 =	seq.s32 s10, $0x1;
	s10 =	sld [smem:$0x3FB4]  }
0x3d: {  	_ =	shalt  }
0x3e: {  	_ =	shalt  }
0x3f: {  	_ =	shalt  }
0x40: {  	_ =	shalt  }
0x41: {  	_ =	shalt  }
0x42: {  	_ =	shalt  }
0x43: {  	_ =	shalt  }
0x44: {  	_ =	shalt  }
0x45: {  	_ =	shalt  }
0x46: {  	_ =	shalt  }
0x47: {  	_ =	shalt  }
0x48: {  	_ =	shalt  }
0x49: {  	_ =	shalt  }
0x4a: {  	_ =	shalt  }
0x4b: {  	_ =	shalt  }
0x4c: {  	_ =	shalt  }
0x4d: {  	_ =	shalt  }
0x4e: {  	_ =	shalt  }
0x4f: {  	_ =	shalt  }
0x50: {  	_ =	shalt  }
0x51: {  	_ =	shalt  }
0x52: {  	_ =	shalt  }
0x53: {  	_ =	shalt  }
0x54: {  	_ =	shalt  }
0x55: {  	_ =	shalt  }
0x56: {  	_ =	shalt  }
0x57: {  	_ =	shalt  }
0x58: {  	_ =	shalt  }
0x59: {  	_ =	shalt  }
0x5a: {  	_ =	shalt  }
0x5b: {  	_ =	shalt  }
0x5c: {  	_ =	shalt  }
0x5d: {  	_ =	shalt  }
0x5e: {  	_ =	shalt  }
0x5f: {  	_ =	shalt  }
0x60: {  	_ =	shalt  }
0x61: {  	_ =	shalt  }
0x62: {  	_ =	shalt  }
0x63: {  	_ =	shalt  }
0x64: {  	_ =	shalt  }
0x65: {  	_ =	shalt  }
0x66: {  	_ =	shalt  }
0x67: {  	_ =	shalt  }
0x68: {  	_ =	shalt  }
0x69: {  	_ =	shalt  }
0x6a: {  	_ =	shalt  }
0x6b: {  	_ =	shalt  }
0x6c: {  	_ =	shalt  }
0x6d: {  	_ =	shalt  }
0x6e: {  	_ =	shalt  }
0x6f: {  	_ =	shalt  }
0x70: {  	_ =	shalt  }
0x71: {  	_ =	shalt  }
0x72: {  	_ =	shalt  }
0x73: {  	_ =	shalt  }
0x74: {  	_ =	shalt  }
0x75: {  	_ =	shalt  }
0x76: {  	_ =	shalt  }
0x77: {  	_ =	shalt  }
0x78: {  	_ =	shalt  }
0x79: {  	_ =	shalt  }
0x7a: {  	_ =	shalt  }
0x7b: {  	_ =	shalt  }
0x7c: {  	_ =	shalt  }
0x7d: {  	_ =	shalt  }
0x7e: {  	_ =	shalt  }
0x7f: {  	_ =	shalt  }
0x80: {  	_ =	shalt  }
0x81: {  	_ =	shalt  }
0x82: {  	_ =	shalt  }
0x83: {  	_ =	shalt  }
0x84: {  	_ =	shalt  }
0x85: {  	_ =	shalt  }
0x86: {  	_ =	shalt  }
0x87: {  	_ =	shalt  }
.Lfunc_end0:
.L_simem_size_0:
called_computation.3_lowered:
.L_overlay_start_0:
0x88: {  	s2 =	sld [smem:$0x3FD9]  }
0x89: {  	s3 =	sld [smem:$0x3FFE];
	_ =	sdelay $0x1  }
0x8a: {  	s1 =	srdreg.scid  }
0x8b: {  	s0 =	sand.u32 $0x1, s1  }
0x8c: {  	s17 =	sshll.u32 s0, $0xA;
	s2 =	sadd.s32 s3, s2  }
0x8d: {  	s2 =	sadd.s32 s2, s17  }
0x8e: {  	[smem:$0x3FC0] =	sst s2  }
0x8f: {  	_ = 	snop  }
0x90: {  	s2 =	sld [smem:$0x3FD0];
	(tm) =	ssettm $0x1  }
0x91: {  	s18 =	sld [smem:$0x3FFB];
	_ =	sdelay $0x3  }
0x92: {  	_ =	strace s18  }
0x93: {  	s3 =	sld [smem:$0x3FFC];
	_ =	sdelay $0x3  }
0x94: {  	_ =	strace s3  }
0x95: {  	s3 =	sld [smem:$0x3FFD];
	_ =	sdelay $0x3  }
0x96: {  	_ =	strace s3  }
0x97: {  	_ =	strace $0x8FFFFFFF  }
0x98: {  	s19 =	sld [smem:$0x3FDB];
	_ =	sdelay $0x1  }
0x99: {  	s4 =	simm.s32 $_scs_section_size  }
0x9a: {  	s5 =	simm.s32 $_size__tile_overlayer_lowered;
	s6 =	simm.s32 $_tile_overlayer_lowered  }
0x9b: {  	s22 =	simm.s32 $0x1BFF;
	s21 =	sshll.u32 s6, $0x1;
	s3 =	sadd.s32 s4, s19  }
0x9c: {  	s7 =	simm.s32 $0x0;
	s20 =	sshll.u32 s5, $0x1;
	s5 =	sadd.s32 s21, s3  }
0x9d: {  	[timem:s7], [sflag:s22] =	dma.local [hbm:s5], s20  }
0x9e: {  	_ =	swait.ge [sflag:s22], s20  }
0x9f: {  	s4 =	ssub.s32 $0x0, s20;
	[sflag:s22] =	ssyncset.done $0x0  }
0xa0: {  	[sflag:s22] =	ssyncadd.s32 s4;
	_ =	sdelay $0x1  }
0xa1: {  	s23 =	simm.s32 $0x1B8B  }
0xa2: {  	_ =	swait.ge [sflag:s23], $0x1  }
0xa3: {  	[sflag:s23] =	ssyncset.done $0x0  }
0xa4: {  	s25 =	simm.s32 $0x1B8E;
	s24 =	sld [smem:$0x3FFE];
	[sflag:s23] =	ssyncadd.s32 $0xFFFFFFFF  }
0xa5: {  	s26 =	simm.s32 $execute0_lowered;
	[smem:$0x3FD2] =	sst s25  }
0xa6: {  	s5 =	sshll.u32 s26, $0x1;
	_ =	strace $0x8000004F;
	[dreg:$0x1] =	wrdreg $0xFFFFFFFF  }
0xa7: {  	s28 =	simm.s32 $_size_execute0_lowered;
	s3 =	sadd.s32 s3, s5;
	[dreg:$0x0] =	wrdreg $0x0  }
0xa8: {  	s5 =	sshll.u32 s28, $0x1;
	[dreg:$0x2] =	wrdreg s3  }
0xa9: {  	[dreg:$0x3] =	wrdreg s5  }
0xaa: {  	[dreg:$0x4] =	wrdreg $0xC0  }
0xab: {  	_ =	task [dreg:s7], $0x5FFFF  }
0xac: {  	[dreg:$0x1] =	wrdreg $0xFFFFFFFF  }
0xad: {  	[dreg:$0x0] =	wrdreg $0x60  }
0xae: {  	[dreg:$0x2] =	wrdreg s24  }
0xaf: {  	[dreg:$0x3] =	wrdreg s2  }
0xb0: {  	[dreg:$0x4] =	wrdreg $0x82000  }
0xb1: {  	[dreg:$0x5] =	wrdreg $0x9  }
0xb2: {  	_ =	task.clear_ibuf [dreg:s7], $0x6FFFF;
	_ =	strace $0x9000004F  }
0xb3: {  	s29 =	simm.s32 $0x9;
	_ =	strace $0x80000051  }
0xb4: {  	_ =	swait.ge [sflag:s29], $0x1  }
0xb5: {  	[sflag:s29] =	ssyncadd.s32 $0xFFFFFFFF  }
0xb6: {  	_ =	strace $0x90000051  }
0xb7: {  	_ =	sfence  }
0xb8: {  	s30 =	sld [smem:$0x0];
	_ =	sdelay $0x2  }
0xb9: {  	s31 =	sshll.u32 s1, $0xD;
	s1 =	sshrl.u32 s1, $0x2  }
0xba: {  	s3 =	sand.u32 $0x4000, s31;
	s1 =	sadd.s32 s1, s30  }
0xbb: {  	s0 =	sor.u32 s3, s0;
	s1 =	sshll.u32 s1, $0x11  }
0xbc: {  	s0 =	sor.u32 s1, s0  }
0xbd: {  	s0 =	sadd.s32 $0x8F2B, s0  }
0xbe: {  	[sflag:s0] =	ssyncadd.remote.s32 $0x1  }
0xbf: {  	_ =	sfence.sel $0xFFFF  }
0xc0: {  	[dreg:$0x0] =	wrdreg $0xFFFFFFFF;
	(pc) =	sbr.abs _section_cstart, $3  }
0xc1: {  	[dreg:$0x1] =	wrdreg $0xFFFFFFFF  }
0xc2: {  	_ =	task.clear_ibuf [dreg:s7], $0x2FFFF;
	_ =	strace $0x9FFFFFFF  }
0xc3: {  	(tm) =	ssettm $0x7FFFFFFF  }
tec
execute0_lowered:
.L_overlay_start_1:
0x0: {  	(tag) =	ssettag $0x1  }
0x1: {  	s0 =	rddreg [dreg:$0x0]  }
0x2: {  	s1 =	rddreg [dreg:$0x1]  }
0x3: {  	s2 =	rddreg [dreg:$0x2]  }
0x4: {  	s3 =	simm.s32 $0x0;
	s4 =	srdreg.scid;
	s15 =	stileid.u32  }
0x5: {  	s28 =	simm.s32 $0x200;
	s29 =	simm.s32 $0x5;
	s30 =	simm.s32 $0x80  }
0x6: {  	s31 =	simm.s32 $0x100;
	[smem:$0x7FF] =	sst s3;
	s9 =	smul.u32 $0x14000, s15  }
0x7: {  	s4 =	sand.u32 $0x1, s4;
	s5 =	sadd.s32 $0xD200, s0;
	s11 =	smul.u32 $0x50000, s15  }
0x8: {  	s6 =	sadd.s32 $0x3200, s0;
	s18 =	sshll.u32 s15, $0x1;
	s15 =	smul.u32 $0xA00, s15  }
0x9: {  	s0 =	sadd.s32 $0x35200, s0;
	_ =	strace $0x80000050;
	s8 =	smul.u32 $0x140000, s4  }
0xa: {  	s7 =	ssub.s32 $0x2, s4;
	s13 =	sor.u32 s4, s18;
	s4 =	smul.u32 $0x500, s4  }
0xb: {  	s10 =	sshrl.u32 s7, $0x1;
	s19 =	sshrl.u32 s11, $0x2;
	s21 =	smul.u32 $0x500, s13  }
0xc: {  	s13 =	sadd.s32 $0x4000, s9;
	s25 =	sadd.s32 $0x8000, s9;
	s17 =	sadd.s32 $0xC000, s9  }
0xd: {  	s10 =	ssub.s32 s7, s10;
	s12 =	sadd.s32 s8, s9;
	s7 =	sadd.s32 s19, s2  }
0xe: {  	s24 =	sadd.s32 s8, s13;
	s26 =	sadd.s32 s8, s25;
	s9 =	sadd.s32 $0x10000, s9  }
0xf: {  	s22 =	sadd.s32 s8, s17;
	s19 =	sadd.s32 s4, s15;
	s25 =	sadd.s32 s25, s2  }
0x10: {  	s4 =	simm.s32 $0x180;
	s20 =	sshrl.u32 s12, $0x3;
	s10 =	smax.u32 s10, $0x1  }
0x11: {  	s23 =	sadd.s32 $0x8000, s7;
	s14 =	sadd.s32 $0xC000, s7;
	[dreg:$0x5] =	wrdreg s10  }
0x12: {  	s16 =	sadd.s32 s1, s21;
	s8 =	sadd.s32 s8, s9;
	[dreg:$0x7] =	wrdreg s23  }
0x13: {  	s18 =	sadd.s32 s6, s21;
	s9 =	sadd.s32 s9, s2;
	[dreg:$0x8] =	wrdreg s14  }
0x14: {  	s12 =	simm.s32 $0x0;
	s11 =	sadd.s32 s0, s20;
	[dreg:$0x9] =	wrdreg s16  }
0x15: {  	s16 =	sshrl.u32 s26, $0x3;
	s14 =	sshrl.u32 s22, $0x3;
	s8 =	sshrl.u32 s8, $0x3  }
0x16: {  	s23 =	sor.u32 $0x10, s21;
	s26 =	sadd.s32 s17, s2;
	s10 =	simm.s32 $0x3  }
0x17: {  	[dreg:$0x4] =	wrdreg s11;
	s11 =	sadd.s32 $0x4000, s7;
	s14 =	sadd.s32 s0, s14  }
0x18: {  	s20 =	sadd.s32 s1, s23;
	s21 =	sadd.s32 s6, s23;
	s23 =	sshrl.u32 s25, $0x3  }
0x19: {  	s25 =	sshrl.u32 s9, $0x3;
	s9 =	simm.s32 $0x2;
	[dreg:$0x6] =	wrdreg s11  }
0x1a: {  	s11 =	sshrl.u32 s24, $0x3;
	[dreg:$0xc] =	wrdreg s14;
	s24 =	sadd.s32 s13, s2  }
0x1b: {  	s11 =	sadd.s32 s0, s11;
	s22 =	sshrl.u32 s24, $0x3;
	s24 =	sshrl.u32 s26, $0x3  }
0x1c: {  	s26 =	sadd.s32 $0x10000, s7;
	[dreg:$0xa] =	wrdreg s11;
	s11 =	sadd.s32 s0, s16  }
0x1d: {  	s0 =	sadd.s32 s0, s8;
	s8 =	simm.s32 $0x1;
	[dreg:$0xb] =	wrdreg s11  }
0x1e: {  	v0 =	vimm.f32 $0.0e+00;
	[dreg:$0xd] =	wrdreg s0;
	s0 =	simm.s32 $0x4200;
	s11 =	simm.s32 $0x4  }
.LBB2_1:
0x1f: {  	s13 =	simm.s32 $0x0;
	s14 =	simm.s32 $0x200  }
.LBB2_2:
0x20: {  	p0 =	sne.s32 s14, $0xFE00;
	[tilespmem:s13+$0x270] =	vst v0  }
0x21: {  	[tilespmem:s13+$0x200] =	vst v0  }
0x22: {  	[tilespmem:s13+$0x210] =	vst v0  }
.Ltmp0:
0x23: {  	[tilespmem:s13+$0x220] =	vst v0;
	(pc) =	sbr.rel @p0 .LBB2_2-.Ltmp0, $4  }
0x24: {  	[tilespmem:s13+$0x230] =	vst v0  }
0x25: {  	[tilespmem:s13+$0x240] =	vst v0  }
0x26: {  	[tilespmem:s13+$0x250] =	vst v0  }
0x27: {  	[tilespmem:s13+$0x260] =	vst v0;
	s13 =	sshra.s32 s14, $0x2;
	s14 =	sadd.s32 $0x200, s14  }
0x28: {  	[tilespmem:s13+$0x270] =	vst v0  }
0x29: {  	[tilespmem:s13+$0x200] =	vst v0  }
0x2a: {  	[tilespmem:s13+$0x210] =	vst v0  }
0x2b: {  	[tilespmem:s13+$0x220] =	vst v0  }
0x2c: {  	[tilespmem:s13+$0x230] =	vst v0  }
0x2d: {  	[tilespmem:s13+$0x240] =	vst v0  }
0x2e: {  	[tilespmem:s13+$0x250] =	vst v0  }
0x2f: {  	[tilespmem:s13+$0x260] =	vst v0  }
0x30: {  	[spmem:s7] =	stream.linear.scatter [tilespmem:s28], [sflag:$0x5], $0x4000, $0x38;
	[tilespmem:$0x1C200] =	vst v63  }
0x31: {  	_ =	swait.ge [sflag:s29], $0x4000  }
0x32: {  	[sflag:s29] =	ssyncset.done $0x0  }
0x33: {  	s17 =	rddreg [dreg:$0x6];
	[sflag:s29] =	ssyncadd.s32 $0xFFFFC000  }
0x34: {  	[spmem:s17] =	stream.linear.scatter [tilespmem:s28], [sflag:$0x5], $0x4000, $0x38;
	[tilespmem:$0x1C200] =	vst v63  }
0x35: {  	_ =	swait.ge [sflag:s29], $0x4000  }
0x36: {  	[sflag:s29] =	ssyncset.done $0x0  }
0x37: {  	s14 =	rddreg [dreg:$0x7];
	[sflag:s29] =	ssyncadd.s32 $0xFFFFC000  }
0x38: {  	[spmem:s14] =	stream.linear.scatter [tilespmem:s28], [sflag:$0x5], $0x4000, $0x38;
	[tilespmem:$0x1C200] =	vst v63  }
0x39: {  	_ =	swait.ge [sflag:s29], $0x4000  }
0x3a: {  	[sflag:s29] =	ssyncset.done $0x0  }
0x3b: {  	s15 =	rddreg [dreg:$0x8];
	[sflag:s29] =	ssyncadd.s32 $0xFFFFC000  }
0x3c: {  	[spmem:s15] =	stream.linear.scatter [tilespmem:s28], [sflag:$0x5], $0x4000, $0x38;
	[tilespmem:$0x1C200] =	vst v63  }
0x3d: {  	_ =	swait.ge [sflag:s29], $0x4000  }
0x3e: {  	[sflag:s29] =	ssyncset.done $0x0  }
0x3f: {  	[sflag:s29] =	ssyncadd.s32 $0xFFFFC000  }
0x40: {  	[spmem:s26] =	stream.linear.scatter [tilespmem:s28], [sflag:$0x5], $0x4000, $0x38;
	[tilespmem:$0x1C200] =	vst v63  }
0x41: {  	_ =	swait.ge [sflag:s29], $0x4000  }
0x42: {  	[sflag:s29] =	ssyncset.done $0x0  }
0x43: {  	[sflag:s29] =	ssyncadd.s32 $0xFFFFC000  }
0x44: {  	[bflag:$0x0] =	sbarrier.arrive $0xFFFF  }
0x45: {  	s16 =	rddreg [dreg:$0x9]  }
0x46: {  	[tilespmem:s3], [sflag:$0x5] =	stream.linear.gather [hbm4b:s16+s3], $0x80, $0x38;
	[tilespmem:$0x1C200] =	vst v63  }
0x47: {  	_ =	swait.ge [sflag:s29], $0x80  }
0x48: {  	[sflag:s29] =	ssyncset.done $0x0  }
0x49: {  	[sflag:s29] =	ssyncadd.s32 $0xFFFFFF80  }
0x4a: {  	[tilespmem:s28], [sflag:$0x1] =	stream.indirect.gather [hbm4b:s5+s30], $0x80, s3, s30, $0xb8;
	[tilespmem:$0x1C200] =	vst v63  }
0x4b: {  	_ = 	snop  }
0x4c: {  	[tilespmem:s31], [sflag:$0x5] =	stream.linear.gather [hbm4b:s18+s3], $0x80, $0x38;
	[tilespmem:$0x1C200] =	vst v63  }
0x4d: {  	_ =	swait.ge [sflag:s29], $0x80  }
0x4e: {  	[sflag:s29] =	ssyncset.done $0x0  }
0x4f: {  	[sflag:s29] =	ssyncadd.s32 $0xFFFFFF80  }
0x50: {  	[tilespmem:s30], [sflag:$0x5] =	stream.linear.gather [hbm4b:s20+s3], $0x80, $0x38;
	[tilespmem:$0x1C200] =	vst v63  }
0x51: {  	_ =	swait.ge [sflag:s29], $0x80  }
0x52: {  	[sflag:s29] =	ssyncset.done $0x0  }
0x53: {  	[sflag:s29] =	ssyncadd.s32 $0xFFFFFF80  }
0x54: {  	[tilespmem:s0], [sflag:$0x2] =	stream.indirect.gather [hbm4b:s5+s30], $0x80, s30, s30, $0xb8;
	[tilespmem:$0x1C200] =	vst v63  }
0x55: {  	_ = 	snop  }
0x56: {  	[tilespmem:s4], [sflag:$0x5] =	stream.linear.gather [hbm4b:s21+s3], $0x80, $0x38;
	[tilespmem:$0x1C200] =	vst v63  }
0x57: {  	_ =	swait.ge [sflag:s29], $0x80  }
0x58: {  	[sflag:s29] =	ssyncset.done $0x0  }
0x59: {  	[sflag:s29] =	ssyncadd.s32 $0xFFFFFF80  }
0x5a: {  	_ =	swait.ge [sflag:s8], $0x4000  }
0x5b: {  	[sflag:s8] =	ssyncset.done $0x0  }
0x5c: {  	[sflag:s8] =	ssyncadd.s32 $0xFFFFC000  }
0x5d: {  	[spmem:s2] =	stream.indirect.scatter.add.f32 [tilespmem:s28], [sflag:$0x3], $0x80, s31, s30, $0xb8;
	[tilespmem:$0x1C200] =	vst v63  }
0x5e: {  	s17 =	simm.s32 $0x20;
	s14 =	sadd.s32 $0x20, s19;
	_ =	swait.ge [sflag:s9], $0x4000  }
0x5f: {  	s13 =	sand.u32 $0x60, s17;
	s14 =	sand.u32 $0x1FF80, s14;
	[sflag:s9] =	ssyncset.done $0x0  }
0x60: {  	s13 =	sor.u32 s13, s14;
	[sflag:s9] =	ssyncadd.s32 $0xFFFFC000  }
0x61: {  	[spmem:s2] =	stream.indirect.scatter.add.f32 [tilespmem:s0], [sflag:$0x4], $0x80, s4, s30, $0xb8;
	[tilespmem:$0x1C200] =	vst v63  }
0x62: {  	s14 =	sadd.s32 s1, s13  }
0x63: {  	[tilespmem:s3], [sflag:$0x5] =	stream.linear.gather [hbm4b:s14+s3], $0x80, $0x38;
	[tilespmem:$0x1C200] =	vst v63  }
0x64: {  	_ =	swait.ge [sflag:s29], $0x80  }
0x65: {  	[sflag:s29] =	ssyncset.done $0x0  }
0x66: {  	[sflag:s29] =	ssyncadd.s32 $0xFFFFFF80  }
0x67: {  	_ =	swait.ge [sflag:s10], $0x4000  }
0x68: {  	[sflag:s10] =	ssyncset.done $0x0  }
0x69: {  	[sflag:s10] =	ssyncadd.s32 $0xFFFFC000  }
0x6a: {  	[tilespmem:s28], [sflag:$0x1] =	stream.indirect.gather [hbm4b:s5+s30], $0x80, s3, s30, $0xb8;
	[tilespmem:$0x1C200] =	vst v63  }
0x6b: {  	s15 =	sadd.s32 s6, s13  }
0x6c: {  	[tilespmem:s31], [sflag:$0x5] =	stream.linear.gather [hbm4b:s15+s3], $0x80, $0x38;
	[tilespmem:$0x1C200] =	vst v63  }
0x6d: {  	_ =	swait.ge [sflag:s29], $0x80  }
0x6e: {  	s13 =	sor.u32 $0x10, s13;
	[sflag:s29] =	ssyncset.done $0x0  }
0x6f: {  	s16 =	sadd.s32 s1, s13;
	[sflag:s29] =	ssyncadd.s32 $0xFFFFFF80  }
0x70: {  	[tilespmem:s30], [sflag:$0x5] =	stream.linear.gather [hbm4b:s16+s3], $0x80, $0x38;
	[tilespmem:$0x1C200] =	vst v63  }
0x71: {  	_ =	swait.ge [sflag:s29], $0x80  }
0x72: {  	[sflag:s29] =	ssyncset.done $0x0  }
0x73: {  	[sflag:s29] =	ssyncadd.s32 $0xFFFFFF80  }
0x74: {  	_ =	swait.ge [sflag:s11], $0x4000  }
0x75: {  	[sflag:s11] =	ssyncset.done $0x0  }
0x76: {  	[sflag:s11] =	ssyncadd.s32 $0xFFFFC000  }
0x77: {  	[tilespmem:s0], [sflag:$0x2] =	stream.indirect.gather [hbm4b:s5+s30], $0x80, s30, s30, $0xb8;
	[tilespmem:$0x1C200] =	vst v63  }
0x78: {  	s13 =	sadd.s32 s6, s13  }
0x79: {  	[tilespmem:s4], [sflag:$0x5] =	stream.linear.gather [hbm4b:s13+s3], $0x80, $0x38;
	[tilespmem:$0x1C200] =	vst v63  }
0x7a: {  	_ =	swait.ge [sflag:s29], $0x80  }
0x7b: {  	[sflag:s29] =	ssyncset.done $0x0  }
0x7c: {  	[sflag:s29] =	ssyncadd.s32 $0xFFFFFF80  }
0x7d: {  	_ =	swait.ge [sflag:s8], $0x4000  }
0x7e: {  	[sflag:s8] =	ssyncset.done $0x0  }
0x7f: {  	s17 =	simm.s32 $0x40;
	[sflag:s8] =	ssyncadd.s32 $0xFFFFC000  }
0x80: {  	[spmem:s2] =	stream.indirect.scatter.add.f32 [tilespmem:s28], [sflag:$0x3], $0x80, s31, s30, $0xb8;
	[tilespmem:$0x1C200] =	vst v63  }
0x81: {  	s14 =	sand.u32 $0x60, s17;
	s15 =	sadd.s32 $0x40, s19;
	_ =	swait.ge [sflag:s9], $0x4000  }
0x82: {  	s16 =	sand.u32 $0x1FF80, s15;
	s13 =	simm.s32 $0x60;
	[sflag:s9] =	ssyncset.done $0x0  }
.LBB2_4:
0x83: {  	s16 =	sor.u32 s14, s16  }
0x84: {  	[sflag:s9] =	ssyncadd.s32 $0xFFFFC000;
	s14 =	smov.u32 s13;
	s15 =	sadd.s32 $0x20, s13  }
0x85: {  	[spmem:s2] =	stream.indirect.scatter.add.f32 [tilespmem:s0], [sflag:$0x4], $0x80, s4, s30, $0xb8;
	[tilespmem:$0x1C200] =	vst v63  }
0x86: {  	p0 =	sne.s32 s13, $0x4E0;
	s13 =	sadd.s32 s1, s16;
	s17 =	sor.u32 $0x10, s16  }
0x87: {  	[tilespmem:s3], [sflag:$0x5] =	stream.linear.gather [hbm4b:s13+s3], $0x80, $0x38;
	[tilespmem:$0x1C200] =	vst v63  }
0x88: {  	_ =	swait.ge [sflag:s29], $0x80  }
0x89: {  	[sflag:s29] =	ssyncset.done $0x0  }
0x8a: {  	[sflag:s29] =	ssyncadd.s32 $0xFFFFFF80  }
0x8b: {  	_ =	swait.ge [sflag:s10], $0x4000  }
0x8c: {  	[sflag:s10] =	ssyncset.done $0x0  }
0x8d: {  	[sflag:s10] =	ssyncadd.s32 $0xFFFFC000  }
0x8e: {  	[tilespmem:s28], [sflag:$0x1] =	stream.indirect.gather [hbm4b:s5+s30], $0x80, s3, s30, $0xb8;
	[tilespmem:$0x1C200] =	vst v63  }
0x8f: {  	s13 =	sadd.s32 s6, s16  }
0x90: {  	[tilespmem:s31], [sflag:$0x5] =	stream.linear.gather [hbm4b:s13+s3], $0x80, $0x38;
	[tilespmem:$0x1C200] =	vst v63  }
0x91: {  	_ =	swait.ge [sflag:s29], $0x80  }
0x92: {  	[sflag:s29] =	ssyncset.done $0x0  }
0x93: {  	s13 =	sadd.s32 s1, s17;
	[sflag:s29] =	ssyncadd.s32 $0xFFFFFF80  }
0x94: {  	[tilespmem:s30], [sflag:$0x5] =	stream.linear.gather [hbm4b:s13+s3], $0x80, $0x38;
	[tilespmem:$0x1C200] =	vst v63  }
0x95: {  	_ =	swait.ge [sflag:s29], $0x80  }
0x96: {  	[sflag:s29] =	ssyncset.done $0x0  }
0x97: {  	[sflag:s29] =	ssyncadd.s32 $0xFFFFFF80  }
0x98: {  	_ =	swait.ge [sflag:s11], $0x4000  }
0x99: {  	[sflag:s11] =	ssyncset.done $0x0  }
0x9a: {  	[sflag:s11] =	ssyncadd.s32 $0xFFFFC000  }
0x9b: {  	[tilespmem:s0], [sflag:$0x2] =	stream.indirect.gather [hbm4b:s5+s30], $0x80, s30, s30, $0xb8;
	[tilespmem:$0x1C200] =	vst v63  }
0x9c: {  	s13 =	sadd.s32 s6, s17  }
0x9d: {  	[tilespmem:s4], [sflag:$0x5] =	stream.linear.gather [hbm4b:s13+s3], $0x80, $0x38;
	[tilespmem:$0x1C200] =	vst v63  }
0x9e: {  	_ =	swait.ge [sflag:s29], $0x80  }
0x9f: {  	[sflag:s29] =	ssyncset.done $0x0  }
0xa0: {  	[sflag:s29] =	ssyncadd.s32 $0xFFFFFF80  }
0xa1: {  	_ =	swait.ge [sflag:s8], $0x4000  }
.Ltmp1:
0xa2: {  	[sflag:s8] =	ssyncset.done $0x0;
	(pc) =	sbr.rel @p0 .LBB2_4-.Ltmp1, $4  }
0xa3: {  	[sflag:s8] =	ssyncadd.s32 $0xFFFFC000  }
0xa4: {  	[spmem:s2] =	stream.indirect.scatter.add.f32 [tilespmem:s28], [sflag:$0x3], $0x80, s31, s30, $0xb8;
	[tilespmem:$0x1C200] =	vst v63  }
0xa5: {  	s13 =	sadd.s32 s14, s19;
	s14 =	sand.u32 $0x60, s14;
	_ =	swait.ge [sflag:s9], $0x4000  }
0xa6: {  	s16 =	sand.u32 $0x1FF80, s13;
	s13 =	smov.u32 s15;
	[sflag:s9] =	ssyncset.done $0x0  }
0xa7: {  	s13 =	sor.u32 s14, s16;
	[sflag:s9] =	ssyncadd.s32 $0xFFFFC000  }
0xa8: {  	[spmem:s2] =	stream.indirect.scatter.add.f32 [tilespmem:s0], [sflag:$0x4], $0x80, s4, s30, $0xb8;
	[tilespmem:$0x1C200] =	vst v63  }
0xa9: {  	s14 =	sadd.s32 s1, s13  }
0xaa: {  	[tilespmem:s3], [sflag:$0x5] =	stream.linear.gather [hbm4b:s14+s3], $0x80, $0x38;
	[tilespmem:$0x1C200] =	vst v63  }
0xab: {  	_ =	swait.ge [sflag:s29], $0x80  }
0xac: {  	[sflag:s29] =	ssyncset.done $0x0  }
0xad: {  	[sflag:s29] =	ssyncadd.s32 $0xFFFFFF80  }
0xae: {  	_ =	swait.ge [sflag:s10], $0x4000  }
0xaf: {  	[sflag:s10] =	ssyncset.done $0x0  }
0xb0: {  	[sflag:s10] =	ssyncadd.s32 $0xFFFFC000  }
0xb1: {  	[tilespmem:s28], [sflag:$0x1] =	stream.indirect.gather [hbm4b:s5+s30], $0x80, s3, s30, $0xb8;
	[tilespmem:$0x1C200] =	vst v63  }
0xb2: {  	s17 =	sadd.s32 s6, s13  }
0xb3: {  	[tilespmem:s31], [sflag:$0x5] =	stream.linear.gather [hbm4b:s17+s3], $0x80, $0x38;
	[tilespmem:$0x1C200] =	vst v63  }
0xb4: {  	_ =	swait.ge [sflag:s29], $0x80  }
0xb5: {  	s13 =	sor.u32 $0x10, s13;
	[sflag:s29] =	ssyncset.done $0x0  }
0xb6: {  	s15 =	sadd.s32 s1, s13;
	[sflag:s29] =	ssyncadd.s32 $0xFFFFFF80  }
0xb7: {  	[tilespmem:s30], [sflag:$0x5] =	stream.linear.gather [hbm4b:s15+s3], $0x80, $0x38;
	[tilespmem:$0x1C200] =	vst v63  }
0xb8: {  	_ =	swait.ge [sflag:s29], $0x80  }
0xb9: {  	[sflag:s29] =	ssyncset.done $0x0  }
0xba: {  	[sflag:s29] =	ssyncadd.s32 $0xFFFFFF80  }
0xbb: {  	_ =	swait.ge [sflag:s11], $0x4000  }
0xbc: {  	[sflag:s11] =	ssyncset.done $0x0  }
0xbd: {  	[sflag:s11] =	ssyncadd.s32 $0xFFFFC000  }
0xbe: {  	[tilespmem:s0], [sflag:$0x2] =	stream.indirect.gather [hbm4b:s5+s30], $0x80, s30, s30, $0xb8;
	[tilespmem:$0x1C200] =	vst v63  }
0xbf: {  	s13 =	sadd.s32 s6, s13  }
0xc0: {  	[tilespmem:s4], [sflag:$0x5] =	stream.linear.gather [hbm4b:s13+s3], $0x80, $0x38;
	[tilespmem:$0x1C200] =	vst v63  }
0xc1: {  	_ =	swait.ge [sflag:s29], $0x80  }
0xc2: {  	[sflag:s29] =	ssyncset.done $0x0  }
0xc3: {  	[sflag:s29] =	ssyncadd.s32 $0xFFFFFF80  }
0xc4: {  	_ =	swait.ge [sflag:s8], $0x4000  }
0xc5: {  	[sflag:s8] =	ssyncset.done $0x0  }
0xc6: {  	[sflag:s8] =	ssyncadd.s32 $0xFFFFC000  }
0xc7: {  	[spmem:s2] =	stream.indirect.scatter.add.f32 [tilespmem:s28], [sflag:$0x3], $0x80, s31, s30, $0xb8;
	[tilespmem:$0x1C200] =	vst v63  }
0xc8: {  	_ =	swait.ge [sflag:s9], $0x4000  }
0xc9: {  	[sflag:s9] =	ssyncset.done $0x0  }
0xca: {  	[sflag:s9] =	ssyncadd.s32 $0xFFFFC000  }
0xcb: {  	[spmem:s2] =	stream.indirect.scatter.add.f32 [tilespmem:s0], [sflag:$0x4], $0x80, s4, s30, $0xb8;
	[tilespmem:$0x1C200] =	vst v63  }
0xcc: {  	_ =	swait.ge [sflag:s10], $0x4000  }
0xcd: {  	[sflag:s10] =	ssyncset.done $0x0  }
0xce: {  	[sflag:s10] =	ssyncadd.s32 $0xFFFFC000  }
0xcf: {  	_ =	swait.ge [sflag:s11], $0x4000  }
0xd0: {  	[sflag:s11] =	ssyncset.done $0x0  }
0xd1: {  	s16 =	stileid.u32;
	[sflag:s11] =	ssyncadd.s32 $0xFFFFC000  }
0xd2: {  	s13 =	sshll.u32 s16, $0x6;
	[bflag:$0x0] =	sbarrier.arrive $0xFFFF  }
0xd3: {  	s17 =	sshrl.u32 s7, $0x3;
	s13 =	sor.u32 $0x1C05, s13;
	s15 =	rddreg [dreg:$0x4]  }
0xd4: {  	[hbm:s15], [sflag:s13] =	dma.local [spmem:s17], $0x800  }
0xd5: {  	_ =	swait.ge [sflag:s29], $0x800  }
0xd6: {  	[sflag:s29] =	ssyncset.done $0x0  }
0xd7: {  	s16 =	rddreg [dreg:$0xa];
	[sflag:s29] =	ssyncadd.s32 $0xFFFFF800  }
0xd8: {  	[hbm:s16], [sflag:s13] =	dma.local [spmem:s22], $0x800  }
0xd9: {  	_ =	swait.ge [sflag:s29], $0x800  }
0xda: {  	[sflag:s29] =	ssyncset.done $0x0  }
0xdb: {  	s17 =	rddreg [dreg:$0xb];
	[sflag:s29] =	ssyncadd.s32 $0xFFFFF800  }
0xdc: {  	[hbm:s17], [sflag:s13] =	dma.local [spmem:s23], $0x800  }
0xdd: {  	_ =	swait.ge [sflag:s29], $0x800  }
0xde: {  	[sflag:s29] =	ssyncset.done $0x0  }
0xdf: {  	s15 =	rddreg [dreg:$0xc];
	[sflag:s29] =	ssyncadd.s32 $0xFFFFF800  }
0xe0: {  	[hbm:s15], [sflag:s13] =	dma.local [spmem:s24], $0x800  }
0xe1: {  	_ =	swait.ge [sflag:s29], $0x800  }
0xe2: {  	[sflag:s29] =	ssyncset.done $0x0  }
0xe3: {  	s16 =	rddreg [dreg:$0xd];
	[sflag:s29] =	ssyncadd.s32 $0xFFFFF800  }
0xe4: {  	[hbm:s16], [sflag:s13] =	dma.local [spmem:s25], $0x800  }
0xe5: {  	_ =	swait.ge [sflag:s29], $0x800  }
0xe6: {  	s12 =	sadd.s32 $0x1, s12;
	s17 =	rddreg [dreg:$0x5]  }
0xe7: {  	p0 =	sne.s32 s12, s17  }
.Ltmp2:
0xe8: {  	_ = 	snop;
	(pc) =	sbr.rel @p0 .LBB2_1-.Ltmp2, $3  }
0xe9: {  	_ =	sdelay $0x1  }
0xea: {  	[sflag:s29] =	ssyncset.done $0x0  }
0xeb: {  	[sflag:s29] =	ssyncadd.s32 $0xFFFFF800  }
0xec: {  	_ =	sfence.sel $0x180000  }
0xed: {  	[bflag:$0x0] =	sbarrier.arrive $0xFFFF  }
0xee: {  	_ =	strace $0x90000050  }
0xef: {  	s0 =	stileid.u32;
	[bflag:$0x2] =	sbarrier.arrive $0xFFFF  }
0xf0: {  	p0 =	sne.s32 s0, $0x0;
	s0 =	rddreg [dreg:$0x3]  }
0xf1: {  	s0 =	sadd.s32 @!p0 $0x100000, s0  }
0xf2: {  	[sflag:s0] =	ssyncadd.tile.s32 @!p0 $0x1;
	_ =	shalt  }
.Lfunc_end2:
_tile_overlayer_lowered:
.L_overlay_start_2:
0xf3: {  	(tag) =	ssettag $0x2  }
0xf4: {  	s0 =	rddreg [dreg:$0x0];
	s2 =	stileid.u32  }
0xf5: {  	s1 =	rddreg [dreg:$0x1];
	p0 =	sne.s32 s2, $0x0  }
0xf6: {  	s3 =	rddreg [dreg:$0x2];
	[bflag:$0x3] =	sbarrier.arrive $0xFFFF;
	s2 =	simm.s32 @!p0 $0x1C05  }
0xf7: {  	[timem:s3], [sflag:s2] =	dma.local @!p0 [hbm:s0], s1  }
0xf8: {  	s0 =	simm.s32 @!p0 $0x5  }
0xf9: {  	_ =	swait.ge @!p0 [sflag:s0], s1  }
0xfa: {  	s1 =	ssub.s32 @!p0 $0x0, s1;
	[sflag:s0] =	ssyncset.done @!p0 $0x0  }
0xfb: {  	[sflag:s0] =	ssyncadd.s32 @!p0 s1  }
0xfc: {  	[bflag:$0x3] =	sbarrier.arrive $0xFFFF  }
0xfd: {  	_ =	shalt  }

</sc_bundles>
